<compile_context>
chip_gen: v7x
topology: tpu7x:2x2x1
jax: 0.10.2.dev20260603
libtpu: 0.0.44.dev20260713+nightly
codegen_flags: <defaults>
</compile_context>

<pallas_src>
import jax
import jax.numpy as jnp
from jax import lax
from jax.experimental import pallas as pl
from jax.experimental.pallas import tpu as pltpu
from jax.experimental.pallas import tpu_sc as plsc

BATCH = 16384
D = 64
NC = 2
NS = 16
NW = NC * NS

SC_N = BATCH
SC_PER_W = SC_N // NW
SC_CHUNK = SC_PER_W // 2


def _sc_gather_body(u_hbm, i_hbm, j_hbm, utab_hbm, itab_hbm,
                    ue_hbm, ie_hbm, je_hbm,
                    idx_u, idx_i, idx_j, buf0, buf1,
                    gsem0, gsem1, wsem0, wsem1):
    wid = lax.axis_index("s") * NC + lax.axis_index("c")
    base = wid * SC_PER_W
    pltpu.sync_copy(u_hbm.at[pl.ds(base, SC_PER_W)], idx_u)
    pltpu.sync_copy(i_hbm.at[pl.ds(base, SC_PER_W)], idx_i)
    pltpu.sync_copy(j_hbm.at[pl.ds(base, SC_PER_W)], idx_j)

    bufs = (buf0, buf1)
    gsems = (gsem0, gsem1)
    wsems = (wsem0, wsem1)
    tasks = []
    for idx_ref, out_ref, tab in ((idx_u, ue_hbm, utab_hbm),
                                  (idx_i, ie_hbm, itab_hbm),
                                  (idx_j, je_hbm, itab_hbm)):
        for c in range(SC_PER_W // SC_CHUNK):
            tasks.append((idx_ref, out_ref, tab, c * SC_CHUNK))

    writes = [None] * len(tasks)
    for t, (idx_ref, out_ref, tab, off) in enumerate(tasks):
        b = t % 2
        buf = bufs[b]
        if t >= 2:
            writes[t - 2].wait()

        @pl.loop(0, SC_CHUNK // 16)
        def _grp(g, idx_ref=idx_ref, tab=tab, buf=buf, off=off, b=b):
            k0 = g * 16
            v = idx_ref[pl.ds(off + k0, 16)]
            for l in range(16):
                pltpu.async_copy(tab.at[pl.ds(v[l], 1)],
                                 buf.at[pl.ds(k0 + l, 1)], gsems[b])

        pltpu.make_async_copy(tab.at[pl.ds(0, SC_CHUNK)], buf,
                              gsems[b]).wait()
        writes[t] = pltpu.async_copy(
            buf, out_ref.at[pl.ds(base + off, SC_CHUNK)], wsems[b])
    writes[-2].wait()
    writes[-1].wait()


@jax.jit
def _sc_gather(u, i, j, utab, itab):
    mesh = plsc.VectorSubcoreMesh(core_axis_name="c", subcore_axis_name="s",
                                  num_cores=NC, num_subcores=NS)
    emb = jax.ShapeDtypeStruct((SC_N, D), jnp.float32)
    return pl.kernel(
        _sc_gather_body,
        out_type=(emb, emb, emb),
        mesh=mesh,
        scratch_types=[
            pltpu.VMEM((SC_PER_W,), jnp.int32),
            pltpu.VMEM((SC_PER_W,), jnp.int32),
            pltpu.VMEM((SC_PER_W,), jnp.int32),
            pltpu.VMEM((SC_CHUNK, D), jnp.float32),
            pltpu.VMEM((SC_CHUNK, D), jnp.float32),
            pltpu.SemaphoreType.DMA,
            pltpu.SemaphoreType.DMA,
            pltpu.SemaphoreType.DMA,
            pltpu.SemaphoreType.DMA,
        ],
        compiler_params=pltpu.CompilerParams(skip_device_barrier=True),
    )(u, i, j, utab, itab)


def _mlp_body(ue_ref, ie_ref, je_ref, w1_ref, b1_ref, w2_ref, b2_ref,
              si_ref, sj_ref):
    ue = ue_ref[...]
    h = jnp.dot(ue, w1_ref[...].T, preferred_element_type=jnp.float32)
    h = jnp.maximum(h + b1_ref[...], 0.0)
    h = jnp.dot(h, w2_ref[...].T, preferred_element_type=jnp.float32)
    h = jnp.maximum(h + b2_ref[...], 0.0)
    si_ref[...] = jnp.sum(h * ie_ref[...], axis=1, keepdims=True)
    sj_ref[...] = jnp.sum(h * je_ref[...], axis=1, keepdims=True)


@jax.jit
def _tc_mlp(ue, ie, je, W1, b1, W2, b2):
    n = ue.shape[0]
    rows = 1024
    nblk = n // rows
    emb_spec = pl.BlockSpec((rows, D), lambda b: (b, 0))
    w_spec = pl.BlockSpec((D, D), lambda b: (0, 0))
    b_spec = pl.BlockSpec((1, D), lambda b: (0, 0))
    out_spec = pl.BlockSpec((rows, 1), lambda b: (b, 0))
    si, sj = pl.pallas_call(
        _mlp_body,
        grid=(nblk,),
        in_specs=[emb_spec, emb_spec, emb_spec, w_spec, b_spec, w_spec, b_spec],
        out_specs=[out_spec, out_spec],
        out_shape=[jax.ShapeDtypeStruct((n, 1), jnp.float32)] * 2,
    )(ue, ie, je, W1, b1.reshape(1, D), W2, b2.reshape(1, D))
    return si.reshape(n), sj.reshape(n)


def kernel(u, i, j, user_emb_w, item_emb_w, W1, b1, W2, b2):
    ue, ie, je = _sc_gather(u, i, j, user_emb_w, item_emb_w)
    return _tc_mlp(ue, ie, je, W1, b1, W2, b2)

# --- scband reference (transcript-rebuilt; emitter-appended) ---
"""Pipeline reference for scband-recommendation-model-38972533244598 (READ-ONLY COPY).

The authoritative reference and input builder live on the scoring server;
editing this copy changes nothing except your own understanding.
"""

import jax, jax.numpy as jnp
import numpy as np

USER_COUNT = 1000000
ITEM_COUNT = 1000000
HIDDEN_DIM = 64
BATCH = 16384


def setup_inputs(seed: int = 0) -> dict:
    key = jax.random.key(seed)
    k_u, k_i, k_j, k_ue, k_ie, k_w1, k_b1, k_w2, k_b2 = jax.random.split(key, 9)
    u = jax.random.randint(k_u, (BATCH,), 0, USER_COUNT, dtype=jnp.int64 if jax.config.read('jax_enable_x64') else jnp.int32).astype(jnp.int32)
    i = jax.random.randint(k_i, (BATCH,), 0, ITEM_COUNT).astype(jnp.int32)
    j = jax.random.randint(k_j, (BATCH,), 0, ITEM_COUNT).astype(jnp.int32)
    user_emb_w = jax.random.uniform(k_ue, (USER_COUNT + 1, HIDDEN_DIM), dtype=jnp.float32)
    item_emb_w = jax.random.uniform(k_ie, (ITEM_COUNT + 1, HIDDEN_DIM), dtype=jnp.float32)
    lim = 1.0 / np.sqrt(HIDDEN_DIM)
    W1 = jax.random.uniform(k_w1, (HIDDEN_DIM, HIDDEN_DIM), minval=-lim, maxval=lim, dtype=jnp.float32)
    b1 = jax.random.uniform(k_b1, (HIDDEN_DIM,), minval=-lim, maxval=lim, dtype=jnp.float32)
    W2 = jax.random.uniform(k_w2, (HIDDEN_DIM, HIDDEN_DIM), minval=-lim, maxval=lim, dtype=jnp.float32)
    b2 = jax.random.uniform(k_b2, (HIDDEN_DIM,), minval=-lim, maxval=lim, dtype=jnp.float32)
    return {"u": u, "i": i, "j": j, "user_emb_w": user_emb_w, "item_emb_w": item_emb_w, "W1": W1, "b1": b1, "W2": W2, "b2": b2}


def reference(u, i, j, user_emb_w, item_emb_w, W1, b1, W2, b2):
    u_emb = jnp.take(user_emb_w, u, axis=0)
    i_emb = jnp.take(item_emb_w, i, axis=0)
    j_emb = jnp.take(item_emb_w, j, axis=0)
    h = u_emb @ W1.T + b1
    h = jax.nn.relu(h)
    h = h @ W2.T + b2
    h = jax.nn.relu(h)
    scores_i = jnp.sum(h * i_emb, axis=1)
    scores_j = jnp.sum(h * j_emb, axis=1)
    return (scores_i, scores_j)

if __name__ == "__main__":
    import jax
    _d = setup_inputs()
    print(jax.jit(kernel)(*tuple(_d.values())))

</pallas_src>

<mosaic_0001>
#map = affine_map<(d0, d1) -> (0)>
#map1 = affine_map<(d0, d1) -> (0, 0)>
module attributes {stable_mosaic.version = 14 : i64} {
  func.func @_sc_gather_body(%arg0: i32, %arg1: i32, %arg2: memref<16384xi32, #tpu.memory_space<hbm>>, %arg3: memref<16384xi32, #tpu.memory_space<hbm>>, %arg4: memref<16384xi32, #tpu.memory_space<hbm>>, %arg5: memref<1000001x64xf32, #tpu.memory_space<hbm>>, %arg6: memref<1000001x64xf32, #tpu.memory_space<hbm>>, %arg7: memref<16384x64xf32, #tpu.memory_space<hbm>>, %arg8: memref<16384x64xf32, #tpu.memory_space<hbm>>, %arg9: memref<16384x64xf32, #tpu.memory_space<hbm>>, %arg10: memref<512xi32, #tpu.memory_space<vmem>>, %arg11: memref<512xi32, #tpu.memory_space<vmem>>, %arg12: memref<512xi32, #tpu.memory_space<vmem>>, %arg13: memref<256x64xf32, #tpu.memory_space<vmem>>, %arg14: memref<256x64xf32, #tpu.memory_space<vmem>>, %arg15: memref<!tpu.dma_semaphore, #tpu.memory_space<semaphore_mem>>, %arg16: memref<!tpu.dma_semaphore, #tpu.memory_space<semaphore_mem>>, %arg17: memref<!tpu.dma_semaphore, #tpu.memory_space<semaphore_mem>>, %arg18: memref<!tpu.dma_semaphore, #tpu.memory_space<semaphore_mem>>) attributes {dimension_semantics = [#tpu.dimension_semantics<core_parallel>, #tpu.dimension_semantics<subcore_parallel>], iteration_bounds = array<i64: 2, 16>, scalar_prefetch = 0 : i64, scratch_operands = 9 : i64, tpu.core_type = #tpu.core_type<sc_vector_subcore>, window_params = [{transform_indices = #map}, {transform_indices = #map}, {transform_indices = #map}, {transform_indices = #map1}, {transform_indices = #map1}, {transform_indices = #map1}, {transform_indices = #map1}, {transform_indices = #map1}]} {
    %mul3A = arith.constant 2 : i32
    %mul3A_0 = arith.muli %arg1, %mul3A : i32
    %add3A = arith.addi %mul3A_0, %arg0 : i32
    %mul3A_1 = arith.constant 512 : i32
    %mul3A_2 = arith.muli %add3A, %mul3A_1 : i32
    "tpu.region"() ({
      %run_scoped3A = tpu.sem_alloc : memref<!tpu.dma_semaphore, #tpu.memory_space<semaphore_mem>>
      %dma_start3A_126 = tpu.memref_slice %arg2[%mul3A_2] : memref<16384xi32, #tpu.memory_space<hbm>> -> memref<512xi32, #tpu.memory_space<hbm>>
      %dma_start3A_127 = tpu.memref_slice %arg2[%mul3A_2] : memref<16384xi32, #tpu.memory_space<hbm>> -> memref<512xi32, #tpu.memory_space<hbm>>
      tpu.enqueue_dma source(%dma_start3A_127 : memref<512xi32, #tpu.memory_space<hbm>>) target(%arg10 : memref<512xi32, #tpu.memory_space<vmem>>) target_semaphore(%run_scoped3A : memref<!tpu.dma_semaphore, #tpu.memory_space<semaphore_mem>>)
      %dma_wait3A_128 = tpu.memref_slice %arg2[%mul3A_2] : memref<16384xi32, #tpu.memory_space<hbm>> -> memref<512xi32, #tpu.memory_space<hbm>>
      %dma_wait3A_129 = tpu.memref_slice %arg2[%mul3A_2] : memref<16384xi32, #tpu.memory_space<hbm>> -> memref<512xi32, #tpu.memory_space<hbm>>
      tpu.wait_dma2 semaphore(%run_scoped3A : memref<!tpu.dma_semaphore, #tpu.memory_space<semaphore_mem>>) src(%dma_wait3A_129 : memref<512xi32, #tpu.memory_space<hbm>>) dst(%arg10 : memref<512xi32, #tpu.memory_space<vmem>>)
      tpu.yield
    }) : () -> ()
    "tpu.region"() ({
      %run_scoped3A = tpu.sem_alloc : memref<!tpu.dma_semaphore, #tpu.memory_space<semaphore_mem>>
      %dma_start3A_126 = tpu.memref_slice %arg3[%mul3A_2] : memref<16384xi32, #tpu.memory_space<hbm>> -> memref<512xi32, #tpu.memory_space<hbm>>
      %dma_start3A_127 = tpu.memref_slice %arg3[%mul3A_2] : memref<16384xi32, #tpu.memory_space<hbm>> -> memref<512xi32, #tpu.memory_space<hbm>>
      tpu.enqueue_dma source(%dma_start3A_127 : memref<512xi32, #tpu.memory_space<hbm>>) target(%arg11 : memref<512xi32, #tpu.memory_space<vmem>>) target_semaphore(%run_scoped3A : memref<!tpu.dma_semaphore, #tpu.memory_space<semaphore_mem>>)
      %dma_wait3A_128 = tpu.memref_slice %arg3[%mul3A_2] : memref<16384xi32, #tpu.memory_space<hbm>> -> memref<512xi32, #tpu.memory_space<hbm>>
      %dma_wait3A_129 = tpu.memref_slice %arg3[%mul3A_2] : memref<16384xi32, #tpu.memory_space<hbm>> -> memref<512xi32, #tpu.memory_space<hbm>>
      tpu.wait_dma2 semaphore(%run_scoped3A : memref<!tpu.dma_semaphore, #tpu.memory_space<semaphore_mem>>) src(%dma_wait3A_129 : memref<512xi32, #tpu.memory_space<hbm>>) dst(%arg11 : memref<512xi32, #tpu.memory_space<vmem>>)
      tpu.yield
    }) : () -> ()
    "tpu.region"() ({
      %run_scoped3A = tpu.sem_alloc : memref<!tpu.dma_semaphore, #tpu.memory_space<semaphore_mem>>
      %dma_start3A_126 = tpu.memref_slice %arg4[%mul3A_2] : memref<16384xi32, #tpu.memory_space<hbm>> -> memref<512xi32, #tpu.memory_space<hbm>>
      %dma_start3A_127 = tpu.memref_slice %arg4[%mul3A_2] : memref<16384xi32, #tpu.memory_space<hbm>> -> memref<512xi32, #tpu.memory_space<hbm>>
      tpu.enqueue_dma source(%dma_start3A_127 : memref<512xi32, #tpu.memory_space<hbm>>) target(%arg12 : memref<512xi32, #tpu.memory_space<vmem>>) target_semaphore(%run_scoped3A : memref<!tpu.dma_semaphore, #tpu.memory_space<semaphore_mem>>)
      %dma_wait3A_128 = tpu.memref_slice %arg4[%mul3A_2] : memref<16384xi32, #tpu.memory_space<hbm>> -> memref<512xi32, #tpu.memory_space<hbm>>
      %dma_wait3A_129 = tpu.memref_slice %arg4[%mul3A_2] : memref<16384xi32, #tpu.memory_space<hbm>> -> memref<512xi32, #tpu.memory_space<hbm>>
      tpu.wait_dma2 semaphore(%run_scoped3A : memref<!tpu.dma_semaphore, #tpu.memory_space<semaphore_mem>>) src(%dma_wait3A_129 : memref<512xi32, #tpu.memory_space<hbm>>) dst(%arg12 : memref<512xi32, #tpu.memory_space<vmem>>)
      tpu.yield
    }) : () -> ()
    %scan3A = arith.constant 0 : i32
    %scan3A_3 = arith.constant 16 : i32
    %scan3A_4 = arith.addi %scan3A, %scan3A_3 : i32
    %scan3A_5 = arith.constant 1 : i32
    scf.for %scan3A_126 = %scan3A to %scan3A_4 step %scan3A_5  : i32 {
      %mul3A_127 = arith.constant 1 : i32
      %mul3A_128 = arith.muli %scan3A_126, %mul3A_127 : i32
      %add3A_129 = arith.constant 0 : i32
      %add3A_130 = arith.addi %add3A_129, %mul3A_128 : i32
      %mul3A_131 = arith.constant 16 : i32
      %mul3A_132 = arith.muli %add3A_130, %mul3A_131 : i32
      %add3A_133 = arith.constant 0 : i32
      %add3A_134 = arith.addi %add3A_133, %mul3A_132 : i32
      %get3A = arith.index_cast %add3A_134 : i32 to index
      %get3A_135 = tpu.vector_load %arg10[%get3A] {strides = array<i32>} : memref<512xi32, #tpu.memory_space<vmem>>, vector<16xi32>,
      %get3A_136 = vector.shape_cast %get3A_135 : vector<16xi32> to vector<16xi32>
      %slice3A = vector.extract_strided_slice %get3A_136 {offsets = [0], sizes = [1], strides = [1]} : vector<16xi32> to vector<1xi32>
      %squeeze3A = vector.extract %slice3A[0] : i32 from vector<1xi32>
      %add3A_137 = arith.constant 0 : i32
      %add3A_138 = arith.addi %mul3A_132, %add3A_137 : i32
      %dma_start3A_139 = arith.constant 0 : i32
      %dma_start3A_140 = tpu.memref_slice %arg13[%add3A_138, %dma_start3A_139] : memref<256x64xf32, #tpu.memory_space<vmem>> -> memref<1x64xf32, #tpu.memory_space<vmem>>
      %dma_start3A_141 = arith.constant 0 : i32
      %dma_start3A_142 = tpu.memref_slice %arg5[%squeeze3A, %dma_start3A_141] : memref<1000001x64xf32, #tpu.memory_space<hbm>> -> memref<1x64xf32, #tpu.memory_space<hbm>>
      %dma_start3A_143 = arith.constant 0 : i32
      %dma_start3A_144 = tpu.memref_slice %arg13[%add3A_138, %dma_start3A_143] : memref<256x64xf32, #tpu.memory_space<vmem>> -> memref<1x64xf32, #tpu.memory_space<vmem>>
      %dma_start3A_145 = arith.constant 0 : i32
      %dma_start3A_146 = tpu.memref_slice %arg5[%squeeze3A, %dma_start3A_145] : memref<1000001x64xf32, #tpu.memory_space<hbm>> -> memref<1x64xf32, #tpu.memory_space<hbm>>
      tpu.enqueue_dma source(%dma_start3A_146 : memref<1x64xf32, #tpu.memory_space<hbm>>) target(%dma_start3A_144 : memref<1x64xf32, #tpu.memory_space<vmem>>) target_semaphore(%arg15 : memref<!tpu.dma_semaphore, #tpu.memory_space<semaphore_mem>>)
      %slice3A_147 = vector.extract_strided_slice %get3A_136 {offsets = [1], sizes = [1], strides = [1]} : vector<16xi32> to vector<1xi32>
      %squeeze3A_148 = vector.extract %slice3A_147[0] : i32 from vector<1xi32>
      %add3A_149 = arith.constant 1 : i32
      %add3A_150 = arith.addi %mul3A_132, %add3A_149 : i32
      %dma_start3A_151 = arith.constant 0 : i32
      %dma_start3A_152 = tpu.memref_slice %arg13[%add3A_150, %dma_start3A_151] : memref<256x64xf32, #tpu.memory_space<vmem>> -> memref<1x64xf32, #tpu.memory_space<vmem>>
      %dma_start3A_153 = arith.constant 0 : i32
      %dma_start3A_154 = tpu.memref_slice %arg5[%squeeze3A_148, %dma_start3A_153] : memref<1000001x64xf32, #tpu.memory_space<hbm>> -> memref<1x64xf32, #tpu.memory_space<hbm>>
      %dma_start3A_155 = arith.constant 0 : i32
      %dma_start3A_156 = tpu.memref_slice %arg13[%add3A_150, %dma_start3A_155] : memref<256x64xf32, #tpu.memory_space<vmem>> -> memref<1x64xf32, #tpu.memory_space<vmem>>
      %dma_start3A_157 = arith.constant 0 : i32
      %dma_start3A_158 = tpu.memref_slice %arg5[%squeeze3A_148, %dma_start3A_157] : memref<1000001x64xf32, #tpu.memory_space<hbm>> -> memref<1x64xf32, #tpu.memory_space<hbm>>
      tpu.enqueue_dma source(%dma_start3A_158 : memref<1x64xf32, #tpu.memory_space<hbm>>) target(%dma_start3A_156 : memref<1x64xf32, #tpu.memory_space<vmem>>) target_semaphore(%arg15 : memref<!tpu.dma_semaphore, #tpu.memory_space<semaphore_mem>>)
      %slice3A_159 = vector.extract_strided_slice %get3A_136 {offsets = [2], sizes = [1], strides = [1]} : vector<16xi32> to vector<1xi32>
      %squeeze3A_160 = vector.extract %slice3A_159[0] : i32 from vector<1xi32>
      %add3A_161 = arith.constant 2 : i32
      %add3A_162 = arith.addi %mul3A_132, %add3A_161 : i32
      %dma_start3A_163 = arith.constant 0 : i32
      %dma_start3A_164 = tpu.memref_slice %arg13[%add3A_162, %dma_start3A_163] : memref<256x64xf32, #tpu.memory_space<vmem>> -> memref<1x64xf32, #tpu.memory_space<vmem>>
      %dma_start3A_165 = arith.constant 0 : i32
      %dma_start3A_166 = tpu.memref_slice %arg5[%squeeze3A_160, %dma_start3A_165] : memref<1000001x64xf32, #tpu.memory_space<hbm>> -> memref<1x64xf32, #tpu.memory_space<hbm>>
      %dma_start3A_167 = arith.constant 0 : i32
      %dma_start3A_168 = tpu.memref_slice %arg13[%add3A_162, %dma_start3A_167] : memref<256x64xf32, #tpu.memory_space<vmem>> -> memref<1x64xf32, #tpu.memory_space<vmem>>
      %dma_start3A_169 = arith.constant 0 : i32
      %dma_start3A_170 = tpu.memref_slice %arg5[%squeeze3A_160, %dma_start3A_169] : memref<1000001x64xf32, #tpu.memory_space<hbm>> -> memref<1x64xf32, #tpu.memory_space<hbm>>
      tpu.enqueue_dma source(%dma_start3A_170 : memref<1x64xf32, #tpu.memory_space<hbm>>) target(%dma_start3A_168 : memref<1x64xf32, #tpu.memory_space<vmem>>) target_semaphore(%arg15 : memref<!tpu.dma_semaphore, #tpu.memory_space<semaphore_mem>>)
      %slice3A_171 = vector.extract_strided_slice %get3A_136 {offsets = [3], sizes = [1], strides = [1]} : vector<16xi32> to vector<1xi32>
      %squeeze3A_172 = vector.extract %slice3A_171[0] : i32 from vector<1xi32>
      %add3A_173 = arith.constant 3 : i32
      %add3A_174 = arith.addi %mul3A_132, %add3A_173 : i32
      %dma_start3A_175 = arith.constant 0 : i32
      %dma_start3A_176 = tpu.memref_slice %arg13[%add3A_174, %dma_start3A_175] : memref<256x64xf32, #tpu.memory_space<vmem>> -> memref<1x64xf32, #tpu.memory_space<vmem>>
      %dma_start3A_177 = arith.constant 0 : i32
      %dma_start3A_178 = tpu.memref_slice %arg5[%squeeze3A_172, %dma_start3A_177] : memref<1000001x64xf32, #tpu.memory_space<hbm>> -> memref<1x64xf32, #tpu.memory_space<hbm>>
      %dma_start3A_179 = arith.constant 0 : i32
      %dma_start3A_180 = tpu.memref_slice %arg13[%add3A_174, %dma_start3A_179] : memref<256x64xf32, #tpu.memory_space<vmem>> -> memref<1x64xf32, #tpu.memory_space<vmem>>
      %dma_start3A_181 = arith.constant 0 : i32
      %dma_start3A_182 = tpu.memref_slice %arg5[%squeeze3A_172, %dma_start3A_181] : memref<1000001x64xf32, #tpu.memory_space<hbm>> -> memref<1x64xf32, #tpu.memory_space<hbm>>
      tpu.enqueue_dma source(%dma_start3A_182 : memref<1x64xf32, #tpu.memory_space<hbm>>) target(%dma_start3A_180 : memref<1x64xf32, #tpu.memory_space<vmem>>) target_semaphore(%arg15 : memref<!tpu.dma_semaphore, #tpu.memory_space<semaphore_mem>>)
      %slice3A_183 = vector.extract_strided_slice %get3A_136 {offsets = [4], sizes = [1], strides = [1]} : vector<16xi32> to vector<1xi32>
      %squeeze3A_184 = vector.extract %slice3A_183[0] : i32 from vector<1xi32>
      %add3A_185 = arith.constant 4 : i32
      %add3A_186 = arith.addi %mul3A_132, %add3A_185 : i32
      %dma_start3A_187 = arith.constant 0 : i32
      %dma_start3A_188 = tpu.memref_slice %arg13[%add3A_186, %dma_start3A_187] : memref<256x64xf32, #tpu.memory_space<vmem>> -> memref<1x64xf32, #tpu.memory_space<vmem>>
      %dma_start3A_189 = arith.constant 0 : i32
      %dma_start3A_190 = tpu.memref_slice %arg5[%squeeze3A_184, %dma_start3A_189] : memref<1000001x64xf32, #tpu.memory_space<hbm>> -> memref<1x64xf32, #tpu.memory_space<hbm>>
      %dma_start3A_191 = arith.constant 0 : i32
      %dma_start3A_192 = tpu.memref_slice %arg13[%add3A_186, %dma_start3A_191] : memref<256x64xf32, #tpu.memory_space<vmem>> -> memref<1x64xf32, #tpu.memory_space<vmem>>
      %dma_start3A_193 = arith.constant 0 : i32
      %dma_start3A_194 = tpu.memref_slice %arg5[%squeeze3A_184, %dma_start3A_193] : memref<1000001x64xf32, #tpu.memory_space<hbm>> -> memref<1x64xf32, #tpu.memory_space<hbm>>
      tpu.enqueue_dma source(%dma_start3A_194 : memref<1x64xf32, #tpu.memory_space<hbm>>) target(%dma_start3A_192 : memref<1x64xf32, #tpu.memory_space<vmem>>) target_semaphore(%arg15 : memref<!tpu.dma_semaphore, #tpu.memory_space<semaphore_mem>>)
      %slice3A_195 = vector.extract_strided_slice %get3A_136 {offsets = [5], sizes = [1], strides = [1]} : vector<16xi32> to vector<1xi32>
      %squeeze3A_196 = vector.extract %slice3A_195[0] : i32 from vector<1xi32>
      %add3A_197 = arith.constant 5 : i32
      %add3A_198 = arith.addi %mul3A_132, %add3A_197 : i32
      %dma_start3A_199 = arith.constant 0 : i32
      %dma_start3A_200 = tpu.memref_slice %arg13[%add3A_198, %dma_start3A_199] : memref<256x64xf32, #tpu.memory_space<vmem>> -> memref<1x64xf32, #tpu.memory_space<vmem>>
      %dma_start3A_201 = arith.constant 0 : i32
      %dma_start3A_202 = tpu.memref_slice %arg5[%squeeze3A_196, %dma_start3A_201] : memref<1000001x64xf32, #tpu.memory_space<hbm>> -> memref<1x64xf32, #tpu.memory_space<hbm>>
      %dma_start3A_203 = arith.constant 0 : i32
      %dma_start3A_204 = tpu.memref_slice %arg13[%add3A_198, %dma_start3A_203] : memref<256x64xf32, #tpu.memory_space<vmem>> -> memref<1x64xf32, #tpu.memory_space<vmem>>
      %dma_start3A_205 = arith.constant 0 : i32
      %dma_start3A_206 = tpu.memref_slice %arg5[%squeeze3A_196, %dma_start3A_205] : memref<1000001x64xf32, #tpu.memory_space<hbm>> -> memref<1x64xf32, #tpu.memory_space<hbm>>
      tpu.enqueue_dma source(%dma_start3A_206 : memref<1x64xf32, #tpu.memory_space<hbm>>) target(%dma_start3A_204 : memref<1x64xf32, #tpu.memory_space<vmem>>) target_semaphore(%arg15 : memref<!tpu.dma_semaphore, #tpu.memory_space<semaphore_mem>>)
      %slice3A_207 = vector.extract_strided_slice %get3A_136 {offsets = [6], sizes = [1], strides = [1]} : vector<16xi32> to vector<1xi32>
      %squeeze3A_208 = vector.extract %slice3A_207[0] : i32 from vector<1xi32>
      %add3A_209 = arith.constant 6 : i32
      %add3A_210 = arith.addi %mul3A_132, %add3A_209 : i32
      %dma_start3A_211 = arith.constant 0 : i32
      %dma_start3A_212 = tpu.memref_slice %arg13[%add3A_210, %dma_start3A_211] : memref<256x64xf32, #tpu.memory_space<vmem>> -> memref<1x64xf32, #tpu.memory_space<vmem>>
      %dma_start3A_213 = arith.constant 0 : i32
      %dma_start3A_214 = tpu.memref_slice %arg5[%squeeze3A_208, %dma_start3A_213] : memref<1000001x64xf32, #tpu.memory_space<hbm>> -> memref<1x64xf32, #tpu.memory_space<hbm>>
      %dma_start3A_215 = arith.constant 0 : i32
      %dma_start3A_216 = tpu.memref_slice %arg13[%add3A_210, %dma_start3A_215] : memref<256x64xf32, #tpu.memory_space<vmem>> -> memref<1x64xf32, #tpu.memory_space<vmem>>
      %dma_start3A_217 = arith.constant 0 : i32
      %dma_start3A_218 = tpu.memref_slice %arg5[%squeeze3A_208, %dma_start3A_217] : memref<1000001x64xf32, #tpu.memory_space<hbm>> -> memref<1x64xf32, #tpu.memory_space<hbm>>
      tpu.enqueue_dma source(%dma_start3A_218 : memref<1x64xf32, #tpu.memory_space<hbm>>) target(%dma_start3A_216 : memref<1x64xf32, #tpu.memory_space<vmem>>) target_semaphore(%arg15 : memref<!tpu.dma_semaphore, #tpu.memory_space<semaphore_mem>>)
      %slice3A_219 = vector.extract_strided_slice %get3A_136 {offsets = [7], sizes = [1], strides = [1]} : vector<16xi32> to vector<1xi32>
      %squeeze3A_220 = vector.extract %slice3A_219[0] : i32 from vector<1xi32>
      %add3A_221 = arith.constant 7 : i32
      %add3A_222 = arith.addi %mul3A_132, %add3A_221 : i32
      %dma_start3A_223 = arith.constant 0 : i32
      %dma_start3A_224 = tpu.memref_slice %arg13[%add3A_222, %dma_start3A_223] : memref<256x64xf32, #tpu.memory_space<vmem>> -> memref<1x64xf32, #tpu.memory_space<vmem>>
      %dma_start3A_225 = arith.constant 0 : i32
      %dma_start3A_226 = tpu.memref_slice %arg5[%squeeze3A_220, %dma_start3A_225] : memref<1000001x64xf32, #tpu.memory_space<hbm>> -> memref<1x64xf32, #tpu.memory_space<hbm>>
      %dma_start3A_227 = arith.constant 0 : i32
      %dma_start3A_228 = tpu.memref_slice %arg13[%add3A_222, %dma_start3A_227] : memref<256x64xf32, #tpu.memory_space<vmem>> -> memref<1x64xf32, #tpu.memory_space<vmem>>
      %dma_start3A_229 = arith.constant 0 : i32
      %dma_start3A_230 = tpu.memref_slice %arg5[%squeeze3A_220, %dma_start3A_229] : memref<1000001x64xf32, #tpu.memory_space<hbm>> -> memref<1x64xf32, #tpu.memory_space<hbm>>
      tpu.enqueue_dma source(%dma_start3A_230 : memref<1x64xf32, #tpu.memory_space<hbm>>) target(%dma_start3A_228 : memref<1x64xf32, #tpu.memory_space<vmem>>) target_semaphore(%arg15 : memref<!tpu.dma_semaphore, #tpu.memory_space<semaphore_mem>>)
      %slice3A_231 = vector.extract_strided_slice %get3A_136 {offsets = [8], sizes = [1], strides = [1]} : vector<16xi32> to vector<1xi32>
      %squeeze3A_232 = vector.extract %slice3A_231[0] : i32 from vector<1xi32>
      %add3A_233 = arith.constant 8 : i32
      %add3A_234 = arith.addi %mul3A_132, %add3A_233 : i32
      %dma_start3A_235 = arith.constant 0 : i32
      %dma_start3A_236 = tpu.memref_slice %arg13[%add3A_234, %dma_start3A_235] : memref<256x64xf32, #tpu.memory_space<vmem>> -> memref<1x64xf32, #tpu.memory_space<vmem>>
      %dma_start3A_237 = arith.constant 0 : i32
      %dma_start3A_238 = tpu.memref_slice %arg5[%squeeze3A_232, %dma_start3A_237] : memref<1000001x64xf32, #tpu.memory_space<hbm>> -> memref<1x64xf32, #tpu.memory_space<hbm>>
      %dma_start3A_239 = arith.constant 0 : i32
      %dma_start3A_240 = tpu.memref_slice %arg13[%add3A_234, %dma_start3A_239] : memref<256x64xf32, #tpu.memory_space<vmem>> -> memref<1x64xf32, #tpu.memory_space<vmem>>
      %dma_start3A_241 = arith.constant 0 : i32
      %dma_start3A_242 = tpu.memref_slice %arg5[%squeeze3A_232, %dma_start3A_241] : memref<1000001x64xf32, #tpu.memory_space<hbm>> -> memref<1x64xf32, #tpu.memory_space<hbm>>
      tpu.enqueue_dma source(%dma_start3A_242 : memref<1x64xf32, #tpu.memory_space<hbm>>) target(%dma_start3A_240 : memref<1x64xf32, #tpu.memory_space<vmem>>) target_semaphore(%arg15 : memref<!tpu.dma_semaphore, #tpu.memory_space<semaphore_mem>>)
      %slice3A_243 = vector.extract_strided_slice %get3A_136 {offsets = [9], sizes = [1], strides = [1]} : vector<16xi32> to vector<1xi32>
      %squeeze3A_244 = vector.extract %slice3A_243[0] : i32 from vector<1xi32>
      %add3A_245 = arith.constant 9 : i32
      %add3A_246 = arith.addi %mul3A_132, %add3A_245 : i32
      %dma_start3A_247 = arith.constant 0 : i32
      %dma_start3A_248 = tpu.memref_slice %arg13[%add3A_246, %dma_start3A_247] : memref<256x64xf32, #tpu.memory_space<vmem>> -> memref<1x64xf32, #tpu.memory_space<vmem>>
      %dma_start3A_249 = arith.constant 0 : i32
      %dma_start3A_250 = tpu.memref_slice %arg5[%squeeze3A_244, %dma_start3A_249] : memref<1000001x64xf32, #tpu.memory_space<hbm>> -> memref<1x64xf32, #tpu.memory_space<hbm>>
      %dma_start3A_251 = arith.constant 0 : i32
      %dma_start3A_252 = tpu.memref_slice %arg13[%add3A_246, %dma_start3A_251] : memref<256x64xf32, #tpu.memory_space<vmem>> -> memref<1x64xf32, #tpu.memory_space<vmem>>
      %dma_start3A_253 = arith.constant 0 : i32
      %dma_start3A_254 = tpu.memref_slice %arg5[%squeeze3A_244, %dma_start3A_253] : memref<1000001x64xf32, #tpu.memory_space<hbm>> -> memref<1x64xf32, #tpu.memory_space<hbm>>
      tpu.enqueue_dma source(%dma_start3A_254 : memref<1x64xf32, #tpu.memory_space<hbm>>) target(%dma_start3A_252 : memref<1x64xf32, #tpu.memory_space<vmem>>) target_semaphore(%arg15 : memref<!tpu.dma_semaphore, #tpu.memory_space<semaphore_mem>>)
      %slice3A_255 = vector.extract_strided_slice %get3A_136 {offsets = [10], sizes = [1], strides = [1]} : vector<16xi32> to vector<1xi32>
      %squeeze3A_256 = vector.extract %slice3A_255[0] : i32 from vector<1xi32>
      %add3A_257 = arith.constant 10 : i32
      %add3A_258 = arith.addi %mul3A_132, %add3A_257 : i32
      %dma_start3A_259 = arith.constant 0 : i32
      %dma_start3A_260 = tpu.memref_slice %arg13[%add3A_258, %dma_start3A_259] : memref<256x64xf32, #tpu.memory_space<vmem>> -> memref<1x64xf32, #tpu.memory_space<vmem>>
      %dma_start3A_261 = arith.constant 0 : i32
      %dma_start3A_262 = tpu.memref_slice %arg5[%squeeze3A_256, %dma_start3A_261] : memref<1000001x64xf32, #tpu.memory_space<hbm>> -> memref<1x64xf32, #tpu.memory_space<hbm>>
      %dma_start3A_263 = arith.constant 0 : i32
      %dma_start3A_264 = tpu.memref_slice %arg13[%add3A_258, %dma_start3A_263] : memref<256x64xf32, #tpu.memory_space<vmem>> -> memref<1x64xf32, #tpu.memory_space<vmem>>
      %dma_start3A_265 = arith.constant 0 : i32
      %dma_start3A_266 = tpu.memref_slice %arg5[%squeeze3A_256, %dma_start3A_265] : memref<1000001x64xf32, #tpu.memory_space<hbm>> -> memref<1x64xf32, #tpu.memory_space<hbm>>
      tpu.enqueue_dma source(%dma_start3A_266 : memref<1x64xf32, #tpu.memory_space<hbm>>) target(%dma_start3A_264 : memref<1x64xf32, #tpu.memory_space<vmem>>) target_semaphore(%arg15 : memref<!tpu.dma_semaphore, #tpu.memory_space<semaphore_mem>>)
      %slice3A_267 = vector.extract_strided_slice %get3A_136 {offsets = [11], sizes = [1], strides = [1]} : vector<16xi32> to vector<1xi32>
      %squeeze3A_268 = vector.extract %slice3A_267[0] : i32 from vector<1xi32>
      %add3A_269 = arith.constant 11 : i32
      %add3A_270 = arith.addi %mul3A_132, %add3A_269 : i32
      %dma_start3A_271 = arith.constant 0 : i32
      %dma_start3A_272 = tpu.memref_slice %arg13[%add3A_270, %dma_start3A_271] : memref<256x64xf32, #tpu.memory_space<vmem>> -> memref<1x64xf32, #tpu.memory_space<vmem>>
      %dma_start3A_273 = arith.constant 0 : i32
      %dma_start3A_274 = tpu.memref_slice %arg5[%squeeze3A_268, %dma_start3A_273] : memref<1000001x64xf32, #tpu.memory_space<hbm>> -> memref<1x64xf32, #tpu.memory_space<hbm>>
      %dma_start3A_275 = arith.constant 0 : i32
      %dma_start3A_276 = tpu.memref_slice %arg13[%add3A_270, %dma_start3A_275] : memref<256x64xf32, #tpu.memory_space<vmem>> -> memref<1x64xf32, #tpu.memory_space<vmem>>
      %dma_start3A_277 = arith.constant 0 : i32
      %dma_start3A_278 = tpu.memref_slice %arg5[%squeeze3A_268, %dma_start3A_277] : memref<1000001x64xf32, #tpu.memory_space<hbm>> -> memref<1x64xf32, #tpu.memory_space<hbm>>
      tpu.enqueue_dma source(%dma_start3A_278 : memref<1x64xf32, #tpu.memory_space<hbm>>) target(%dma_start3A_276 : memref<1x64xf32, #tpu.memory_space<vmem>>) target_semaphore(%arg15 : memref<!tpu.dma_semaphore, #tpu.memory_space<semaphore_mem>>)
      %slice3A_279 = vector.extract_strided_slice %get3A_136 {offsets = [12], sizes = [1], strides = [1]} : vector<16xi32> to vector<1xi32>
      %squeeze3A_280 = vector.extract %slice3A_279[0] : i32 from vector<1xi32>
      %add3A_281 = arith.constant 12 : i32
      %add3A_282 = arith.addi %mul3A_132, %add3A_281 : i32
      %dma_start3A_283 = arith.constant 0 : i32
      %dma_start3A_284 = tpu.memref_slice %arg13[%add3A_282, %dma_start3A_283] : memref<256x64xf32, #tpu.memory_space<vmem>> -> memref<1x64xf32, #tpu.memory_space<vmem>>
      %dma_start3A_285 = arith.constant 0 : i32
      %dma_start3A_286 = tpu.memref_slice %arg5[%squeeze3A_280, %dma_start3A_285] : memref<1000001x64xf32, #tpu.memory_space<hbm>> -> memref<1x64xf32, #tpu.memory_space<hbm>>
      %dma_start3A_287 = arith.constant 0 : i32
      %dma_start3A_288 = tpu.memref_slice %arg13[%add3A_282, %dma_start3A_287] : memref<256x64xf32, #tpu.memory_space<vmem>> -> memref<1x64xf32, #tpu.memory_space<vmem>>
      %dma_start3A_289 = arith.constant 0 : i32
      %dma_start3A_290 = tpu.memref_slice %arg5[%squeeze3A_280, %dma_start3A_289] : memref<1000001x64xf32, #tpu.memory_space<hbm>> -> memref<1x64xf32, #tpu.memory_space<hbm>>
      tpu.enqueue_dma source(%dma_start3A_290 : memref<1x64xf32, #tpu.memory_space<hbm>>) target(%dma_start3A_288 : memref<1x64xf32, #tpu.memory_space<vmem>>) target_semaphore(%arg15 : memref<!tpu.dma_semaphore, #tpu.memory_space<semaphore_mem>>)
      %slice3A_291 = vector.extract_strided_slice %get3A_136 {offsets = [13], sizes = [1], strides = [1]} : vector<16xi32> to vector<1xi32>
      %squeeze3A_292 = vector.extract %slice3A_291[0] : i32 from vector<1xi32>
      %add3A_293 = arith.constant 13 : i32
      %add3A_294 = arith.addi %mul3A_132, %add3A_293 : i32
      %dma_start3A_295 = arith.constant 0 : i32
      %dma_start3A_296 = tpu.memref_slice %arg13[%add3A_294, %dma_start3A_295] : memref<256x64xf32, #tpu.memory_space<vmem>> -> memref<1x64xf32, #tpu.memory_space<vmem>>
      %dma_start3A_297 = arith.constant 0 : i32
      %dma_start3A_298 = tpu.memref_slice %arg5[%squeeze3A_292, %dma_start3A_297] : memref<1000001x64xf32, #tpu.memory_space<hbm>> -> memref<1x64xf32, #tpu.memory_space<hbm>>
      %dma_start3A_299 = arith.constant 0 : i32
      %dma_start3A_300 = tpu.memref_slice %arg13[%add3A_294, %dma_start3A_299] : memref<256x64xf32, #tpu.memory_space<vmem>> -> memref<1x64xf32, #tpu.memory_space<vmem>>
      %dma_start3A_301 = arith.constant 0 : i32
      %dma_start3A_302 = tpu.memref_slice %arg5[%squeeze3A_292, %dma_start3A_301] : memref<1000001x64xf32, #tpu.memory_space<hbm>> -> memref<1x64xf32, #tpu.memory_space<hbm>>
      tpu.enqueue_dma source(%dma_start3A_302 : memref<1x64xf32, #tpu.memory_space<hbm>>) target(%dma_start3A_300 : memref<1x64xf32, #tpu.memory_space<vmem>>) target_semaphore(%arg15 : memref<!tpu.dma_semaphore, #tpu.memory_space<semaphore_mem>>)
      %slice3A_303 = vector.extract_strided_slice %get3A_136 {offsets = [14], sizes = [1], strides = [1]} : vector<16xi32> to vector<1xi32>
      %squeeze3A_304 = vector.extract %slice3A_303[0] : i32 from vector<1xi32>
      %add3A_305 = arith.constant 14 : i32
      %add3A_306 = arith.addi %mul3A_132, %add3A_305 : i32
      %dma_start3A_307 = arith.constant 0 : i32
      %dma_start3A_308 = tpu.memref_slice %arg13[%add3A_306, %dma_start3A_307] : memref<256x64xf32, #tpu.memory_space<vmem>> -> memref<1x64xf32, #tpu.memory_space<vmem>>
      %dma_start3A_309 = arith.constant 0 : i32
      %dma_start3A_310 = tpu.memref_slice %arg5[%squeeze3A_304, %dma_start3A_309] : memref<1000001x64xf32, #tpu.memory_space<hbm>> -> memref<1x64xf32, #tpu.memory_space<hbm>>
      %dma_start3A_311 = arith.constant 0 : i32
      %dma_start3A_312 = tpu.memref_slice %arg13[%add3A_306, %dma_start3A_311] : memref<256x64xf32, #tpu.memory_space<vmem>> -> memref<1x64xf32, #tpu.memory_space<vmem>>
      %dma_start3A_313 = arith.constant 0 : i32
      %dma_start3A_314 = tpu.memref_slice %arg5[%squeeze3A_304, %dma_start3A_313] : memref<1000001x64xf32, #tpu.memory_space<hbm>> -> memref<1x64xf32, #tpu.memory_space<hbm>>
      tpu.enqueue_dma source(%dma_start3A_314 : memref<1x64xf32, #tpu.memory_space<hbm>>) target(%dma_start3A_312 : memref<1x64xf32, #tpu.memory_space<vmem>>) target_semaphore(%arg15 : memref<!tpu.dma_semaphore, #tpu.memory_space<semaphore_mem>>)
      %slice3A_315 = vector.extract_strided_slice %get3A_136 {offsets = [15], sizes = [1], strides = [1]} : vector<16xi32> to vector<1xi32>
      %squeeze3A_316 = vector.extract %slice3A_315[0] : i32 from vector<1xi32>
      %add3A_317 = arith.constant 15 : i32
      %add3A_318 = arith.addi %mul3A_132, %add3A_317 : i32
      %dma_start3A_319 = arith.constant 0 : i32
      %dma_start3A_320 = tpu.memref_slice %arg13[%add3A_318, %dma_start3A_319] : memref<256x64xf32, #tpu.memory_space<vmem>> -> memref<1x64xf32, #tpu.memory_space<vmem>>
      %dma_start3A_321 = arith.constant 0 : i32
      %dma_start3A_322 = tpu.memref_slice %arg5[%squeeze3A_316, %dma_start3A_321] : memref<1000001x64xf32, #tpu.memory_space<hbm>> -> memref<1x64xf32, #tpu.memory_space<hbm>>
      %dma_start3A_323 = arith.constant 0 : i32
      %dma_start3A_324 = tpu.memref_slice %arg13[%add3A_318, %dma_start3A_323] : memref<256x64xf32, #tpu.memory_space<vmem>> -> memref<1x64xf32, #tpu.memory_space<vmem>>
      %dma_start3A_325 = arith.constant 0 : i32
      %dma_start3A_326 = tpu.memref_slice %arg5[%squeeze3A_316, %dma_start3A_325] : memref<1000001x64xf32, #tpu.memory_space<hbm>> -> memref<1x64xf32, #tpu.memory_space<hbm>>
      tpu.enqueue_dma source(%dma_start3A_326 : memref<1x64xf32, #tpu.memory_space<hbm>>) target(%dma_start3A_324 : memref<1x64xf32, #tpu.memory_space<vmem>>) target_semaphore(%arg15 : memref<!tpu.dma_semaphore, #tpu.memory_space<semaphore_mem>>)
    }
    %scan3A_6 = arith.constant 16 : i32
    %dma_wait3A = arith.constant 0 : i32
    %dma_wait3A_7 = arith.constant 0 : i32
    %dma_wait3A_8 = tpu.memref_slice %arg5[%dma_wait3A, %dma_wait3A_7] : memref<1000001x64xf32, #tpu.memory_space<hbm>> -> memref<256x64xf32, #tpu.memory_space<hbm>>
    %dma_wait3A_9 = arith.constant 0 : i32
    %dma_wait3A_10 = arith.constant 0 : i32
    %dma_wait3A_11 = tpu.memref_slice %arg5[%dma_wait3A_9, %dma_wait3A_10] : memref<1000001x64xf32, #tpu.memory_space<hbm>> -> memref<256x64xf32, #tpu.memory_space<hbm>>
    tpu.wait_dma2 semaphore(%arg15 : memref<!tpu.dma_semaphore, #tpu.memory_space<semaphore_mem>>) src(%dma_wait3A_11 : memref<256x64xf32, #tpu.memory_space<hbm>>) dst(%arg13 : memref<256x64xf32, #tpu.memory_space<vmem>>)
    %add3A_12 = arith.constant 0 : i32
    %add3A_13 = arith.addi %mul3A_2, %add3A_12 : i32
    %dma_start3A = arith.constant 0 : i32
    %dma_start3A_14 = tpu.memref_slice %arg7[%add3A_13, %dma_start3A] : memref<16384x64xf32, #tpu.memory_space<hbm>> -> memref<256x64xf32, #tpu.memory_space<hbm>>
    %dma_start3A_15 = arith.constant 0 : i32
    %dma_start3A_16 = tpu.memref_slice %arg7[%add3A_13, %dma_start3A_15] : memref<16384x64xf32, #tpu.memory_space<hbm>> -> memref<256x64xf32, #tpu.memory_space<hbm>>
    tpu.enqueue_dma source(%arg13 : memref<256x64xf32, #tpu.memory_space<vmem>>) target(%dma_start3A_16 : memref<256x64xf32, #tpu.memory_space<hbm>>) target_semaphore(%arg17 : memref<!tpu.dma_semaphore, #tpu.memory_space<semaphore_mem>>)
    %scan3A_17 = arith.constant 0 : i32
    %scan3A_18 = arith.constant 16 : i32
    %scan3A_19 = arith.addi %scan3A_17, %scan3A_18 : i32
    %scan3A_20 = arith.constant 1 : i32
    scf.for %scan3A_126 = %scan3A_17 to %scan3A_19 step %scan3A_20  : i32 {
      %mul3A_127 = arith.constant 1 : i32
      %mul3A_128 = arith.muli %scan3A_126, %mul3A_127 : i32
      %add3A_129 = arith.constant 0 : i32
      %add3A_130 = arith.addi %add3A_129, %mul3A_128 : i32
      %mul3A_131 = arith.constant 16 : i32
      %mul3A_132 = arith.muli %add3A_130, %mul3A_131 : i32
      %add3A_133 = arith.constant 256 : i32
      %add3A_134 = arith.addi %add3A_133, %mul3A_132 : i32
      %get3A = arith.index_cast %add3A_134 : i32 to index
      %get3A_135 = tpu.vector_load %arg10[%get3A] {strides = array<i32>} : memref<512xi32, #tpu.memory_space<vmem>>, vector<16xi32>,
      %get3A_136 = vector.shape_cast %get3A_135 : vector<16xi32> to vector<16xi32>
      %slice3A = vector.extract_strided_slice %get3A_136 {offsets = [0], sizes = [1], strides = [1]} : vector<16xi32> to vector<1xi32>
      %squeeze3A = vector.extract %slice3A[0] : i32 from vector<1xi32>
      %add3A_137 = arith.constant 0 : i32
      %add3A_138 = arith.addi %mul3A_132, %add3A_137 : i32
      %dma_start3A_139 = arith.constant 0 : i32
      %dma_start3A_140 = tpu.memref_slice %arg14[%add3A_138, %dma_start3A_139] : memref<256x64xf32, #tpu.memory_space<vmem>> -> memref<1x64xf32, #tpu.memory_space<vmem>>
      %dma_start3A_141 = arith.constant 0 : i32
      %dma_start3A_142 = tpu.memref_slice %arg5[%squeeze3A, %dma_start3A_141] : memref<1000001x64xf32, #tpu.memory_space<hbm>> -> memref<1x64xf32, #tpu.memory_space<hbm>>
      %dma_start3A_143 = arith.constant 0 : i32
      %dma_start3A_144 = tpu.memref_slice %arg14[%add3A_138, %dma_start3A_143] : memref<256x64xf32, #tpu.memory_space<vmem>> -> memref<1x64xf32, #tpu.memory_space<vmem>>
      %dma_start3A_145 = arith.constant 0 : i32
      %dma_start3A_146 = tpu.memref_slice %arg5[%squeeze3A, %dma_start3A_145] : memref<1000001x64xf32, #tpu.memory_space<hbm>> -> memref<1x64xf32, #tpu.memory_space<hbm>>
      tpu.enqueue_dma source(%dma_start3A_146 : memref<1x64xf32, #tpu.memory_space<hbm>>) target(%dma_start3A_144 : memref<1x64xf32, #tpu.memory_space<vmem>>) target_semaphore(%arg16 : memref<!tpu.dma_semaphore, #tpu.memory_space<semaphore_mem>>)
      %slice3A_147 = vector.extract_strided_slice %get3A_136 {offsets = [1], sizes = [1], strides = [1]} : vector<16xi32> to vector<1xi32>
      %squeeze3A_148 = vector.extract %slice3A_147[0] : i32 from vector<1xi32>
      %add3A_149 = arith.constant 1 : i32
      %add3A_150 = arith.addi %mul3A_132, %add3A_149 : i32
      %dma_start3A_151 = arith.constant 0 : i32
      %dma_start3A_152 = tpu.memref_slice %arg14[%add3A_150, %dma_start3A_151] : memref<256x64xf32, #tpu.memory_space<vmem>> -> memref<1x64xf32, #tpu.memory_space<vmem>>
      %dma_start3A_153 = arith.constant 0 : i32
      %dma_start3A_154 = tpu.memref_slice %arg5[%squeeze3A_148, %dma_start3A_153] : memref<1000001x64xf32, #tpu.memory_space<hbm>> -> memref<1x64xf32, #tpu.memory_space<hbm>>
      %dma_start3A_155 = arith.constant 0 : i32
      %dma_start3A_156 = tpu.memref_slice %arg14[%add3A_150, %dma_start3A_155] : memref<256x64xf32, #tpu.memory_space<vmem>> -> memref<1x64xf32, #tpu.memory_space<vmem>>
      %dma_start3A_157 = arith.constant 0 : i32
      %dma_start3A_158 = tpu.memref_slice %arg5[%squeeze3A_148, %dma_start3A_157] : memref<1000001x64xf32, #tpu.memory_space<hbm>> -> memref<1x64xf32, #tpu.memory_space<hbm>>
      tpu.enqueue_dma source(%dma_start3A_158 : memref<1x64xf32, #tpu.memory_space<hbm>>) target(%dma_start3A_156 : memref<1x64xf32, #tpu.memory_space<vmem>>) target_semaphore(%arg16 : memref<!tpu.dma_semaphore, #tpu.memory_space<semaphore_mem>>)
      %slice3A_159 = vector.extract_strided_slice %get3A_136 {offsets = [2], sizes = [1], strides = [1]} : vector<16xi32> to vector<1xi32>
      %squeeze3A_160 = vector.extract %slice3A_159[0] : i32 from vector<1xi32>
      %add3A_161 = arith.constant 2 : i32
      %add3A_162 = arith.addi %mul3A_132, %add3A_161 : i32
      %dma_start3A_163 = arith.constant 0 : i32
      %dma_start3A_164 = tpu.memref_slice %arg14[%add3A_162, %dma_start3A_163] : memref<256x64xf32, #tpu.memory_space<vmem>> -> memref<1x64xf32, #tpu.memory_space<vmem>>
      %dma_start3A_165 = arith.constant 0 : i32
      %dma_start3A_166 = tpu.memref_slice %arg5[%squeeze3A_160, %dma_start3A_165] : memref<1000001x64xf32, #tpu.memory_space<hbm>> -> memref<1x64xf32, #tpu.memory_space<hbm>>
      %dma_start3A_167 = arith.constant 0 : i32
      %dma_start3A_168 = tpu.memref_slice %arg14[%add3A_162, %dma_start3A_167] : memref<256x64xf32, #tpu.memory_space<vmem>> -> memref<1x64xf32, #tpu.memory_space<vmem>>
      %dma_start3A_169 = arith.constant 0 : i32
      %dma_start3A_170 = tpu.memref_slice %arg5[%squeeze3A_160, %dma_start3A_169] : memref<1000001x64xf32, #tpu.memory_space<hbm>> -> memref<1x64xf32, #tpu.memory_space<hbm>>
      tpu.enqueue_dma source(%dma_start3A_170 : memref<1x64xf32, #tpu.memory_space<hbm>>) target(%dma_start3A_168 : memref<1x64xf32, #tpu.memory_space<vmem>>) target_semaphore(%arg16 : memref<!tpu.dma_semaphore, #tpu.memory_space<semaphore_mem>>)
      %slice3A_171 = vector.extract_strided_slice %get3A_136 {offsets = [3], sizes = [1], strides = [1]} : vector<16xi32> to vector<1xi32>
      %squeeze3A_172 = vector.extract %slice3A_171[0] : i32 from vector<1xi32>
      %add3A_173 = arith.constant 3 : i32
      %add3A_174 = arith.addi %mul3A_132, %add3A_173 : i32
      %dma_start3A_175 = arith.constant 0 : i32
      %dma_start3A_176 = tpu.memref_slice %arg14[%add3A_174, %dma_start3A_175] : memref<256x64xf32, #tpu.memory_space<vmem>> -> memref<1x64xf32, #tpu.memory_space<vmem>>
      %dma_start3A_177 = arith.constant 0 : i32
      %dma_start3A_178 = tpu.memref_slice %arg5[%squeeze3A_172, %dma_start3A_177] : memref<1000001x64xf32, #tpu.memory_space<hbm>> -> memref<1x64xf32, #tpu.memory_space<hbm>>
      %dma_start3A_179 = arith.constant 0 : i32
      %dma_start3A_180 = tpu.memref_slice %arg14[%add3A_174, %dma_start3A_179] : memref<256x64xf32, #tpu.memory_space<vmem>> -> memref<1x64xf32, #tpu.memory_space<vmem>>
      %dma_start3A_181 = arith.constant 0 : i32
      %dma_start3A_182 = tpu.memref_slice %arg5[%squeeze3A_172, %dma_start3A_181] : memref<1000001x64xf32, #tpu.memory_space<hbm>> -> memref<1x64xf32, #tpu.memory_space<hbm>>
      tpu.enqueue_dma source(%dma_start3A_182 : memref<1x64xf32, #tpu.memory_space<hbm>>) target(%dma_start3A_180 : memref<1x64xf32, #tpu.memory_space<vmem>>) target_semaphore(%arg16 : memref<!tpu.dma_semaphore, #tpu.memory_space<semaphore_mem>>)
      %slice3A_183 = vector.extract_strided_slice %get3A_136 {offsets = [4], sizes = [1], strides = [1]} : vector<16xi32> to vector<1xi32>
      %squeeze3A_184 = vector.extract %slice3A_183[0] : i32 from vector<1xi32>
      %add3A_185 = arith.constant 4 : i32
      %add3A_186 = arith.addi %mul3A_132, %add3A_185 : i32
      %dma_start3A_187 = arith.constant 0 : i32
      %dma_start3A_188 = tpu.memref_slice %arg14[%add3A_186, %dma_start3A_187] : memref<256x64xf32, #tpu.memory_space<vmem>> -> memref<1x64xf32, #tpu.memory_space<vmem>>
      %dma_start3A_189 = arith.constant 0 : i32
      %dma_start3A_190 = tpu.memref_slice %arg5[%squeeze3A_184, %dma_start3A_189] : memref<1000001x64xf32, #tpu.memory_space<hbm>> -> memref<1x64xf32, #tpu.memory_space<hbm>>
      %dma_start3A_191 = arith.constant 0 : i32
      %dma_start3A_192 = tpu.memref_slice %arg14[%add3A_186, %dma_start3A_191] : memref<256x64xf32, #tpu.memory_space<vmem>> -> memref<1x64xf32, #tpu.memory_space<vmem>>
      %dma_start3A_193 = arith.constant 0 : i32
      %dma_start3A_194 = tpu.memref_slice %arg5[%squeeze3A_184, %dma_start3A_193] : memref<1000001x64xf32, #tpu.memory_space<hbm>> -> memref<1x64xf32, #tpu.memory_space<hbm>>
      tpu.enqueue_dma source(%dma_start3A_194 : memref<1x64xf32, #tpu.memory_space<hbm>>) target(%dma_start3A_192 : memref<1x64xf32, #tpu.memory_space<vmem>>) target_semaphore(%arg16 : memref<!tpu.dma_semaphore, #tpu.memory_space<semaphore_mem>>)
      %slice3A_195 = vector.extract_strided_slice %get3A_136 {offsets = [5], sizes = [1], strides = [1]} : vector<16xi32> to vector<1xi32>
      %squeeze3A_196 = vector.extract %slice3A_195[0] : i32 from vector<1xi32>
      %add3A_197 = arith.constant 5 : i32
      %add3A_198 = arith.addi %mul3A_132, %add3A_197 : i32
      %dma_start3A_199 = arith.constant 0 : i32
      %dma_start3A_200 = tpu.memref_slice %arg14[%add3A_198, %dma_start3A_199] : memref<256x64xf32, #tpu.memory_space<vmem>> -> memref<1x64xf32, #tpu.memory_space<vmem>>
      %dma_start3A_201 = arith.constant 0 : i32
      %dma_start3A_202 = tpu.memref_slice %arg5[%squeeze3A_196, %dma_start3A_201] : memref<1000001x64xf32, #tpu.memory_space<hbm>> -> memref<1x64xf32, #tpu.memory_space<hbm>>
      %dma_start3A_203 = arith.constant 0 : i32
      %dma_start3A_204 = tpu.memref_slice %arg14[%add3A_198, %dma_start3A_203] : memref<256x64xf32, #tpu.memory_space<vmem>> -> memref<1x64xf32, #tpu.memory_space<vmem>>
      %dma_start3A_205 = arith.constant 0 : i32
      %dma_start3A_206 = tpu.memref_slice %arg5[%squeeze3A_196, %dma_start3A_205] : memref<1000001x64xf32, #tpu.memory_space<hbm>> -> memref<1x64xf32, #tpu.memory_space<hbm>>
      tpu.enqueue_dma source(%dma_start3A_206 : memref<1x64xf32, #tpu.memory_space<hbm>>) target(%dma_start3A_204 : memref<1x64xf32, #tpu.memory_space<vmem>>) target_semaphore(%arg16 : memref<!tpu.dma_semaphore, #tpu.memory_space<semaphore_mem>>)
      %slice3A_207 = vector.extract_strided_slice %get3A_136 {offsets = [6], sizes = [1], strides = [1]} : vector<16xi32> to vector<1xi32>
      %squeeze3A_208 = vector.extract %slice3A_207[0] : i32 from vector<1xi32>
      %add3A_209 = arith.constant 6 : i32
      %add3A_210 = arith.addi %mul3A_132, %add3A_209 : i32
      %dma_start3A_211 = arith.constant 0 : i32
      %dma_start3A_212 = tpu.memref_slice %arg14[%add3A_210, %dma_start3A_211] : memref<256x64xf32, #tpu.memory_space<vmem>> -> memref<1x64xf32, #tpu.memory_space<vmem>>
      %dma_start3A_213 = arith.constant 0 : i32
      %dma_start3A_214 = tpu.memref_slice %arg5[%squeeze3A_208, %dma_start3A_213] : memref<1000001x64xf32, #tpu.memory_space<hbm>> -> memref<1x64xf32, #tpu.memory_space<hbm>>
      %dma_start3A_215 = arith.constant 0 : i32
      %dma_start3A_216 = tpu.memref_slice %arg14[%add3A_210, %dma_start3A_215] : memref<256x64xf32, #tpu.memory_space<vmem>> -> memref<1x64xf32, #tpu.memory_space<vmem>>
      %dma_start3A_217 = arith.constant 0 : i32
      %dma_start3A_218 = tpu.memref_slice %arg5[%squeeze3A_208, %dma_start3A_217] : memref<1000001x64xf32, #tpu.memory_space<hbm>> -> memref<1x64xf32, #tpu.memory_space<hbm>>
      tpu.enqueue_dma source(%dma_start3A_218 : memref<1x64xf32, #tpu.memory_space<hbm>>) target(%dma_start3A_216 : memref<1x64xf32, #tpu.memory_space<vmem>>) target_semaphore(%arg16 : memref<!tpu.dma_semaphore, #tpu.memory_space<semaphore_mem>>)
      %slice3A_219 = vector.extract_strided_slice %get3A_136 {offsets = [7], sizes = [1], strides = [1]} : vector<16xi32> to vector<1xi32>
      %squeeze3A_220 = vector.extract %slice3A_219[0] : i32 from vector<1xi32>
      %add3A_221 = arith.constant 7 : i32
      %add3A_222 = arith.addi %mul3A_132, %add3A_221 : i32
      %dma_start3A_223 = arith.constant 0 : i32
      %dma_start3A_224 = tpu.memref_slice %arg14[%add3A_222, %dma_start3A_223] : memref<256x64xf32, #tpu.memory_space<vmem>> -> memref<1x64xf32, #tpu.memory_space<vmem>>
      %dma_start3A_225 = arith.constant 0 : i32
      %dma_start3A_226 = tpu.memref_slice %arg5[%squeeze3A_220, %dma_start3A_225] : memref<1000001x64xf32, #tpu.memory_space<hbm>> -> memref<1x64xf32, #tpu.memory_space<hbm>>
      %dma_start3A_227 = arith.constant 0 : i32
      %dma_start3A_228 = tpu.memref_slice %arg14[%add3A_222, %dma_start3A_227] : memref<256x64xf32, #tpu.memory_space<vmem>> -> memref<1x64xf32, #tpu.memory_space<vmem>>
      %dma_start3A_229 = arith.constant 0 : i32
      %dma_start3A_230 = tpu.memref_slice %arg5[%squeeze3A_220, %dma_start3A_229] : memref<1000001x64xf32, #tpu.memory_space<hbm>> -> memref<1x64xf32, #tpu.memory_space<hbm>>
      tpu.enqueue_dma source(%dma_start3A_230 : memref<1x64xf32, #tpu.memory_space<hbm>>) target(%dma_start3A_228 : memref<1x64xf32, #tpu.memory_space<vmem>>) target_semaphore(%arg16 : memref<!tpu.dma_semaphore, #tpu.memory_space<semaphore_mem>>)
      %slice3A_231 = vector.extract_strided_slice %get3A_136 {offsets = [8], sizes = [1], strides = [1]} : vector<16xi32> to vector<1xi32>
      %squeeze3A_232 = vector.extract %slice3A_231[0] : i32 from vector<1xi32>
      %add3A_233 = arith.constant 8 : i32
      %add3A_234 = arith.addi %mul3A_132, %add3A_233 : i32
      %dma_start3A_235 = arith.constant 0 : i32
      %dma_start3A_236 = tpu.memref_slice %arg14[%add3A_234, %dma_start3A_235] : memref<256x64xf32, #tpu.memory_space<vmem>> -> memref<1x64xf32, #tpu.memory_space<vmem>>
      %dma_start3A_237 = arith.constant 0 : i32
      %dma_start3A_238 = tpu.memref_slice %arg5[%squeeze3A_232, %dma_start3A_237] : memref<1000001x64xf32, #tpu.memory_space<hbm>> -> memref<1x64xf32, #tpu.memory_space<hbm>>
      %dma_start3A_239 = arith.constant 0 : i32
      %dma_start3A_240 = tpu.memref_slice %arg14[%add3A_234, %dma_start3A_239] : memref<256x64xf32, #tpu.memory_space<vmem>> -> memref<1x64xf32, #tpu.memory_space<vmem>>
      %dma_start3A_241 = arith.constant 0 : i32
      %dma_start3A_242 = tpu.memref_slice %arg5[%squeeze3A_232, %dma_start3A_241] : memref<1000001x64xf32, #tpu.memory_space<hbm>> -> memref<1x64xf32, #tpu.memory_space<hbm>>
      tpu.enqueue_dma source(%dma_start3A_242 : memref<1x64xf32, #tpu.memory_space<hbm>>) target(%dma_start3A_240 : memref<1x64xf32, #tpu.memory_space<vmem>>) target_semaphore(%arg16 : memref<!tpu.dma_semaphore, #tpu.memory_space<semaphore_mem>>)
      %slice3A_243 = vector.extract_strided_slice %get3A_136 {offsets = [9], sizes = [1], strides = [1]} : vector<16xi32> to vector<1xi32>
      %squeeze3A_244 = vector.extract %slice3A_243[0] : i32 from vector<1xi32>
      %add3A_245 = arith.constant 9 : i32
      %add3A_246 = arith.addi %mul3A_132, %add3A_245 : i32
      %dma_start3A_247 = arith.constant 0 : i32
      %dma_start3A_248 = tpu.memref_slice %arg14[%add3A_246, %dma_start3A_247] : memref<256x64xf32, #tpu.memory_space<vmem>> -> memref<1x64xf32, #tpu.memory_space<vmem>>
      %dma_start3A_249 = arith.constant 0 : i32
      %dma_start3A_250 = tpu.memref_slice %arg5[%squeeze3A_244, %dma_start3A_249] : memref<1000001x64xf32, #tpu.memory_space<hbm>> -> memref<1x64xf32, #tpu.memory_space<hbm>>
      %dma_start3A_251 = arith.constant 0 : i32
      %dma_start3A_252 = tpu.memref_slice %arg14[%add3A_246, %dma_start3A_251] : memref<256x64xf32, #tpu.memory_space<vmem>> -> memref<1x64xf32, #tpu.memory_space<vmem>>
      %dma_start3A_253 = arith.constant 0 : i32
      %dma_start3A_254 = tpu.memref_slice %arg5[%squeeze3A_244, %dma_start3A_253] : memref<1000001x64xf32, #tpu.memory_space<hbm>> -> memref<1x64xf32, #tpu.memory_space<hbm>>
      tpu.enqueue_dma source(%dma_start3A_254 : memref<1x64xf32, #tpu.memory_space<hbm>>) target(%dma_start3A_252 : memref<1x64xf32, #tpu.memory_space<vmem>>) target_semaphore(%arg16 : memref<!tpu.dma_semaphore, #tpu.memory_space<semaphore_mem>>)
      %slice3A_255 = vector.extract_strided_slice %get3A_136 {offsets = [10], sizes = [1], strides = [1]} : vector<16xi32> to vector<1xi32>
      %squeeze3A_256 = vector.extract %slice3A_255[0] : i32 from vector<1xi32>
      %add3A_257 = arith.constant 10 : i32
      %add3A_258 = arith.addi %mul3A_132, %add3A_257 : i32
      %dma_start3A_259 = arith.constant 0 : i32
      %dma_start3A_260 = tpu.memref_slice %arg14[%add3A_258, %dma_start3A_259] : memref<256x64xf32, #tpu.memory_space<vmem>> -> memref<1x64xf32, #tpu.memory_space<vmem>>
      %dma_start3A_261 = arith.constant 0 : i32
      %dma_start3A_262 = tpu.memref_slice %arg5[%squeeze3A_256, %dma_start3A_261] : memref<1000001x64xf32, #tpu.memory_space<hbm>> -> memref<1x64xf32, #tpu.memory_space<hbm>>
      %dma_start3A_263 = arith.constant 0 : i32
      %dma_start3A_264 = tpu.memref_slice %arg14[%add3A_258, %dma_start3A_263] : memref<256x64xf32, #tpu.memory_space<vmem>> -> memref<1x64xf32, #tpu.memory_space<vmem>>
      %dma_start3A_265 = arith.constant 0 : i32
      %dma_start3A_266 = tpu.memref_slice %arg5[%squeeze3A_256, %dma_start3A_265] : memref<1000001x64xf32, #tpu.memory_space<hbm>> -> memref<1x64xf32, #tpu.memory_space<hbm>>
      tpu.enqueue_dma source(%dma_start3A_266 : memref<1x64xf32, #tpu.memory_space<hbm>>) target(%dma_start3A_264 : memref<1x64xf32, #tpu.memory_space<vmem>>) target_semaphore(%arg16 : memref<!tpu.dma_semaphore, #tpu.memory_space<semaphore_mem>>)
      %slice3A_267 = vector.extract_strided_slice %get3A_136 {offsets = [11], sizes = [1], strides = [1]} : vector<16xi32> to vector<1xi32>
      %squeeze3A_268 = vector.extract %slice3A_267[0] : i32 from vector<1xi32>
      %add3A_269 = arith.constant 11 : i32
      %add3A_270 = arith.addi %mul3A_132, %add3A_269 : i32
      %dma_start3A_271 = arith.constant 0 : i32
      %dma_start3A_272 = tpu.memref_slice %arg14[%add3A_270, %dma_start3A_271] : memref<256x64xf32, #tpu.memory_space<vmem>> -> memref<1x64xf32, #tpu.memory_space<vmem>>
      %dma_start3A_273 = arith.constant 0 : i32
      %dma_start3A_274 = tpu.memref_slice %arg5[%squeeze3A_268, %dma_start3A_273] : memref<1000001x64xf32, #tpu.memory_space<hbm>> -> memref<1x64xf32, #tpu.memory_space<hbm>>
      %dma_start3A_275 = arith.constant 0 : i32
      %dma_start3A_276 = tpu.memref_slice %arg14[%add3A_270, %dma_start3A_275] : memref<256x64xf32, #tpu.memory_space<vmem>> -> memref<1x64xf32, #tpu.memory_space<vmem>>
      %dma_start3A_277 = arith.constant 0 : i32
      %dma_start3A_278 = tpu.memref_slice %arg5[%squeeze3A_268, %dma_start3A_277] : memref<1000001x64xf32, #tpu.memory_space<hbm>> -> memref<1x64xf32, #tpu.memory_space<hbm>>
      tpu.enqueue_dma source(%dma_start3A_278 : memref<1x64xf32, #tpu.memory_space<hbm>>) target(%dma_start3A_276 : memref<1x64xf32, #tpu.memory_space<vmem>>) target_semaphore(%arg16 : memref<!tpu.dma_semaphore, #tpu.memory_space<semaphore_mem>>)
      %slice3A_279 = vector.extract_strided_slice %get3A_136 {offsets = [12], sizes = [1], strides = [1]} : vector<16xi32> to vector<1xi32>
      %squeeze3A_280 = vector.extract %slice3A_279[0] : i32 from vector<1xi32>
      %add3A_281 = arith.constant 12 : i32
      %add3A_282 = arith.addi %mul3A_132, %add3A_281 : i32
      %dma_start3A_283 = arith.constant 0 : i32
      %dma_start3A_284 = tpu.memref_slice %arg14[%add3A_282, %dma_start3A_283] : memref<256x64xf32, #tpu.memory_space<vmem>> -> memref<1x64xf32, #tpu.memory_space<vmem>>
      %dma_start3A_285 = arith.constant 0 : i32
      %dma_start3A_286 = tpu.memref_slice %arg5[%squeeze3A_280, %dma_start3A_285] : memref<1000001x64xf32, #tpu.memory_space<hbm>> -> memref<1x64xf32, #tpu.memory_space<hbm>>
      %dma_start3A_287 = arith.constant 0 : i32
      %dma_start3A_288 = tpu.memref_slice %arg14[%add3A_282, %dma_start3A_287] : memref<256x64xf32, #tpu.memory_space<vmem>> -> memref<1x64xf32, #tpu.memory_space<vmem>>
      %dma_start3A_289 = arith.constant 0 : i32
      %dma_start3A_290 = tpu.memref_slice %arg5[%squeeze3A_280, %dma_start3A_289] : memref<1000001x64xf32, #tpu.memory_space<hbm>> -> memref<1x64xf32, #tpu.memory_space<hbm>>
      tpu.enqueue_dma source(%dma_start3A_290 : memref<1x64xf32, #tpu.memory_space<hbm>>) target(%dma_start3A_288 : memref<1x64xf32, #tpu.memory_space<vmem>>) target_semaphore(%arg16 : memref<!tpu.dma_semaphore, #tpu.memory_space<semaphore_mem>>)
      %slice3A_291 = vector.extract_strided_slice %get3A_136 {offsets = [13], sizes = [1], strides = [1]} : vector<16xi32> to vector<1xi32>
      %squeeze3A_292 = vector.extract %slice3A_291[0] : i32 from vector<1xi32>
      %add3A_293 = arith.constant 13 : i32
      %add3A_294 = arith.addi %mul3A_132, %add3A_293 : i32
      %dma_start3A_295 = arith.constant 0 : i32
      %dma_start3A_296 = tpu.memref_slice %arg14[%add3A_294, %dma_start3A_295] : memref<256x64xf32, #tpu.memory_space<vmem>> -> memref<1x64xf32, #tpu.memory_space<vmem>>
      %dma_start3A_297 = arith.constant 0 : i32
      %dma_start3A_298 = tpu.memref_slice %arg5[%squeeze3A_292, %dma_start3A_297] : memref<1000001x64xf32, #tpu.memory_space<hbm>> -> memref<1x64xf32, #tpu.memory_space<hbm>>
      %dma_start3A_299 = arith.constant 0 : i32
      %dma_start3A_300 = tpu.memref_slice %arg14[%add3A_294, %dma_start3A_299] : memref<256x64xf32, #tpu.memory_space<vmem>> -> memref<1x64xf32, #tpu.memory_space<vmem>>
      %dma_start3A_301 = arith.constant 0 : i32
      %dma_start3A_302 = tpu.memref_slice %arg5[%squeeze3A_292, %dma_start3A_301] : memref<1000001x64xf32, #tpu.memory_space<hbm>> -> memref<1x64xf32, #tpu.memory_space<hbm>>
      tpu.enqueue_dma source(%dma_start3A_302 : memref<1x64xf32, #tpu.memory_space<hbm>>) target(%dma_start3A_300 : memref<1x64xf32, #tpu.memory_space<vmem>>) target_semaphore(%arg16 : memref<!tpu.dma_semaphore, #tpu.memory_space<semaphore_mem>>)
      %slice3A_303 = vector.extract_strided_slice %get3A_136 {offsets = [14], sizes = [1], strides = [1]} : vector<16xi32> to vector<1xi32>
      %squeeze3A_304 = vector.extract %slice3A_303[0] : i32 from vector<1xi32>
      %add3A_305 = arith.constant 14 : i32
      %add3A_306 = arith.addi %mul3A_132, %add3A_305 : i32
      %dma_start3A_307 = arith.constant 0 : i32
      %dma_start3A_308 = tpu.memref_slice %arg14[%add3A_306, %dma_start3A_307] : memref<256x64xf32, #tpu.memory_space<vmem>> -> memref<1x64xf32, #tpu.memory_space<vmem>>
      %dma_start3A_309 = arith.constant 0 : i32
      %dma_start3A_310 = tpu.memref_slice %arg5[%squeeze3A_304, %dma_start3A_309] : memref<1000001x64xf32, #tpu.memory_space<hbm>> -> memref<1x64xf32, #tpu.memory_space<hbm>>
      %dma_start3A_311 = arith.constant 0 : i32
      %dma_start3A_312 = tpu.memref_slice %arg14[%add3A_306, %dma_start3A_311] : memref<256x64xf32, #tpu.memory_space<vmem>> -> memref<1x64xf32, #tpu.memory_space<vmem>>
      %dma_start3A_313 = arith.constant 0 : i32
      %dma_start3A_314 = tpu.memref_slice %arg5[%squeeze3A_304, %dma_start3A_313] : memref<1000001x64xf32, #tpu.memory_space<hbm>> -> memref<1x64xf32, #tpu.memory_space<hbm>>
      tpu.enqueue_dma source(%dma_start3A_314 : memref<1x64xf32, #tpu.memory_space<hbm>>) target(%dma_start3A_312 : memref<1x64xf32, #tpu.memory_space<vmem>>) target_semaphore(%arg16 : memref<!tpu.dma_semaphore, #tpu.memory_space<semaphore_mem>>)
      %slice3A_315 = vector.extract_strided_slice %get3A_136 {offsets = [15], sizes = [1], strides = [1]} : vector<16xi32> to vector<1xi32>
      %squeeze3A_316 = vector.extract %slice3A_315[0] : i32 from vector<1xi32>
      %add3A_317 = arith.constant 15 : i32
      %add3A_318 = arith.addi %mul3A_132, %add3A_317 : i32
      %dma_start3A_319 = arith.constant 0 : i32
      %dma_start3A_320 = tpu.memref_slice %arg14[%add3A_318, %dma_start3A_319] : memref<256x64xf32, #tpu.memory_space<vmem>> -> memref<1x64xf32, #tpu.memory_space<vmem>>
      %dma_start3A_321 = arith.constant 0 : i32
      %dma_start3A_322 = tpu.memref_slice %arg5[%squeeze3A_316, %dma_start3A_321] : memref<1000001x64xf32, #tpu.memory_space<hbm>> -> memref<1x64xf32, #tpu.memory_space<hbm>>
      %dma_start3A_323 = arith.constant 0 : i32
      %dma_start3A_324 = tpu.memref_slice %arg14[%add3A_318, %dma_start3A_323] : memref<256x64xf32, #tpu.memory_space<vmem>> -> memref<1x64xf32, #tpu.memory_space<vmem>>
      %dma_start3A_325 = arith.constant 0 : i32
      %dma_start3A_326 = tpu.memref_slice %arg5[%squeeze3A_316, %dma_start3A_325] : memref<1000001x64xf32, #tpu.memory_space<hbm>> -> memref<1x64xf32, #tpu.memory_space<hbm>>
      tpu.enqueue_dma source(%dma_start3A_326 : memref<1x64xf32, #tpu.memory_space<hbm>>) target(%dma_start3A_324 : memref<1x64xf32, #tpu.memory_space<vmem>>) target_semaphore(%arg16 : memref<!tpu.dma_semaphore, #tpu.memory_space<semaphore_mem>>)
    }
    %scan3A_21 = arith.constant 16 : i32
    %dma_wait3A_22 = arith.constant 0 : i32
    %dma_wait3A_23 = arith.constant 0 : i32
    %dma_wait3A_24 = tpu.memref_slice %arg5[%dma_wait3A_22, %dma_wait3A_23] : memref<1000001x64xf32, #tpu.memory_space<hbm>> -> memref<256x64xf32, #tpu.memory_space<hbm>>
    %dma_wait3A_25 = arith.constant 0 : i32
    %dma_wait3A_26 = arith.constant 0 : i32
    %dma_wait3A_27 = tpu.memref_slice %arg5[%dma_wait3A_25, %dma_wait3A_26] : memref<1000001x64xf32, #tpu.memory_space<hbm>> -> memref<256x64xf32, #tpu.memory_space<hbm>>
    tpu.wait_dma2 semaphore(%arg16 : memref<!tpu.dma_semaphore, #tpu.memory_space<semaphore_mem>>) src(%dma_wait3A_27 : memref<256x64xf32, #tpu.memory_space<hbm>>) dst(%arg14 : memref<256x64xf32, #tpu.memory_space<vmem>>)
    %add3A_28 = arith.constant 256 : i32
    %add3A_29 = arith.addi %mul3A_2, %add3A_28 : i32
    %dma_start3A_30 = arith.constant 0 : i32
    %dma_start3A_31 = tpu.memref_slice %arg7[%add3A_29, %dma_start3A_30] : memref<16384x64xf32, #tpu.memory_space<hbm>> -> memref<256x64xf32, #tpu.memory_space<hbm>>
    %dma_start3A_32 = arith.constant 0 : i32
    %dma_start3A_33 = tpu.memref_slice %arg7[%add3A_29, %dma_start3A_32] : memref<16384x64xf32, #tpu.memory_space<hbm>> -> memref<256x64xf32, #tpu.memory_space<hbm>>
    tpu.enqueue_dma source(%arg14 : memref<256x64xf32, #tpu.memory_space<vmem>>) target(%dma_start3A_33 : memref<256x64xf32, #tpu.memory_space<hbm>>) target_semaphore(%arg18 : memref<!tpu.dma_semaphore, #tpu.memory_space<semaphore_mem>>)
    %dma_wait3A_34 = arith.constant 0 : i32
    %dma_wait3A_35 = tpu.memref_slice %arg7[%add3A_13, %dma_wait3A_34] : memref<16384x64xf32, #tpu.memory_space<hbm>> -> memref<256x64xf32, #tpu.memory_space<hbm>>
    %dma_wait3A_36 = arith.constant 0 : i32
    %dma_wait3A_37 = tpu.memref_slice %arg7[%add3A_13, %dma_wait3A_36] : memref<16384x64xf32, #tpu.memory_space<hbm>> -> memref<256x64xf32, #tpu.memory_space<hbm>>
    tpu.wait_dma2 semaphore(%arg17 : memref<!tpu.dma_semaphore, #tpu.memory_space<semaphore_mem>>) src(%arg13 : memref<256x64xf32, #tpu.memory_space<vmem>>) dst(%dma_wait3A_37 : memref<256x64xf32, #tpu.memory_space<hbm>>)
    %scan3A_38 = arith.constant 0 : i32
    %scan3A_39 = arith.constant 16 : i32
    %scan3A_40 = arith.addi %scan3A_38, %scan3A_39 : i32
    %scan3A_41 = arith.constant 1 : i32
    scf.for %scan3A_126 = %scan3A_38 to %scan3A_40 step %scan3A_41  : i32 {
      %mul3A_127 = arith.constant 1 : i32
      %mul3A_128 = arith.muli %scan3A_126, %mul3A_127 : i32
      %add3A_129 = arith.constant 0 : i32
      %add3A_130 = arith.addi %add3A_129, %mul3A_128 : i32
      %mul3A_131 = arith.constant 16 : i32
      %mul3A_132 = arith.muli %add3A_130, %mul3A_131 : i32
      %add3A_133 = arith.constant 0 : i32
      %add3A_134 = arith.addi %add3A_133, %mul3A_132 : i32
      %get3A = arith.index_cast %add3A_134 : i32 to index
      %get3A_135 = tpu.vector_load %arg11[%get3A] {strides = array<i32>} : memref<512xi32, #tpu.memory_space<vmem>>, vector<16xi32>,
      %get3A_136 = vector.shape_cast %get3A_135 : vector<16xi32> to vector<16xi32>
      %slice3A = vector.extract_strided_slice %get3A_136 {offsets = [0], sizes = [1], strides = [1]} : vector<16xi32> to vector<1xi32>
      %squeeze3A = vector.extract %slice3A[0] : i32 from vector<1xi32>
      %add3A_137 = arith.constant 0 : i32
      %add3A_138 = arith.addi %mul3A_132, %add3A_137 : i32
      %dma_start3A_139 = arith.constant 0 : i32
      %dma_start3A_140 = tpu.memref_slice %arg13[%add3A_138, %dma_start3A_139] : memref<256x64xf32, #tpu.memory_space<vmem>> -> memref<1x64xf32, #tpu.memory_space<vmem>>
      %dma_start3A_141 = arith.constant 0 : i32
      %dma_start3A_142 = tpu.memref_slice %arg6[%squeeze3A, %dma_start3A_141] : memref<1000001x64xf32, #tpu.memory_space<hbm>> -> memref<1x64xf32, #tpu.memory_space<hbm>>
      %dma_start3A_143 = arith.constant 0 : i32
      %dma_start3A_144 = tpu.memref_slice %arg13[%add3A_138, %dma_start3A_143] : memref<256x64xf32, #tpu.memory_space<vmem>> -> memref<1x64xf32, #tpu.memory_space<vmem>>
      %dma_start3A_145 = arith.constant 0 : i32
      %dma_start3A_146 = tpu.memref_slice %arg6[%squeeze3A, %dma_start3A_145] : memref<1000001x64xf32, #tpu.memory_space<hbm>> -> memref<1x64xf32, #tpu.memory_space<hbm>>
      tpu.enqueue_dma source(%dma_start3A_146 : memref<1x64xf32, #tpu.memory_space<hbm>>) target(%dma_start3A_144 : memref<1x64xf32, #tpu.memory_space<vmem>>) target_semaphore(%arg15 : memref<!tpu.dma_semaphore, #tpu.memory_space<semaphore_mem>>)
      %slice3A_147 = vector.extract_strided_slice %get3A_136 {offsets = [1], sizes = [1], strides = [1]} : vector<16xi32> to vector<1xi32>
      %squeeze3A_148 = vector.extract %slice3A_147[0] : i32 from vector<1xi32>
      %add3A_149 = arith.constant 1 : i32
      %add3A_150 = arith.addi %mul3A_132, %add3A_149 : i32
      %dma_start3A_151 = arith.constant 0 : i32
      %dma_start3A_152 = tpu.memref_slice %arg13[%add3A_150, %dma_start3A_151] : memref<256x64xf32, #tpu.memory_space<vmem>> -> memref<1x64xf32, #tpu.memory_space<vmem>>
      %dma_start3A_153 = arith.constant 0 : i32
      %dma_start3A_154 = tpu.memref_slice %arg6[%squeeze3A_148, %dma_start3A_153] : memref<1000001x64xf32, #tpu.memory_space<hbm>> -> memref<1x64xf32, #tpu.memory_space<hbm>>
      %dma_start3A_155 = arith.constant 0 : i32
      %dma_start3A_156 = tpu.memref_slice %arg13[%add3A_150, %dma_start3A_155] : memref<256x64xf32, #tpu.memory_space<vmem>> -> memref<1x64xf32, #tpu.memory_space<vmem>>
      %dma_start3A_157 = arith.constant 0 : i32
      %dma_start3A_158 = tpu.memref_slice %arg6[%squeeze3A_148, %dma_start3A_157] : memref<1000001x64xf32, #tpu.memory_space<hbm>> -> memref<1x64xf32, #tpu.memory_space<hbm>>
      tpu.enqueue_dma source(%dma_start3A_158 : memref<1x64xf32, #tpu.memory_space<hbm>>) target(%dma_start3A_156 : memref<1x64xf32, #tpu.memory_space<vmem>>) target_semaphore(%arg15 : memref<!tpu.dma_semaphore, #tpu.memory_space<semaphore_mem>>)
      %slice3A_159 = vector.extract_strided_slice %get3A_136 {offsets = [2], sizes = [1], strides = [1]} : vector<16xi32> to vector<1xi32>
      %squeeze3A_160 = vector.extract %slice3A_159[0] : i32 from vector<1xi32>
      %add3A_161 = arith.constant 2 : i32
      %add3A_162 = arith.addi %mul3A_132, %add3A_161 : i32
      %dma_start3A_163 = arith.constant 0 : i32
      %dma_start3A_164 = tpu.memref_slice %arg13[%add3A_162, %dma_start3A_163] : memref<256x64xf32, #tpu.memory_space<vmem>> -> memref<1x64xf32, #tpu.memory_space<vmem>>
      %dma_start3A_165 = arith.constant 0 : i32
      %dma_start3A_166 = tpu.memref_slice %arg6[%squeeze3A_160, %dma_start3A_165] : memref<1000001x64xf32, #tpu.memory_space<hbm>> -> memref<1x64xf32, #tpu.memory_space<hbm>>
      %dma_start3A_167 = arith.constant 0 : i32
      %dma_start3A_168 = tpu.memref_slice %arg13[%add3A_162, %dma_start3A_167] : memref<256x64xf32, #tpu.memory_space<vmem>> -> memref<1x64xf32, #tpu.memory_space<vmem>>
      %dma_start3A_169 = arith.constant 0 : i32
      %dma_start3A_170 = tpu.memref_slice %arg6[%squeeze3A_160, %dma_start3A_169] : memref<1000001x64xf32, #tpu.memory_space<hbm>> -> memref<1x64xf32, #tpu.memory_space<hbm>>
      tpu.enqueue_dma source(%dma_start3A_170 : memref<1x64xf32, #tpu.memory_space<hbm>>) target(%dma_start3A_168 : memref<1x64xf32, #tpu.memory_space<vmem>>) target_semaphore(%arg15 : memref<!tpu.dma_semaphore, #tpu.memory_space<semaphore_mem>>)
      %slice3A_171 = vector.extract_strided_slice %get3A_136 {offsets = [3], sizes = [1], strides = [1]} : vector<16xi32> to vector<1xi32>
      %squeeze3A_172 = vector.extract %slice3A_171[0] : i32 from vector<1xi32>
      %add3A_173 = arith.constant 3 : i32
      %add3A_174 = arith.addi %mul3A_132, %add3A_173 : i32
      %dma_start3A_175 = arith.constant 0 : i32
      %dma_start3A_176 = tpu.memref_slice %arg13[%add3A_174, %dma_start3A_175] : memref<256x64xf32, #tpu.memory_space<vmem>> -> memref<1x64xf32, #tpu.memory_space<vmem>>
      %dma_start3A_177 = arith.constant 0 : i32
      %dma_start3A_178 = tpu.memref_slice %arg6[%squeeze3A_172, %dma_start3A_177] : memref<1000001x64xf32, #tpu.memory_space<hbm>> -> memref<1x64xf32, #tpu.memory_space<hbm>>
      %dma_start3A_179 = arith.constant 0 : i32
      %dma_start3A_180 = tpu.memref_slice %arg13[%add3A_174, %dma_start3A_179] : memref<256x64xf32, #tpu.memory_space<vmem>> -> memref<1x64xf32, #tpu.memory_space<vmem>>
      %dma_start3A_181 = arith.constant 0 : i32
      %dma_start3A_182 = tpu.memref_slice %arg6[%squeeze3A_172, %dma_start3A_181] : memref<1000001x64xf32, #tpu.memory_space<hbm>> -> memref<1x64xf32, #tpu.memory_space<hbm>>
      tpu.enqueue_dma source(%dma_start3A_182 : memref<1x64xf32, #tpu.memory_space<hbm>>) target(%dma_start3A_180 : memref<1x64xf32, #tpu.memory_space<vmem>>) target_semaphore(%arg15 : memref<!tpu.dma_semaphore, #tpu.memory_space<semaphore_mem>>)
      %slice3A_183 = vector.extract_strided_slice %get3A_136 {offsets = [4], sizes = [1], strides = [1]} : vector<16xi32> to vector<1xi32>
      %squeeze3A_184 = vector.extract %slice3A_183[0] : i32 from vector<1xi32>
      %add3A_185 = arith.constant 4 : i32
      %add3A_186 = arith.addi %mul3A_132, %add3A_185 : i32
      %dma_start3A_187 = arith.constant 0 : i32
      %dma_start3A_188 = tpu.memref_slice %arg13[%add3A_186, %dma_start3A_187] : memref<256x64xf32, #tpu.memory_space<vmem>> -> memref<1x64xf32, #tpu.memory_space<vmem>>
      %dma_start3A_189 = arith.constant 0 : i32
      %dma_start3A_190 = tpu.memref_slice %arg6[%squeeze3A_184, %dma_start3A_189] : memref<1000001x64xf32, #tpu.memory_space<hbm>> -> memref<1x64xf32, #tpu.memory_space<hbm>>
      %dma_start3A_191 = arith.constant 0 : i32
      %dma_start3A_192 = tpu.memref_slice %arg13[%add3A_186, %dma_start3A_191] : memref<256x64xf32, #tpu.memory_space<vmem>> -> memref<1x64xf32, #tpu.memory_space<vmem>>
      %dma_start3A_193 = arith.constant 0 : i32
      %dma_start3A_194 = tpu.memref_slice %arg6[%squeeze3A_184, %dma_start3A_193] : memref<1000001x64xf32, #tpu.memory_space<hbm>> -> memref<1x64xf32, #tpu.memory_space<hbm>>
      tpu.enqueue_dma source(%dma_start3A_194 : memref<1x64xf32, #tpu.memory_space<hbm>>) target(%dma_start3A_192 : memref<1x64xf32, #tpu.memory_space<vmem>>) target_semaphore(%arg15 : memref<!tpu.dma_semaphore, #tpu.memory_space<semaphore_mem>>)
      %slice3A_195 = vector.extract_strided_slice %get3A_136 {offsets = [5], sizes = [1], strides = [1]} : vector<16xi32> to vector<1xi32>
      %squeeze3A_196 = vector.extract %slice3A_195[0] : i32 from vector<1xi32>
      %add3A_197 = arith.constant 5 : i32
      %add3A_198 = arith.addi %mul3A_132, %add3A_197 : i32
      %dma_start3A_199 = arith.constant 0 : i32
      %dma_start3A_200 = tpu.memref_slice %arg13[%add3A_198, %dma_start3A_199] : memref<256x64xf32, #tpu.memory_space<vmem>> -> memref<1x64xf32, #tpu.memory_space<vmem>>
      %dma_start3A_201 = arith.constant 0 : i32
      %dma_start3A_202 = tpu.memref_slice %arg6[%squeeze3A_196, %dma_start3A_201] : memref<1000001x64xf32, #tpu.memory_space<hbm>> -> memref<1x64xf32, #tpu.memory_space<hbm>>
      %dma_start3A_203 = arith.constant 0 : i32
      %dma_start3A_204 = tpu.memref_slice %arg13[%add3A_198, %dma_start3A_203] : memref<256x64xf32, #tpu.memory_space<vmem>> -> memref<1x64xf32, #tpu.memory_space<vmem>>
      %dma_start3A_205 = arith.constant 0 : i32
      %dma_start3A_206 = tpu.memref_slice %arg6[%squeeze3A_196, %dma_start3A_205] : memref<1000001x64xf32, #tpu.memory_space<hbm>> -> memref<1x64xf32, #tpu.memory_space<hbm>>
      tpu.enqueue_dma source(%dma_start3A_206 : memref<1x64xf32, #tpu.memory_space<hbm>>) target(%dma_start3A_204 : memref<1x64xf32, #tpu.memory_space<vmem>>) target_semaphore(%arg15 : memref<!tpu.dma_semaphore, #tpu.memory_space<semaphore_mem>>)
      %slice3A_207 = vector.extract_strided_slice %get3A_136 {offsets = [6], sizes = [1], strides = [1]} : vector<16xi32> to vector<1xi32>
      %squeeze3A_208 = vector.extract %slice3A_207[0] : i32 from vector<1xi32>
      %add3A_209 = arith.constant 6 : i32
      %add3A_210 = arith.addi %mul3A_132, %add3A_209 : i32
      %dma_start3A_211 = arith.constant 0 : i32
      %dma_start3A_212 = tpu.memref_slice %arg13[%add3A_210, %dma_start3A_211] : memref<256x64xf32, #tpu.memory_space<vmem>> -> memref<1x64xf32, #tpu.memory_space<vmem>>
      %dma_start3A_213 = arith.constant 0 : i32
      %dma_start3A_214 = tpu.memref_slice %arg6[%squeeze3A_208, %dma_start3A_213] : memref<1000001x64xf32, #tpu.memory_space<hbm>> -> memref<1x64xf32, #tpu.memory_space<hbm>>
      %dma_start3A_215 = arith.constant 0 : i32
      %dma_start3A_216 = tpu.memref_slice %arg13[%add3A_210, %dma_start3A_215] : memref<256x64xf32, #tpu.memory_space<vmem>> -> memref<1x64xf32, #tpu.memory_space<vmem>>
      %dma_start3A_217 = arith.constant 0 : i32
      %dma_start3A_218 = tpu.memref_slice %arg6[%squeeze3A_208, %dma_start3A_217] : memref<1000001x64xf32, #tpu.memory_space<hbm>> -> memref<1x64xf32, #tpu.memory_space<hbm>>
      tpu.enqueue_dma source(%dma_start3A_218 : memref<1x64xf32, #tpu.memory_space<hbm>>) target(%dma_start3A_216 : memref<1x64xf32, #tpu.memory_space<vmem>>) target_semaphore(%arg15 : memref<!tpu.dma_semaphore, #tpu.memory_space<semaphore_mem>>)
      %slice3A_219 = vector.extract_strided_slice %get3A_136 {offsets = [7], sizes = [1], strides = [1]} : vector<16xi32> to vector<1xi32>
      %squeeze3A_220 = vector.extract %slice3A_219[0] : i32 from vector<1xi32>
      %add3A_221 = arith.constant 7 : i32
      %add3A_222 = arith.addi %mul3A_132, %add3A_221 : i32
      %dma_start3A_223 = arith.constant 0 : i32
      %dma_start3A_224 = tpu.memref_slice %arg13[%add3A_222, %dma_start3A_223] : memref<256x64xf32, #tpu.memory_space<vmem>> -> memref<1x64xf32, #tpu.memory_space<vmem>>
      %dma_start3A_225 = arith.constant 0 : i32
      %dma_start3A_226 = tpu.memref_slice %arg6[%squeeze3A_220, %dma_start3A_225] : memref<1000001x64xf32, #tpu.memory_space<hbm>> -> memref<1x64xf32, #tpu.memory_space<hbm>>
      %dma_start3A_227 = arith.constant 0 : i32
      %dma_start3A_228 = tpu.memref_slice %arg13[%add3A_222, %dma_start3A_227] : memref<256x64xf32, #tpu.memory_space<vmem>> -> memref<1x64xf32, #tpu.memory_space<vmem>>
      %dma_start3A_229 = arith.constant 0 : i32
      %dma_start3A_230 = tpu.memref_slice %arg6[%squeeze3A_220, %dma_start3A_229] : memref<1000001x64xf32, #tpu.memory_space<hbm>> -> memref<1x64xf32, #tpu.memory_space<hbm>>
      tpu.enqueue_dma source(%dma_start3A_230 : memref<1x64xf32, #tpu.memory_space<hbm>>) target(%dma_start3A_228 : memref<1x64xf32, #tpu.memory_space<vmem>>) target_semaphore(%arg15 : memref<!tpu.dma_semaphore, #tpu.memory_space<semaphore_mem>>)
      %slice3A_231 = vector.extract_strided_slice %get3A_136 {offsets = [8], sizes = [1], strides = [1]} : vector<16xi32> to vector<1xi32>
      %squeeze3A_232 = vector.extract %slice3A_231[0] : i32 from vector<1xi32>
      %add3A_233 = arith.constant 8 : i32
      %add3A_234 = arith.addi %mul3A_132, %add3A_233 : i32
      %dma_start3A_235 = arith.constant 0 : i32
      %dma_start3A_236 = tpu.memref_slice %arg13[%add3A_234, %dma_start3A_235] : memref<256x64xf32, #tpu.memory_space<vmem>> -> memref<1x64xf32, #tpu.memory_space<vmem>>
      %dma_start3A_237 = arith.constant 0 : i32
      %dma_start3A_238 = tpu.memref_slice %arg6[%squeeze3A_232, %dma_start3A_237] : memref<1000001x64xf32, #tpu.memory_space<hbm>> -> memref<1x64xf32, #tpu.memory_space<hbm>>
      %dma_start3A_239 = arith.constant 0 : i32
      %dma_start3A_240 = tpu.memref_slice %arg13[%add3A_234, %dma_start3A_239] : memref<256x64xf32, #tpu.memory_space<vmem>> -> memref<1x64xf32, #tpu.memory_space<vmem>>
      %dma_start3A_241 = arith.constant 0 : i32
      %dma_start3A_242 = tpu.memref_slice %arg6[%squeeze3A_232, %dma_start3A_241] : memref<1000001x64xf32, #tpu.memory_space<hbm>> -> memref<1x64xf32, #tpu.memory_space<hbm>>
      tpu.enqueue_dma source(%dma_start3A_242 : memref<1x64xf32, #tpu.memory_space<hbm>>) target(%dma_start3A_240 : memref<1x64xf32, #tpu.memory_space<vmem>>) target_semaphore(%arg15 : memref<!tpu.dma_semaphore, #tpu.memory_space<semaphore_mem>>)
      %slice3A_243 = vector.extract_strided_slice %get3A_136 {offsets = [9], sizes = [1], strides = [1]} : vector<16xi32> to vector<1xi32>
      %squeeze3A_244 = vector.extract %slice3A_243[0] : i32 from vector<1xi32>
      %add3A_245 = arith.constant 9 : i32
      %add3A_246 = arith.addi %mul3A_132, %add3A_245 : i32
      %dma_start3A_247 = arith.constant 0 : i32
      %dma_start3A_248 = tpu.memref_slice %arg13[%add3A_246, %dma_start3A_247] : memref<256x64xf32, #tpu.memory_space<vmem>> -> memref<1x64xf32, #tpu.memory_space<vmem>>
      %dma_start3A_249 = arith.constant 0 : i32
      %dma_start3A_250 = tpu.memref_slice %arg6[%squeeze3A_244, %dma_start3A_249] : memref<1000001x64xf32, #tpu.memory_space<hbm>> -> memref<1x64xf32, #tpu.memory_space<hbm>>
      %dma_start3A_251 = arith.constant 0 : i32
      %dma_start3A_252 = tpu.memref_slice %arg13[%add3A_246, %dma_start3A_251] : memref<256x64xf32, #tpu.memory_space<vmem>> -> memref<1x64xf32, #tpu.memory_space<vmem>>
      %dma_start3A_253 = arith.constant 0 : i32
      %dma_start3A_254 = tpu.memref_slice %arg6[%squeeze3A_244, %dma_start3A_253] : memref<1000001x64xf32, #tpu.memory_space<hbm>> -> memref<1x64xf32, #tpu.memory_space<hbm>>
      tpu.enqueue_dma source(%dma_start3A_254 : memref<1x64xf32, #tpu.memory_space<hbm>>) target(%dma_start3A_252 : memref<1x64xf32, #tpu.memory_space<vmem>>) target_semaphore(%arg15 : memref<!tpu.dma_semaphore, #tpu.memory_space<semaphore_mem>>)
      %slice3A_255 = vector.extract_strided_slice %get3A_136 {offsets = [10], sizes = [1], strides = [1]} : vector<16xi32> to vector<1xi32>
      %squeeze3A_256 = vector.extract %slice3A_255[0] : i32 from vector<1xi32>
      %add3A_257 = arith.constant 10 : i32
      %add3A_258 = arith.addi %mul3A_132, %add3A_257 : i32
      %dma_start3A_259 = arith.constant 0 : i32
      %dma_start3A_260 = tpu.memref_slice %arg13[%add3A_258, %dma_start3A_259] : memref<256x64xf32, #tpu.memory_space<vmem>> -> memref<1x64xf32, #tpu.memory_space<vmem>>
      %dma_start3A_261 = arith.constant 0 : i32
      %dma_start3A_262 = tpu.memref_slice %arg6[%squeeze3A_256, %dma_start3A_261] : memref<1000001x64xf32, #tpu.memory_space<hbm>> -> memref<1x64xf32, #tpu.memory_space<hbm>>
      %dma_start3A_263 = arith.constant 0 : i32
      %dma_start3A_264 = tpu.memref_slice %arg13[%add3A_258, %dma_start3A_263] : memref<256x64xf32, #tpu.memory_space<vmem>> -> memref<1x64xf32, #tpu.memory_space<vmem>>
      %dma_start3A_265 = arith.constant 0 : i32
      %dma_start3A_266 = tpu.memref_slice %arg6[%squeeze3A_256, %dma_start3A_265] : memref<1000001x64xf32, #tpu.memory_space<hbm>> -> memref<1x64xf32, #tpu.memory_space<hbm>>
      tpu.enqueue_dma source(%dma_start3A_266 : memref<1x64xf32, #tpu.memory_space<hbm>>) target(%dma_start3A_264 : memref<1x64xf32, #tpu.memory_space<vmem>>) target_semaphore(%arg15 : memref<!tpu.dma_semaphore, #tpu.memory_space<semaphore_mem>>)
      %slice3A_267 = vector.extract_strided_slice %get3A_136 {offsets = [11], sizes = [1], strides = [1]} : vector<16xi32> to vector<1xi32>
      %squeeze3A_268 = vector.extract %slice3A_267[0] : i32 from vector<1xi32>
      %add3A_269 = arith.constant 11 : i32
      %add3A_270 = arith.addi %mul3A_132, %add3A_269 : i32
      %dma_start3A_271 = arith.constant 0 : i32
      %dma_start3A_272 = tpu.memref_slice %arg13[%add3A_270, %dma_start3A_271] : memref<256x64xf32, #tpu.memory_space<vmem>> -> memref<1x64xf32, #tpu.memory_space<vmem>>
      %dma_start3A_273 = arith.constant 0 : i32
      %dma_start3A_274 = tpu.memref_slice %arg6[%squeeze3A_268, %dma_start3A_273] : memref<1000001x64xf32, #tpu.memory_space<hbm>> -> memref<1x64xf32, #tpu.memory_space<hbm>>
      %dma_start3A_275 = arith.constant 0 : i32
      %dma_start3A_276 = tpu.memref_slice %arg13[%add3A_270, %dma_start3A_275] : memref<256x64xf32, #tpu.memory_space<vmem>> -> memref<1x64xf32, #tpu.memory_space<vmem>>
      %dma_start3A_277 = arith.constant 0 : i32
      %dma_start3A_278 = tpu.memref_slice %arg6[%squeeze3A_268, %dma_start3A_277] : memref<1000001x64xf32, #tpu.memory_space<hbm>> -> memref<1x64xf32, #tpu.memory_space<hbm>>
      tpu.enqueue_dma source(%dma_start3A_278 : memref<1x64xf32, #tpu.memory_space<hbm>>) target(%dma_start3A_276 : memref<1x64xf32, #tpu.memory_space<vmem>>) target_semaphore(%arg15 : memref<!tpu.dma_semaphore, #tpu.memory_space<semaphore_mem>>)
      %slice3A_279 = vector.extract_strided_slice %get3A_136 {offsets = [12], sizes = [1], strides = [1]} : vector<16xi32> to vector<1xi32>
      %squeeze3A_280 = vector.extract %slice3A_279[0] : i32 from vector<1xi32>
      %add3A_281 = arith.constant 12 : i32
      %add3A_282 = arith.addi %mul3A_132, %add3A_281 : i32
      %dma_start3A_283 = arith.constant 0 : i32
      %dma_start3A_284 = tpu.memref_slice %arg13[%add3A_282, %dma_start3A_283] : memref<256x64xf32, #tpu.memory_space<vmem>> -> memref<1x64xf32, #tpu.memory_space<vmem>>
      %dma_start3A_285 = arith.constant 0 : i32
      %dma_start3A_286 = tpu.memref_slice %arg6[%squeeze3A_280, %dma_start3A_285] : memref<1000001x64xf32, #tpu.memory_space<hbm>> -> memref<1x64xf32, #tpu.memory_space<hbm>>
      %dma_start3A_287 = arith.constant 0 : i32
      %dma_start3A_288 = tpu.memref_slice %arg13[%add3A_282, %dma_start3A_287] : memref<256x64xf32, #tpu.memory_space<vmem>> -> memref<1x64xf32, #tpu.memory_space<vmem>>
      %dma_start3A_289 = arith.constant 0 : i32
      %dma_start3A_290 = tpu.memref_slice %arg6[%squeeze3A_280, %dma_start3A_289] : memref<1000001x64xf32, #tpu.memory_space<hbm>> -> memref<1x64xf32, #tpu.memory_space<hbm>>
      tpu.enqueue_dma source(%dma_start3A_290 : memref<1x64xf32, #tpu.memory_space<hbm>>) target(%dma_start3A_288 : memref<1x64xf32, #tpu.memory_space<vmem>>) target_semaphore(%arg15 : memref<!tpu.dma_semaphore, #tpu.memory_space<semaphore_mem>>)
      %slice3A_291 = vector.extract_strided_slice %get3A_136 {offsets = [13], sizes = [1], strides = [1]} : vector<16xi32> to vector<1xi32>
      %squeeze3A_292 = vector.extract %slice3A_291[0] : i32 from vector<1xi32>
      %add3A_293 = arith.constant 13 : i32
      %add3A_294 = arith.addi %mul3A_132, %add3A_293 : i32
      %dma_start3A_295 = arith.constant 0 : i32
      %dma_start3A_296 = tpu.memref_slice %arg13[%add3A_294, %dma_start3A_295] : memref<256x64xf32, #tpu.memory_space<vmem>> -> memref<1x64xf32, #tpu.memory_space<vmem>>
      %dma_start3A_297 = arith.constant 0 : i32
      %dma_start3A_298 = tpu.memref_slice %arg6[%squeeze3A_292, %dma_start3A_297] : memref<1000001x64xf32, #tpu.memory_space<hbm>> -> memref<1x64xf32, #tpu.memory_space<hbm>>
      %dma_start3A_299 = arith.constant 0 : i32
      %dma_start3A_300 = tpu.memref_slice %arg13[%add3A_294, %dma_start3A_299] : memref<256x64xf32, #tpu.memory_space<vmem>> -> memref<1x64xf32, #tpu.memory_space<vmem>>
      %dma_start3A_301 = arith.constant 0 : i32
      %dma_start3A_302 = tpu.memref_slice %arg6[%squeeze3A_292, %dma_start3A_301] : memref<1000001x64xf32, #tpu.memory_space<hbm>> -> memref<1x64xf32, #tpu.memory_space<hbm>>
      tpu.enqueue_dma source(%dma_start3A_302 : memref<1x64xf32, #tpu.memory_space<hbm>>) target(%dma_start3A_300 : memref<1x64xf32, #tpu.memory_space<vmem>>) target_semaphore(%arg15 : memref<!tpu.dma_semaphore, #tpu.memory_space<semaphore_mem>>)
      %slice3A_303 = vector.extract_strided_slice %get3A_136 {offsets = [14], sizes = [1], strides = [1]} : vector<16xi32> to vector<1xi32>
      %squeeze3A_304 = vector.extract %slice3A_303[0] : i32 from vector<1xi32>
      %add3A_305 = arith.constant 14 : i32
      %add3A_306 = arith.addi %mul3A_132, %add3A_305 : i32
      %dma_start3A_307 = arith.constant 0 : i32
      %dma_start3A_308 = tpu.memref_slice %arg13[%add3A_306, %dma_start3A_307] : memref<256x64xf32, #tpu.memory_space<vmem>> -> memref<1x64xf32, #tpu.memory_space<vmem>>
      %dma_start3A_309 = arith.constant 0 : i32
      %dma_start3A_310 = tpu.memref_slice %arg6[%squeeze3A_304, %dma_start3A_309] : memref<1000001x64xf32, #tpu.memory_space<hbm>> -> memref<1x64xf32, #tpu.memory_space<hbm>>
      %dma_start3A_311 = arith.constant 0 : i32
      %dma_start3A_312 = tpu.memref_slice %arg13[%add3A_306, %dma_start3A_311] : memref<256x64xf32, #tpu.memory_space<vmem>> -> memref<1x64xf32, #tpu.memory_space<vmem>>
      %dma_start3A_313 = arith.constant 0 : i32
      %dma_start3A_314 = tpu.memref_slice %arg6[%squeeze3A_304, %dma_start3A_313] : memref<1000001x64xf32, #tpu.memory_space<hbm>> -> memref<1x64xf32, #tpu.memory_space<hbm>>
      tpu.enqueue_dma source(%dma_start3A_314 : memref<1x64xf32, #tpu.memory_space<hbm>>) target(%dma_start3A_312 : memref<1x64xf32, #tpu.memory_space<vmem>>) target_semaphore(%arg15 : memref<!tpu.dma_semaphore, #tpu.memory_space<semaphore_mem>>)
      %slice3A_315 = vector.extract_strided_slice %get3A_136 {offsets = [15], sizes = [1], strides = [1]} : vector<16xi32> to vector<1xi32>
      %squeeze3A_316 = vector.extract %slice3A_315[0] : i32 from vector<1xi32>
      %add3A_317 = arith.constant 15 : i32
      %add3A_318 = arith.addi %mul3A_132, %add3A_317 : i32
      %dma_start3A_319 = arith.constant 0 : i32
      %dma_start3A_320 = tpu.memref_slice %arg13[%add3A_318, %dma_start3A_319] : memref<256x64xf32, #tpu.memory_space<vmem>> -> memref<1x64xf32, #tpu.memory_space<vmem>>
      %dma_start3A_321 = arith.constant 0 : i32
      %dma_start3A_322 = tpu.memref_slice %arg6[%squeeze3A_316, %dma_start3A_321] : memref<1000001x64xf32, #tpu.memory_space<hbm>> -> memref<1x64xf32, #tpu.memory_space<hbm>>
      %dma_start3A_323 = arith.constant 0 : i32
      %dma_start3A_324 = tpu.memref_slice %arg13[%add3A_318, %dma_start3A_323] : memref<256x64xf32, #tpu.memory_space<vmem>> -> memref<1x64xf32, #tpu.memory_space<vmem>>
      %dma_start3A_325 = arith.constant 0 : i32
      %dma_start3A_326 = tpu.memref_slice %arg6[%squeeze3A_316, %dma_start3A_325] : memref<1000001x64xf32, #tpu.memory_space<hbm>> -> memref<1x64xf32, #tpu.memory_space<hbm>>
      tpu.enqueue_dma source(%dma_start3A_326 : memref<1x64xf32, #tpu.memory_space<hbm>>) target(%dma_start3A_324 : memref<1x64xf32, #tpu.memory_space<vmem>>) target_semaphore(%arg15 : memref<!tpu.dma_semaphore, #tpu.memory_space<semaphore_mem>>)
    }
    %scan3A_42 = arith.constant 16 : i32
    %dma_wait3A_43 = arith.constant 0 : i32
    %dma_wait3A_44 = arith.constant 0 : i32
    %dma_wait3A_45 = tpu.memref_slice %arg6[%dma_wait3A_43, %dma_wait3A_44] : memref<1000001x64xf32, #tpu.memory_space<hbm>> -> memref<256x64xf32, #tpu.memory_space<hbm>>
    %dma_wait3A_46 = arith.constant 0 : i32
    %dma_wait3A_47 = arith.constant 0 : i32
    %dma_wait3A_48 = tpu.memref_slice %arg6[%dma_wait3A_46, %dma_wait3A_47] : memref<1000001x64xf32, #tpu.memory_space<hbm>> -> memref<256x64xf32, #tpu.memory_space<hbm>>
    tpu.wait_dma2 semaphore(%arg15 : memref<!tpu.dma_semaphore, #tpu.memory_space<semaphore_mem>>) src(%dma_wait3A_48 : memref<256x64xf32, #tpu.memory_space<hbm>>) dst(%arg13 : memref<256x64xf32, #tpu.memory_space<vmem>>)
    %add3A_49 = arith.constant 0 : i32
    %add3A_50 = arith.addi %mul3A_2, %add3A_49 : i32
    %dma_start3A_51 = arith.constant 0 : i32
    %dma_start3A_52 = tpu.memref_slice %arg8[%add3A_50, %dma_start3A_51] : memref<16384x64xf32, #tpu.memory_space<hbm>> -> memref<256x64xf32, #tpu.memory_space<hbm>>
    %dma_start3A_53 = arith.constant 0 : i32
    %dma_start3A_54 = tpu.memref_slice %arg8[%add3A_50, %dma_start3A_53] : memref<16384x64xf32, #tpu.memory_space<hbm>> -> memref<256x64xf32, #tpu.memory_space<hbm>>
    tpu.enqueue_dma source(%arg13 : memref<256x64xf32, #tpu.memory_space<vmem>>) target(%dma_start3A_54 : memref<256x64xf32, #tpu.memory_space<hbm>>) target_semaphore(%arg17 : memref<!tpu.dma_semaphore, #tpu.memory_space<semaphore_mem>>)
    %dma_wait3A_55 = arith.constant 0 : i32
    %dma_wait3A_56 = tpu.memref_slice %arg7[%add3A_29, %dma_wait3A_55] : memref<16384x64xf32, #tpu.memory_space<hbm>> -> memref<256x64xf32, #tpu.memory_space<hbm>>
    %dma_wait3A_57 = arith.constant 0 : i32
    %dma_wait3A_58 = tpu.memref_slice %arg7[%add3A_29, %dma_wait3A_57] : memref<16384x64xf32, #tpu.memory_space<hbm>> -> memref<256x64xf32, #tpu.memory_space<hbm>>
    tpu.wait_dma2 semaphore(%arg18 : memref<!tpu.dma_semaphore, #tpu.memory_space<semaphore_mem>>) src(%arg14 : memref<256x64xf32, #tpu.memory_space<vmem>>) dst(%dma_wait3A_58 : memref<256x64xf32, #tpu.memory_space<hbm>>)
    %scan3A_59 = arith.constant 0 : i32
    %scan3A_60 = arith.constant 16 : i32
    %scan3A_61 = arith.addi %scan3A_59, %scan3A_60 : i32
    %scan3A_62 = arith.constant 1 : i32
    scf.for %scan3A_126 = %scan3A_59 to %scan3A_61 step %scan3A_62  : i32 {
      %mul3A_127 = arith.constant 1 : i32
      %mul3A_128 = arith.muli %scan3A_126, %mul3A_127 : i32
      %add3A_129 = arith.constant 0 : i32
      %add3A_130 = arith.addi %add3A_129, %mul3A_128 : i32
      %mul3A_131 = arith.constant 16 : i32
      %mul3A_132 = arith.muli %add3A_130, %mul3A_131 : i32
      %add3A_133 = arith.constant 256 : i32
      %add3A_134 = arith.addi %add3A_133, %mul3A_132 : i32
      %get3A = arith.index_cast %add3A_134 : i32 to index
      %get3A_135 = tpu.vector_load %arg11[%get3A] {strides = array<i32>} : memref<512xi32, #tpu.memory_space<vmem>>, vector<16xi32>,
      %get3A_136 = vector.shape_cast %get3A_135 : vector<16xi32> to vector<16xi32>
      %slice3A = vector.extract_strided_slice %get3A_136 {offsets = [0], sizes = [1], strides = [1]} : vector<16xi32> to vector<1xi32>
      %squeeze3A = vector.extract %slice3A[0] : i32 from vector<1xi32>
      %add3A_137 = arith.constant 0 : i32
      %add3A_138 = arith.addi %mul3A_132, %add3A_137 : i32
      %dma_start3A_139 = arith.constant 0 : i32
      %dma_start3A_140 = tpu.memref_slice %arg14[%add3A_138, %dma_start3A_139] : memref<256x64xf32, #tpu.memory_space<vmem>> -> memref<1x64xf32, #tpu.memory_space<vmem>>
      %dma_start3A_141 = arith.constant 0 : i32
      %dma_start3A_142 = tpu.memref_slice %arg6[%squeeze3A, %dma_start3A_141] : memref<1000001x64xf32, #tpu.memory_space<hbm>> -> memref<1x64xf32, #tpu.memory_space<hbm>>
      %dma_start3A_143 = arith.constant 0 : i32
      %dma_start3A_144 = tpu.memref_slice %arg14[%add3A_138, %dma_start3A_143] : memref<256x64xf32, #tpu.memory_space<vmem>> -> memref<1x64xf32, #tpu.memory_space<vmem>>
      %dma_start3A_145 = arith.constant 0 : i32
      %dma_start3A_146 = tpu.memref_slice %arg6[%squeeze3A, %dma_start3A_145] : memref<1000001x64xf32, #tpu.memory_space<hbm>> -> memref<1x64xf32, #tpu.memory_space<hbm>>
      tpu.enqueue_dma source(%dma_start3A_146 : memref<1x64xf32, #tpu.memory_space<hbm>>) target(%dma_start3A_144 : memref<1x64xf32, #tpu.memory_space<vmem>>) target_semaphore(%arg16 : memref<!tpu.dma_semaphore, #tpu.memory_space<semaphore_mem>>)
      %slice3A_147 = vector.extract_strided_slice %get3A_136 {offsets = [1], sizes = [1], strides = [1]} : vector<16xi32> to vector<1xi32>
      %squeeze3A_148 = vector.extract %slice3A_147[0] : i32 from vector<1xi32>
      %add3A_149 = arith.constant 1 : i32
      %add3A_150 = arith.addi %mul3A_132, %add3A_149 : i32
      %dma_start3A_151 = arith.constant 0 : i32
      %dma_start3A_152 = tpu.memref_slice %arg14[%add3A_150, %dma_start3A_151] : memref<256x64xf32, #tpu.memory_space<vmem>> -> memref<1x64xf32, #tpu.memory_space<vmem>>
      %dma_start3A_153 = arith.constant 0 : i32
      %dma_start3A_154 = tpu.memref_slice %arg6[%squeeze3A_148, %dma_start3A_153] : memref<1000001x64xf32, #tpu.memory_space<hbm>> -> memref<1x64xf32, #tpu.memory_space<hbm>>
      %dma_start3A_155 = arith.constant 0 : i32
      %dma_start3A_156 = tpu.memref_slice %arg14[%add3A_150, %dma_start3A_155] : memref<256x64xf32, #tpu.memory_space<vmem>> -> memref<1x64xf32, #tpu.memory_space<vmem>>
      %dma_start3A_157 = arith.constant 0 : i32
      %dma_start3A_158 = tpu.memref_slice %arg6[%squeeze3A_148, %dma_start3A_157] : memref<1000001x64xf32, #tpu.memory_space<hbm>> -> memref<1x64xf32, #tpu.memory_space<hbm>>
      tpu.enqueue_dma source(%dma_start3A_158 : memref<1x64xf32, #tpu.memory_space<hbm>>) target(%dma_start3A_156 : memref<1x64xf32, #tpu.memory_space<vmem>>) target_semaphore(%arg16 : memref<!tpu.dma_semaphore, #tpu.memory_space<semaphore_mem>>)
      %slice3A_159 = vector.extract_strided_slice %get3A_136 {offsets = [2], sizes = [1], strides = [1]} : vector<16xi32> to vector<1xi32>
      %squeeze3A_160 = vector.extract %slice3A_159[0] : i32 from vector<1xi32>
      %add3A_161 = arith.constant 2 : i32
      %add3A_162 = arith.addi %mul3A_132, %add3A_161 : i32
      %dma_start3A_163 = arith.constant 0 : i32
      %dma_start3A_164 = tpu.memref_slice %arg14[%add3A_162, %dma_start3A_163] : memref<256x64xf32, #tpu.memory_space<vmem>> -> memref<1x64xf32, #tpu.memory_space<vmem>>
      %dma_start3A_165 = arith.constant 0 : i32
      %dma_start3A_166 = tpu.memref_slice %arg6[%squeeze3A_160, %dma_start3A_165] : memref<1000001x64xf32, #tpu.memory_space<hbm>> -> memref<1x64xf32, #tpu.memory_space<hbm>>
      %dma_start3A_167 = arith.constant 0 : i32
      %dma_start3A_168 = tpu.memref_slice %arg14[%add3A_162, %dma_start3A_167] : memref<256x64xf32, #tpu.memory_space<vmem>> -> memref<1x64xf32, #tpu.memory_space<vmem>>
      %dma_start3A_169 = arith.constant 0 : i32
      %dma_start3A_170 = tpu.memref_slice %arg6[%squeeze3A_160, %dma_start3A_169] : memref<1000001x64xf32, #tpu.memory_space<hbm>> -> memref<1x64xf32, #tpu.memory_space<hbm>>
      tpu.enqueue_dma source(%dma_start3A_170 : memref<1x64xf32, #tpu.memory_space<hbm>>) target(%dma_start3A_168 : memref<1x64xf32, #tpu.memory_space<vmem>>) target_semaphore(%arg16 : memref<!tpu.dma_semaphore, #tpu.memory_space<semaphore_mem>>)
      %slice3A_171 = vector.extract_strided_slice %get3A_136 {offsets = [3], sizes = [1], strides = [1]} : vector<16xi32> to vector<1xi32>
      %squeeze3A_172 = vector.extract %slice3A_171[0] : i32 from vector<1xi32>
      %add3A_173 = arith.constant 3 : i32
      %add3A_174 = arith.addi %mul3A_132, %add3A_173 : i32
      %dma_start3A_175 = arith.constant 0 : i32
      %dma_start3A_176 = tpu.memref_slice %arg14[%add3A_174, %dma_start3A_175] : memref<256x64xf32, #tpu.memory_space<vmem>> -> memref<1x64xf32, #tpu.memory_space<vmem>>
      %dma_start3A_177 = arith.constant 0 : i32
      %dma_start3A_178 = tpu.memref_slice %arg6[%squeeze3A_172, %dma_start3A_177] : memref<1000001x64xf32, #tpu.memory_space<hbm>> -> memref<1x64xf32, #tpu.memory_space<hbm>>
      %dma_start3A_179 = arith.constant 0 : i32
      %dma_start3A_180 = tpu.memref_slice %arg14[%add3A_174, %dma_start3A_179] : memref<256x64xf32, #tpu.memory_space<vmem>> -> memref<1x64xf32, #tpu.memory_space<vmem>>
      %dma_start3A_181 = arith.constant 0 : i32
      %dma_start3A_182 = tpu.memref_slice %arg6[%squeeze3A_172, %dma_start3A_181] : memref<1000001x64xf32, #tpu.memory_space<hbm>> -> memref<1x64xf32, #tpu.memory_space<hbm>>
      tpu.enqueue_dma source(%dma_start3A_182 : memref<1x64xf32, #tpu.memory_space<hbm>>) target(%dma_start3A_180 : memref<1x64xf32, #tpu.memory_space<vmem>>) target_semaphore(%arg16 : memref<!tpu.dma_semaphore, #tpu.memory_space<semaphore_mem>>)
      %slice3A_183 = vector.extract_strided_slice %get3A_136 {offsets = [4], sizes = [1], strides = [1]} : vector<16xi32> to vector<1xi32>
      %squeeze3A_184 = vector.extract %slice3A_183[0] : i32 from vector<1xi32>
      %add3A_185 = arith.constant 4 : i32
      %add3A_186 = arith.addi %mul3A_132, %add3A_185 : i32
      %dma_start3A_187 = arith.constant 0 : i32
      %dma_start3A_188 = tpu.memref_slice %arg14[%add3A_186, %dma_start3A_187] : memref<256x64xf32, #tpu.memory_space<vmem>> -> memref<1x64xf32, #tpu.memory_space<vmem>>
      %dma_start3A_189 = arith.constant 0 : i32
      %dma_start3A_190 = tpu.memref_slice %arg6[%squeeze3A_184, %dma_start3A_189] : memref<1000001x64xf32, #tpu.memory_space<hbm>> -> memref<1x64xf32, #tpu.memory_space<hbm>>
      %dma_start3A_191 = arith.constant 0 : i32
      %dma_start3A_192 = tpu.memref_slice %arg14[%add3A_186, %dma_start3A_191] : memref<256x64xf32, #tpu.memory_space<vmem>> -> memref<1x64xf32, #tpu.memory_space<vmem>>
      %dma_start3A_193 = arith.constant 0 : i32
      %dma_start3A_194 = tpu.memref_slice %arg6[%squeeze3A_184, %dma_start3A_193] : memref<1000001x64xf32, #tpu.memory_space<hbm>> -> memref<1x64xf32, #tpu.memory_space<hbm>>
      tpu.enqueue_dma source(%dma_start3A_194 : memref<1x64xf32, #tpu.memory_space<hbm>>) target(%dma_start3A_192 : memref<1x64xf32, #tpu.memory_space<vmem>>) target_semaphore(%arg16 : memref<!tpu.dma_semaphore, #tpu.memory_space<semaphore_mem>>)
      %slice3A_195 = vector.extract_strided_slice %get3A_136 {offsets = [5], sizes = [1], strides = [1]} : vector<16xi32> to vector<1xi32>
      %squeeze3A_196 = vector.extract %slice3A_195[0] : i32 from vector<1xi32>
      %add3A_197 = arith.constant 5 : i32
      %add3A_198 = arith.addi %mul3A_132, %add3A_197 : i32
      %dma_start3A_199 = arith.constant 0 : i32
      %dma_start3A_200 = tpu.memref_slice %arg14[%add3A_198, %dma_start3A_199] : memref<256x64xf32, #tpu.memory_space<vmem>> -> memref<1x64xf32, #tpu.memory_space<vmem>>
      %dma_start3A_201 = arith.constant 0 : i32
      %dma_start3A_202 = tpu.memref_slice %arg6[%squeeze3A_196, %dma_start3A_201] : memref<1000001x64xf32, #tpu.memory_space<hbm>> -> memref<1x64xf32, #tpu.memory_space<hbm>>
      %dma_start3A_203 = arith.constant 0 : i32
      %dma_start3A_204 = tpu.memref_slice %arg14[%add3A_198, %dma_start3A_203] : memref<256x64xf32, #tpu.memory_space<vmem>> -> memref<1x64xf32, #tpu.memory_space<vmem>>
      %dma_start3A_205 = arith.constant 0 : i32
      %dma_start3A_206 = tpu.memref_slice %arg6[%squeeze3A_196, %dma_start3A_205] : memref<1000001x64xf32, #tpu.memory_space<hbm>> -> memref<1x64xf32, #tpu.memory_space<hbm>>
      tpu.enqueue_dma source(%dma_start3A_206 : memref<1x64xf32, #tpu.memory_space<hbm>>) target(%dma_start3A_204 : memref<1x64xf32, #tpu.memory_space<vmem>>) target_semaphore(%arg16 : memref<!tpu.dma_semaphore, #tpu.memory_space<semaphore_mem>>)
      %slice3A_207 = vector.extract_strided_slice %get3A_136 {offsets = [6], sizes = [1], strides = [1]} : vector<16xi32> to vector<1xi32>
      %squeeze3A_208 = vector.extract %slice3A_207[0] : i32 from vector<1xi32>
      %add3A_209 = arith.constant 6 : i32
      %add3A_210 = arith.addi %mul3A_132, %add3A_209 : i32
      %dma_start3A_211 = arith.constant 0 : i32
      %dma_start3A_212 = tpu.memref_slice %arg14[%add3A_210, %dma_start3A_211] : memref<256x64xf32, #tpu.memory_space<vmem>> -> memref<1x64xf32, #tpu.memory_space<vmem>>
      %dma_start3A_213 = arith.constant 0 : i32
      %dma_start3A_214 = tpu.memref_slice %arg6[%squeeze3A_208, %dma_start3A_213] : memref<1000001x64xf32, #tpu.memory_space<hbm>> -> memref<1x64xf32, #tpu.memory_space<hbm>>
      %dma_start3A_215 = arith.constant 0 : i32
      %dma_start3A_216 = tpu.memref_slice %arg14[%add3A_210, %dma_start3A_215] : memref<256x64xf32, #tpu.memory_space<vmem>> -> memref<1x64xf32, #tpu.memory_space<vmem>>
      %dma_start3A_217 = arith.constant 0 : i32
      %dma_start3A_218 = tpu.memref_slice %arg6[%squeeze3A_208, %dma_start3A_217] : memref<1000001x64xf32, #tpu.memory_space<hbm>> -> memref<1x64xf32, #tpu.memory_space<hbm>>
      tpu.enqueue_dma source(%dma_start3A_218 : memref<1x64xf32, #tpu.memory_space<hbm>>) target(%dma_start3A_216 : memref<1x64xf32, #tpu.memory_space<vmem>>) target_semaphore(%arg16 : memref<!tpu.dma_semaphore, #tpu.memory_space<semaphore_mem>>)
      %slice3A_219 = vector.extract_strided_slice %get3A_136 {offsets = [7], sizes = [1], strides = [1]} : vector<16xi32> to vector<1xi32>
      %squeeze3A_220 = vector.extract %slice3A_219[0] : i32 from vector<1xi32>
      %add3A_221 = arith.constant 7 : i32
      %add3A_222 = arith.addi %mul3A_132, %add3A_221 : i32
      %dma_start3A_223 = arith.constant 0 : i32
      %dma_start3A_224 = tpu.memref_slice %arg14[%add3A_222, %dma_start3A_223] : memref<256x64xf32, #tpu.memory_space<vmem>> -> memref<1x64xf32, #tpu.memory_space<vmem>>
      %dma_start3A_225 = arith.constant 0 : i32
      %dma_start3A_226 = tpu.memref_slice %arg6[%squeeze3A_220, %dma_start3A_225] : memref<1000001x64xf32, #tpu.memory_space<hbm>> -> memref<1x64xf32, #tpu.memory_space<hbm>>
      %dma_start3A_227 = arith.constant 0 : i32
      %dma_start3A_228 = tpu.memref_slice %arg14[%add3A_222, %dma_start3A_227] : memref<256x64xf32, #tpu.memory_space<vmem>> -> memref<1x64xf32, #tpu.memory_space<vmem>>
      %dma_start3A_229 = arith.constant 0 : i32
      %dma_start3A_230 = tpu.memref_slice %arg6[%squeeze3A_220, %dma_start3A_229] : memref<1000001x64xf32, #tpu.memory_space<hbm>> -> memref<1x64xf32, #tpu.memory_space<hbm>>
      tpu.enqueue_dma source(%dma_start3A_230 : memref<1x64xf32, #tpu.memory_space<hbm>>) target(%dma_start3A_228 : memref<1x64xf32, #tpu.memory_space<vmem>>) target_semaphore(%arg16 : memref<!tpu.dma_semaphore, #tpu.memory_space<semaphore_mem>>)
      %slice3A_231 = vector.extract_strided_slice %get3A_136 {offsets = [8], sizes = [1], strides = [1]} : vector<16xi32> to vector<1xi32>
      %squeeze3A_232 = vector.extract %slice3A_231[0] : i32 from vector<1xi32>
      %add3A_233 = arith.constant 8 : i32
      %add3A_234 = arith.addi %mul3A_132, %add3A_233 : i32
      %dma_start3A_235 = arith.constant 0 : i32
      %dma_start3A_236 = tpu.memref_slice %arg14[%add3A_234, %dma_start3A_235] : memref<256x64xf32, #tpu.memory_space<vmem>> -> memref<1x64xf32, #tpu.memory_space<vmem>>
      %dma_start3A_237 = arith.constant 0 : i32
      %dma_start3A_238 = tpu.memref_slice %arg6[%squeeze3A_232, %dma_start3A_237] : memref<1000001x64xf32, #tpu.memory_space<hbm>> -> memref<1x64xf32, #tpu.memory_space<hbm>>
      %dma_start3A_239 = arith.constant 0 : i32
      %dma_start3A_240 = tpu.memref_slice %arg14[%add3A_234, %dma_start3A_239] : memref<256x64xf32, #tpu.memory_space<vmem>> -> memref<1x64xf32, #tpu.memory_space<vmem>>
      %dma_start3A_241 = arith.constant 0 : i32
      %dma_start3A_242 = tpu.memref_slice %arg6[%squeeze3A_232, %dma_start3A_241] : memref<1000001x64xf32, #tpu.memory_space<hbm>> -> memref<1x64xf32, #tpu.memory_space<hbm>>
      tpu.enqueue_dma source(%dma_start3A_242 : memref<1x64xf32, #tpu.memory_space<hbm>>) target(%dma_start3A_240 : memref<1x64xf32, #tpu.memory_space<vmem>>) target_semaphore(%arg16 : memref<!tpu.dma_semaphore, #tpu.memory_space<semaphore_mem>>)
      %slice3A_243 = vector.extract_strided_slice %get3A_136 {offsets = [9], sizes = [1], strides = [1]} : vector<16xi32> to vector<1xi32>
      %squeeze3A_244 = vector.extract %slice3A_243[0] : i32 from vector<1xi32>
      %add3A_245 = arith.constant 9 : i32
      %add3A_246 = arith.addi %mul3A_132, %add3A_245 : i32
      %dma_start3A_247 = arith.constant 0 : i32
      %dma_start3A_248 = tpu.memref_slice %arg14[%add3A_246, %dma_start3A_247] : memref<256x64xf32, #tpu.memory_space<vmem>> -> memref<1x64xf32, #tpu.memory_space<vmem>>
      %dma_start3A_249 = arith.constant 0 : i32
      %dma_start3A_250 = tpu.memref_slice %arg6[%squeeze3A_244, %dma_start3A_249] : memref<1000001x64xf32, #tpu.memory_space<hbm>> -> memref<1x64xf32, #tpu.memory_space<hbm>>
      %dma_start3A_251 = arith.constant 0 : i32
      %dma_start3A_252 = tpu.memref_slice %arg14[%add3A_246, %dma_start3A_251] : memref<256x64xf32, #tpu.memory_space<vmem>> -> memref<1x64xf32, #tpu.memory_space<vmem>>
      %dma_start3A_253 = arith.constant 0 : i32
      %dma_start3A_254 = tpu.memref_slice %arg6[%squeeze3A_244, %dma_start3A_253] : memref<1000001x64xf32, #tpu.memory_space<hbm>> -> memref<1x64xf32, #tpu.memory_space<hbm>>
      tpu.enqueue_dma source(%dma_start3A_254 : memref<1x64xf32, #tpu.memory_space<hbm>>) target(%dma_start3A_252 : memref<1x64xf32, #tpu.memory_space<vmem>>) target_semaphore(%arg16 : memref<!tpu.dma_semaphore, #tpu.memory_space<semaphore_mem>>)
      %slice3A_255 = vector.extract_strided_slice %get3A_136 {offsets = [10], sizes = [1], strides = [1]} : vector<16xi32> to vector<1xi32>
      %squeeze3A_256 = vector.extract %slice3A_255[0] : i32 from vector<1xi32>
      %add3A_257 = arith.constant 10 : i32
      %add3A_258 = arith.addi %mul3A_132, %add3A_257 : i32
      %dma_start3A_259 = arith.constant 0 : i32
      %dma_start3A_260 = tpu.memref_slice %arg14[%add3A_258, %dma_start3A_259] : memref<256x64xf32, #tpu.memory_space<vmem>> -> memref<1x64xf32, #tpu.memory_space<vmem>>
      %dma_start3A_261 = arith.constant 0 : i32
      %dma_start3A_262 = tpu.memref_slice %arg6[%squeeze3A_256, %dma_start3A_261] : memref<1000001x64xf32, #tpu.memory_space<hbm>> -> memref<1x64xf32, #tpu.memory_space<hbm>>
      %dma_start3A_263 = arith.constant 0 : i32
      %dma_start3A_264 = tpu.memref_slice %arg14[%add3A_258, %dma_start3A_263] : memref<256x64xf32, #tpu.memory_space<vmem>> -> memref<1x64xf32, #tpu.memory_space<vmem>>
      %dma_start3A_265 = arith.constant 0 : i32
      %dma_start3A_266 = tpu.memref_slice %arg6[%squeeze3A_256, %dma_start3A_265] : memref<1000001x64xf32, #tpu.memory_space<hbm>> -> memref<1x64xf32, #tpu.memory_space<hbm>>
      tpu.enqueue_dma source(%dma_start3A_266 : memref<1x64xf32, #tpu.memory_space<hbm>>) target(%dma_start3A_264 : memref<1x64xf32, #tpu.memory_space<vmem>>) target_semaphore(%arg16 : memref<!tpu.dma_semaphore, #tpu.memory_space<semaphore_mem>>)
      %slice3A_267 = vector.extract_strided_slice %get3A_136 {offsets = [11], sizes = [1], strides = [1]} : vector<16xi32> to vector<1xi32>
      %squeeze3A_268 = vector.extract %slice3A_267[0] : i32 from vector<1xi32>
      %add3A_269 = arith.constant 11 : i32
      %add3A_270 = arith.addi %mul3A_132, %add3A_269 : i32
      %dma_start3A_271 = arith.constant 0 : i32
      %dma_start3A_272 = tpu.memref_slice %arg14[%add3A_270, %dma_start3A_271] : memref<256x64xf32, #tpu.memory_space<vmem>> -> memref<1x64xf32, #tpu.memory_space<vmem>>
      %dma_start3A_273 = arith.constant 0 : i32
      %dma_start3A_274 = tpu.memref_slice %arg6[%squeeze3A_268, %dma_start3A_273] : memref<1000001x64xf32, #tpu.memory_space<hbm>> -> memref<1x64xf32, #tpu.memory_space<hbm>>
      %dma_start3A_275 = arith.constant 0 : i32
      %dma_start3A_276 = tpu.memref_slice %arg14[%add3A_270, %dma_start3A_275] : memref<256x64xf32, #tpu.memory_space<vmem>> -> memref<1x64xf32, #tpu.memory_space<vmem>>
      %dma_start3A_277 = arith.constant 0 : i32
      %dma_start3A_278 = tpu.memref_slice %arg6[%squeeze3A_268, %dma_start3A_277] : memref<1000001x64xf32, #tpu.memory_space<hbm>> -> memref<1x64xf32, #tpu.memory_space<hbm>>
      tpu.enqueue_dma source(%dma_start3A_278 : memref<1x64xf32, #tpu.memory_space<hbm>>) target(%dma_start3A_276 : memref<1x64xf32, #tpu.memory_space<vmem>>) target_semaphore(%arg16 : memref<!tpu.dma_semaphore, #tpu.memory_space<semaphore_mem>>)
      %slice3A_279 = vector.extract_strided_slice %get3A_136 {offsets = [12], sizes = [1], strides = [1]} : vector<16xi32> to vector<1xi32>
      %squeeze3A_280 = vector.extract %slice3A_279[0] : i32 from vector<1xi32>
      %add3A_281 = arith.constant 12 : i32
      %add3A_282 = arith.addi %mul3A_132, %add3A_281 : i32
      %dma_start3A_283 = arith.constant 0 : i32
      %dma_start3A_284 = tpu.memref_slice %arg14[%add3A_282, %dma_start3A_283] : memref<256x64xf32, #tpu.memory_space<vmem>> -> memref<1x64xf32, #tpu.memory_space<vmem>>
      %dma_start3A_285 = arith.constant 0 : i32
      %dma_start3A_286 = tpu.memref_slice %arg6[%squeeze3A_280, %dma_start3A_285] : memref<1000001x64xf32, #tpu.memory_space<hbm>> -> memref<1x64xf32, #tpu.memory_space<hbm>>
      %dma_start3A_287 = arith.constant 0 : i32
      %dma_start3A_288 = tpu.memref_slice %arg14[%add3A_282, %dma_start3A_287] : memref<256x64xf32, #tpu.memory_space<vmem>> -> memref<1x64xf32, #tpu.memory_space<vmem>>
      %dma_start3A_289 = arith.constant 0 : i32
      %dma_start3A_290 = tpu.memref_slice %arg6[%squeeze3A_280, %dma_start3A_289] : memref<1000001x64xf32, #tpu.memory_space<hbm>> -> memref<1x64xf32, #tpu.memory_space<hbm>>
      tpu.enqueue_dma source(%dma_start3A_290 : memref<1x64xf32, #tpu.memory_space<hbm>>) target(%dma_start3A_288 : memref<1x64xf32, #tpu.memory_space<vmem>>) target_semaphore(%arg16 : memref<!tpu.dma_semaphore, #tpu.memory_space<semaphore_mem>>)
      %slice3A_291 = vector.extract_strided_slice %get3A_136 {offsets = [13], sizes = [1], strides = [1]} : vector<16xi32> to vector<1xi32>
      %squeeze3A_292 = vector.extract %slice3A_291[0] : i32 from vector<1xi32>
      %add3A_293 = arith.constant 13 : i32
      %add3A_294 = arith.addi %mul3A_132, %add3A_293 : i32
      %dma_start3A_295 = arith.constant 0 : i32
      %dma_start3A_296 = tpu.memref_slice %arg14[%add3A_294, %dma_start3A_295] : memref<256x64xf32, #tpu.memory_space<vmem>> -> memref<1x64xf32, #tpu.memory_space<vmem>>
      %dma_start3A_297 = arith.constant 0 : i32
      %dma_start3A_298 = tpu.memref_slice %arg6[%squeeze3A_292, %dma_start3A_297] : memref<1000001x64xf32, #tpu.memory_space<hbm>> -> memref<1x64xf32, #tpu.memory_space<hbm>>
      %dma_start3A_299 = arith.constant 0 : i32
      %dma_start3A_300 = tpu.memref_slice %arg14[%add3A_294, %dma_start3A_299] : memref<256x64xf32, #tpu.memory_space<vmem>> -> memref<1x64xf32, #tpu.memory_space<vmem>>
      %dma_start3A_301 = arith.constant 0 : i32
      %dma_start3A_302 = tpu.memref_slice %arg6[%squeeze3A_292, %dma_start3A_301] : memref<1000001x64xf32, #tpu.memory_space<hbm>> -> memref<1x64xf32, #tpu.memory_space<hbm>>
      tpu.enqueue_dma source(%dma_start3A_302 : memref<1x64xf32, #tpu.memory_space<hbm>>) target(%dma_start3A_300 : memref<1x64xf32, #tpu.memory_space<vmem>>) target_semaphore(%arg16 : memref<!tpu.dma_semaphore, #tpu.memory_space<semaphore_mem>>)
      %slice3A_303 = vector.extract_strided_slice %get3A_136 {offsets = [14], sizes = [1], strides = [1]} : vector<16xi32> to vector<1xi32>
      %squeeze3A_304 = vector.extract %slice3A_303[0] : i32 from vector<1xi32>
      %add3A_305 = arith.constant 14 : i32
      %add3A_306 = arith.addi %mul3A_132, %add3A_305 : i32
      %dma_start3A_307 = arith.constant 0 : i32
      %dma_start3A_308 = tpu.memref_slice %arg14[%add3A_306, %dma_start3A_307] : memref<256x64xf32, #tpu.memory_space<vmem>> -> memref<1x64xf32, #tpu.memory_space<vmem>>
      %dma_start3A_309 = arith.constant 0 : i32
      %dma_start3A_310 = tpu.memref_slice %arg6[%squeeze3A_304, %dma_start3A_309] : memref<1000001x64xf32, #tpu.memory_space<hbm>> -> memref<1x64xf32, #tpu.memory_space<hbm>>
      %dma_start3A_311 = arith.constant 0 : i32
      %dma_start3A_312 = tpu.memref_slice %arg14[%add3A_306, %dma_start3A_311] : memref<256x64xf32, #tpu.memory_space<vmem>> -> memref<1x64xf32, #tpu.memory_space<vmem>>
      %dma_start3A_313 = arith.constant 0 : i32
      %dma_start3A_314 = tpu.memref_slice %arg6[%squeeze3A_304, %dma_start3A_313] : memref<1000001x64xf32, #tpu.memory_space<hbm>> -> memref<1x64xf32, #tpu.memory_space<hbm>>
      tpu.enqueue_dma source(%dma_start3A_314 : memref<1x64xf32, #tpu.memory_space<hbm>>) target(%dma_start3A_312 : memref<1x64xf32, #tpu.memory_space<vmem>>) target_semaphore(%arg16 : memref<!tpu.dma_semaphore, #tpu.memory_space<semaphore_mem>>)
      %slice3A_315 = vector.extract_strided_slice %get3A_136 {offsets = [15], sizes = [1], strides = [1]} : vector<16xi32> to vector<1xi32>
      %squeeze3A_316 = vector.extract %slice3A_315[0] : i32 from vector<1xi32>
      %add3A_317 = arith.constant 15 : i32
      %add3A_318 = arith.addi %mul3A_132, %add3A_317 : i32
      %dma_start3A_319 = arith.constant 0 : i32
      %dma_start3A_320 = tpu.memref_slice %arg14[%add3A_318, %dma_start3A_319] : memref<256x64xf32, #tpu.memory_space<vmem>> -> memref<1x64xf32, #tpu.memory_space<vmem>>
      %dma_start3A_321 = arith.constant 0 : i32
      %dma_start3A_322 = tpu.memref_slice %arg6[%squeeze3A_316, %dma_start3A_321] : memref<1000001x64xf32, #tpu.memory_space<hbm>> -> memref<1x64xf32, #tpu.memory_space<hbm>>
      %dma_start3A_323 = arith.constant 0 : i32
      %dma_start3A_324 = tpu.memref_slice %arg14[%add3A_318, %dma_start3A_323] : memref<256x64xf32, #tpu.memory_space<vmem>> -> memref<1x64xf32, #tpu.memory_space<vmem>>
      %dma_start3A_325 = arith.constant 0 : i32
      %dma_start3A_326 = tpu.memref_slice %arg6[%squeeze3A_316, %dma_start3A_325] : memref<1000001x64xf32, #tpu.memory_space<hbm>> -> memref<1x64xf32, #tpu.memory_space<hbm>>
      tpu.enqueue_dma source(%dma_start3A_326 : memref<1x64xf32, #tpu.memory_space<hbm>>) target(%dma_start3A_324 : memref<1x64xf32, #tpu.memory_space<vmem>>) target_semaphore(%arg16 : memref<!tpu.dma_semaphore, #tpu.memory_space<semaphore_mem>>)
    }
    %scan3A_63 = arith.constant 16 : i32
    %dma_wait3A_64 = arith.constant 0 : i32
    %dma_wait3A_65 = arith.constant 0 : i32
    %dma_wait3A_66 = tpu.memref_slice %arg6[%dma_wait3A_64, %dma_wait3A_65] : memref<1000001x64xf32, #tpu.memory_space<hbm>> -> memref<256x64xf32, #tpu.memory_space<hbm>>
    %dma_wait3A_67 = arith.constant 0 : i32
    %dma_wait3A_68 = arith.constant 0 : i32
    %dma_wait3A_69 = tpu.memref_slice %arg6[%dma_wait3A_67, %dma_wait3A_68] : memref<1000001x64xf32, #tpu.memory_space<hbm>> -> memref<256x64xf32, #tpu.memory_space<hbm>>
    tpu.wait_dma2 semaphore(%arg16 : memref<!tpu.dma_semaphore, #tpu.memory_space<semaphore_mem>>) src(%dma_wait3A_69 : memref<256x64xf32, #tpu.memory_space<hbm>>) dst(%arg14 : memref<256x64xf32, #tpu.memory_space<vmem>>)
    %add3A_70 = arith.constant 256 : i32
    %add3A_71 = arith.addi %mul3A_2, %add3A_70 : i32
    %dma_start3A_72 = arith.constant 0 : i32
    %dma_start3A_73 = tpu.memref_slice %arg8[%add3A_71, %dma_start3A_72] : memref<16384x64xf32, #tpu.memory_space<hbm>> -> memref<256x64xf32, #tpu.memory_space<hbm>>
    %dma_start3A_74 = arith.constant 0 : i32
    %dma_start3A_75 = tpu.memref_slice %arg8[%add3A_71, %dma_start3A_74] : memref<16384x64xf32, #tpu.memory_space<hbm>> -> memref<256x64xf32, #tpu.memory_space<hbm>>
    tpu.enqueue_dma source(%arg14 : memref<256x64xf32, #tpu.memory_space<vmem>>) target(%dma_start3A_75 : memref<256x64xf32, #tpu.memory_space<hbm>>) target_semaphore(%arg18 : memref<!tpu.dma_semaphore, #tpu.memory_space<semaphore_mem>>)
    %dma_wait3A_76 = arith.constant 0 : i32
    %dma_wait3A_77 = tpu.memref_slice %arg8[%add3A_50, %dma_wait3A_76] : memref<16384x64xf32, #tpu.memory_space<hbm>> -> memref<256x64xf32, #tpu.memory_space<hbm>>
    %dma_wait3A_78 = arith.constant 0 : i32
    %dma_wait3A_79 = tpu.memref_slice %arg8[%add3A_50, %dma_wait3A_78] : memref<16384x64xf32, #tpu.memory_space<hbm>> -> memref<256x64xf32, #tpu.memory_space<hbm>>
    tpu.wait_dma2 semaphore(%arg17 : memref<!tpu.dma_semaphore, #tpu.memory_space<semaphore_mem>>) src(%arg13 : memref<256x64xf32, #tpu.memory_space<vmem>>) dst(%dma_wait3A_79 : memref<256x64xf32, #tpu.memory_space<hbm>>)
    %scan3A_80 = arith.constant 0 : i32
    %scan3A_81 = arith.constant 16 : i32
    %scan3A_82 = arith.addi %scan3A_80, %scan3A_81 : i32
    %scan3A_83 = arith.constant 1 : i32
    scf.for %scan3A_126 = %scan3A_80 to %scan3A_82 step %scan3A_83  : i32 {
      %mul3A_127 = arith.constant 1 : i32
      %mul3A_128 = arith.muli %scan3A_126, %mul3A_127 : i32
      %add3A_129 = arith.constant 0 : i32
      %add3A_130 = arith.addi %add3A_129, %mul3A_128 : i32
      %mul3A_131 = arith.constant 16 : i32
      %mul3A_132 = arith.muli %add3A_130, %mul3A_131 : i32
      %add3A_133 = arith.constant 0 : i32
      %add3A_134 = arith.addi %add3A_133, %mul3A_132 : i32
      %get3A = arith.index_cast %add3A_134 : i32 to index
      %get3A_135 = tpu.vector_load %arg12[%get3A] {strides = array<i32>} : memref<512xi32, #tpu.memory_space<vmem>>, vector<16xi32>,
      %get3A_136 = vector.shape_cast %get3A_135 : vector<16xi32> to vector<16xi32>
      %slice3A = vector.extract_strided_slice %get3A_136 {offsets = [0], sizes = [1], strides = [1]} : vector<16xi32> to vector<1xi32>
      %squeeze3A = vector.extract %slice3A[0] : i32 from vector<1xi32>
      %add3A_137 = arith.constant 0 : i32
      %add3A_138 = arith.addi %mul3A_132, %add3A_137 : i32
      %dma_start3A_139 = arith.constant 0 : i32
      %dma_start3A_140 = tpu.memref_slice %arg13[%add3A_138, %dma_start3A_139] : memref<256x64xf32, #tpu.memory_space<vmem>> -> memref<1x64xf32, #tpu.memory_space<vmem>>
      %dma_start3A_141 = arith.constant 0 : i32
      %dma_start3A_142 = tpu.memref_slice %arg6[%squeeze3A, %dma_start3A_141] : memref<1000001x64xf32, #tpu.memory_space<hbm>> -> memref<1x64xf32, #tpu.memory_space<hbm>>
      %dma_start3A_143 = arith.constant 0 : i32
      %dma_start3A_144 = tpu.memref_slice %arg13[%add3A_138, %dma_start3A_143] : memref<256x64xf32, #tpu.memory_space<vmem>> -> memref<1x64xf32, #tpu.memory_space<vmem>>
      %dma_start3A_145 = arith.constant 0 : i32
      %dma_start3A_146 = tpu.memref_slice %arg6[%squeeze3A, %dma_start3A_145] : memref<1000001x64xf32, #tpu.memory_space<hbm>> -> memref<1x64xf32, #tpu.memory_space<hbm>>
      tpu.enqueue_dma source(%dma_start3A_146 : memref<1x64xf32, #tpu.memory_space<hbm>>) target(%dma_start3A_144 : memref<1x64xf32, #tpu.memory_space<vmem>>) target_semaphore(%arg15 : memref<!tpu.dma_semaphore, #tpu.memory_space<semaphore_mem>>)
      %slice3A_147 = vector.extract_strided_slice %get3A_136 {offsets = [1], sizes = [1], strides = [1]} : vector<16xi32> to vector<1xi32>
      %squeeze3A_148 = vector.extract %slice3A_147[0] : i32 from vector<1xi32>
      %add3A_149 = arith.constant 1 : i32
      %add3A_150 = arith.addi %mul3A_132, %add3A_149 : i32
      %dma_start3A_151 = arith.constant 0 : i32
      %dma_start3A_152 = tpu.memref_slice %arg13[%add3A_150, %dma_start3A_151] : memref<256x64xf32, #tpu.memory_space<vmem>> -> memref<1x64xf32, #tpu.memory_space<vmem>>
      %dma_start3A_153 = arith.constant 0 : i32
      %dma_start3A_154 = tpu.memref_slice %arg6[%squeeze3A_148, %dma_start3A_153] : memref<1000001x64xf32, #tpu.memory_space<hbm>> -> memref<1x64xf32, #tpu.memory_space<hbm>>
      %dma_start3A_155 = arith.constant 0 : i32
      %dma_start3A_156 = tpu.memref_slice %arg13[%add3A_150, %dma_start3A_155] : memref<256x64xf32, #tpu.memory_space<vmem>> -> memref<1x64xf32, #tpu.memory_space<vmem>>
      %dma_start3A_157 = arith.constant 0 : i32
      %dma_start3A_158 = tpu.memref_slice %arg6[%squeeze3A_148, %dma_start3A_157] : memref<1000001x64xf32, #tpu.memory_space<hbm>> -> memref<1x64xf32, #tpu.memory_space<hbm>>
      tpu.enqueue_dma source(%dma_start3A_158 : memref<1x64xf32, #tpu.memory_space<hbm>>) target(%dma_start3A_156 : memref<1x64xf32, #tpu.memory_space<vmem>>) target_semaphore(%arg15 : memref<!tpu.dma_semaphore, #tpu.memory_space<semaphore_mem>>)
      %slice3A_159 = vector.extract_strided_slice %get3A_136 {offsets = [2], sizes = [1], strides = [1]} : vector<16xi32> to vector<1xi32>
      %squeeze3A_160 = vector.extract %slice3A_159[0] : i32 from vector<1xi32>
      %add3A_161 = arith.constant 2 : i32
      %add3A_162 = arith.addi %mul3A_132, %add3A_161 : i32
      %dma_start3A_163 = arith.constant 0 : i32
      %dma_start3A_164 = tpu.memref_slice %arg13[%add3A_162, %dma_start3A_163] : memref<256x64xf32, #tpu.memory_space<vmem>> -> memref<1x64xf32, #tpu.memory_space<vmem>>
      %dma_start3A_165 = arith.constant 0 : i32
      %dma_start3A_166 = tpu.memref_slice %arg6[%squeeze3A_160, %dma_start3A_165] : memref<1000001x64xf32, #tpu.memory_space<hbm>> -> memref<1x64xf32, #tpu.memory_space<hbm>>
      %dma_start3A_167 = arith.constant 0 : i32
      %dma_start3A_168 = tpu.memref_slice %arg13[%add3A_162, %dma_start3A_167] : memref<256x64xf32, #tpu.memory_space<vmem>> -> memref<1x64xf32, #tpu.memory_space<vmem>>
      %dma_start3A_169 = arith.constant 0 : i32
      %dma_start3A_170 = tpu.memref_slice %arg6[%squeeze3A_160, %dma_start3A_169] : memref<1000001x64xf32, #tpu.memory_space<hbm>> -> memref<1x64xf32, #tpu.memory_space<hbm>>
      tpu.enqueue_dma source(%dma_start3A_170 : memref<1x64xf32, #tpu.memory_space<hbm>>) target(%dma_start3A_168 : memref<1x64xf32, #tpu.memory_space<vmem>>) target_semaphore(%arg15 : memref<!tpu.dma_semaphore, #tpu.memory_space<semaphore_mem>>)
      %slice3A_171 = vector.extract_strided_slice %get3A_136 {offsets = [3], sizes = [1], strides = [1]} : vector<16xi32> to vector<1xi32>
      %squeeze3A_172 = vector.extract %slice3A_171[0] : i32 from vector<1xi32>
      %add3A_173 = arith.constant 3 : i32
      %add3A_174 = arith.addi %mul3A_132, %add3A_173 : i32
      %dma_start3A_175 = arith.constant 0 : i32
      %dma_start3A_176 = tpu.memref_slice %arg13[%add3A_174, %dma_start3A_175] : memref<256x64xf32, #tpu.memory_space<vmem>> -> memref<1x64xf32, #tpu.memory_space<vmem>>
      %dma_start3A_177 = arith.constant 0 : i32
      %dma_start3A_178 = tpu.memref_slice %arg6[%squeeze3A_172, %dma_start3A_177] : memref<1000001x64xf32, #tpu.memory_space<hbm>> -> memref<1x64xf32, #tpu.memory_space<hbm>>
      %dma_start3A_179 = arith.constant 0 : i32
      %dma_start3A_180 = tpu.memref_slice %arg13[%add3A_174, %dma_start3A_179] : memref<256x64xf32, #tpu.memory_space<vmem>> -> memref<1x64xf32, #tpu.memory_space<vmem>>
      %dma_start3A_181 = arith.constant 0 : i32
      %dma_start3A_182 = tpu.memref_slice %arg6[%squeeze3A_172, %dma_start3A_181] : memref<1000001x64xf32, #tpu.memory_space<hbm>> -> memref<1x64xf32, #tpu.memory_space<hbm>>
      tpu.enqueue_dma source(%dma_start3A_182 : memref<1x64xf32, #tpu.memory_space<hbm>>) target(%dma_start3A_180 : memref<1x64xf32, #tpu.memory_space<vmem>>) target_semaphore(%arg15 : memref<!tpu.dma_semaphore, #tpu.memory_space<semaphore_mem>>)
      %slice3A_183 = vector.extract_strided_slice %get3A_136 {offsets = [4], sizes = [1], strides = [1]} : vector<16xi32> to vector<1xi32>
      %squeeze3A_184 = vector.extract %slice3A_183[0] : i32 from vector<1xi32>
      %add3A_185 = arith.constant 4 : i32
      %add3A_186 = arith.addi %mul3A_132, %add3A_185 : i32
      %dma_start3A_187 = arith.constant 0 : i32
      %dma_start3A_188 = tpu.memref_slice %arg13[%add3A_186, %dma_start3A_187] : memref<256x64xf32, #tpu.memory_space<vmem>> -> memref<1x64xf32, #tpu.memory_space<vmem>>
      %dma_start3A_189 = arith.constant 0 : i32
      %dma_start3A_190 = tpu.memref_slice %arg6[%squeeze3A_184, %dma_start3A_189] : memref<1000001x64xf32, #tpu.memory_space<hbm>> -> memref<1x64xf32, #tpu.memory_space<hbm>>
      %dma_start3A_191 = arith.constant 0 : i32
      %dma_start3A_192 = tpu.memref_slice %arg13[%add3A_186, %dma_start3A_191] : memref<256x64xf32, #tpu.memory_space<vmem>> -> memref<1x64xf32, #tpu.memory_space<vmem>>
      %dma_start3A_193 = arith.constant 0 : i32
      %dma_start3A_194 = tpu.memref_slice %arg6[%squeeze3A_184, %dma_start3A_193] : memref<1000001x64xf32, #tpu.memory_space<hbm>> -> memref<1x64xf32, #tpu.memory_space<hbm>>
      tpu.enqueue_dma source(%dma_start3A_194 : memref<1x64xf32, #tpu.memory_space<hbm>>) target(%dma_start3A_192 : memref<1x64xf32, #tpu.memory_space<vmem>>) target_semaphore(%arg15 : memref<!tpu.dma_semaphore, #tpu.memory_space<semaphore_mem>>)
      %slice3A_195 = vector.extract_strided_slice %get3A_136 {offsets = [5], sizes = [1], strides = [1]} : vector<16xi32> to vector<1xi32>
      %squeeze3A_196 = vector.extract %slice3A_195[0] : i32 from vector<1xi32>
      %add3A_197 = arith.constant 5 : i32
      %add3A_198 = arith.addi %mul3A_132, %add3A_197 : i32
      %dma_start3A_199 = arith.constant 0 : i32
      %dma_start3A_200 = tpu.memref_slice %arg13[%add3A_198, %dma_start3A_199] : memref<256x64xf32, #tpu.memory_space<vmem>> -> memref<1x64xf32, #tpu.memory_space<vmem>>
      %dma_start3A_201 = arith.constant 0 : i32
      %dma_start3A_202 = tpu.memref_slice %arg6[%squeeze3A_196, %dma_start3A_201] : memref<1000001x64xf32, #tpu.memory_space<hbm>> -> memref<1x64xf32, #tpu.memory_space<hbm>>
      %dma_start3A_203 = arith.constant 0 : i32
      %dma_start3A_204 = tpu.memref_slice %arg13[%add3A_198, %dma_start3A_203] : memref<256x64xf32, #tpu.memory_space<vmem>> -> memref<1x64xf32, #tpu.memory_space<vmem>>
      %dma_start3A_205 = arith.constant 0 : i32
      %dma_start3A_206 = tpu.memref_slice %arg6[%squeeze3A_196, %dma_start3A_205] : memref<1000001x64xf32, #tpu.memory_space<hbm>> -> memref<1x64xf32, #tpu.memory_space<hbm>>
      tpu.enqueue_dma source(%dma_start3A_206 : memref<1x64xf32, #tpu.memory_space<hbm>>) target(%dma_start3A_204 : memref<1x64xf32, #tpu.memory_space<vmem>>) target_semaphore(%arg15 : memref<!tpu.dma_semaphore, #tpu.memory_space<semaphore_mem>>)
      %slice3A_207 = vector.extract_strided_slice %get3A_136 {offsets = [6], sizes = [1], strides = [1]} : vector<16xi32> to vector<1xi32>
      %squeeze3A_208 = vector.extract %slice3A_207[0] : i32 from vector<1xi32>
      %add3A_209 = arith.constant 6 : i32
      %add3A_210 = arith.addi %mul3A_132, %add3A_209 : i32
      %dma_start3A_211 = arith.constant 0 : i32
      %dma_start3A_212 = tpu.memref_slice %arg13[%add3A_210, %dma_start3A_211] : memref<256x64xf32, #tpu.memory_space<vmem>> -> memref<1x64xf32, #tpu.memory_space<vmem>>
      %dma_start3A_213 = arith.constant 0 : i32
      %dma_start3A_214 = tpu.memref_slice %arg6[%squeeze3A_208, %dma_start3A_213] : memref<1000001x64xf32, #tpu.memory_space<hbm>> -> memref<1x64xf32, #tpu.memory_space<hbm>>
      %dma_start3A_215 = arith.constant 0 : i32
      %dma_start3A_216 = tpu.memref_slice %arg13[%add3A_210, %dma_start3A_215] : memref<256x64xf32, #tpu.memory_space<vmem>> -> memref<1x64xf32, #tpu.memory_space<vmem>>
      %dma_start3A_217 = arith.constant 0 : i32
      %dma_start3A_218 = tpu.memref_slice %arg6[%squeeze3A_208, %dma_start3A_217] : memref<1000001x64xf32, #tpu.memory_space<hbm>> -> memref<1x64xf32, #tpu.memory_space<hbm>>
      tpu.enqueue_dma source(%dma_start3A_218 : memref<1x64xf32, #tpu.memory_space<hbm>>) target(%dma_start3A_216 : memref<1x64xf32, #tpu.memory_space<vmem>>) target_semaphore(%arg15 : memref<!tpu.dma_semaphore, #tpu.memory_space<semaphore_mem>>)
      %slice3A_219 = vector.extract_strided_slice %get3A_136 {offsets = [7], sizes = [1], strides = [1]} : vector<16xi32> to vector<1xi32>
      %squeeze3A_220 = vector.extract %slice3A_219[0] : i32 from vector<1xi32>
      %add3A_221 = arith.constant 7 : i32
      %add3A_222 = arith.addi %mul3A_132, %add3A_221 : i32
      %dma_start3A_223 = arith.constant 0 : i32
      %dma_start3A_224 = tpu.memref_slice %arg13[%add3A_222, %dma_start3A_223] : memref<256x64xf32, #tpu.memory_space<vmem>> -> memref<1x64xf32, #tpu.memory_space<vmem>>
      %dma_start3A_225 = arith.constant 0 : i32
      %dma_start3A_226 = tpu.memref_slice %arg6[%squeeze3A_220, %dma_start3A_225] : memref<1000001x64xf32, #tpu.memory_space<hbm>> -> memref<1x64xf32, #tpu.memory_space<hbm>>
      %dma_start3A_227 = arith.constant 0 : i32
      %dma_start3A_228 = tpu.memref_slice %arg13[%add3A_222, %dma_start3A_227] : memref<256x64xf32, #tpu.memory_space<vmem>> -> memref<1x64xf32, #tpu.memory_space<vmem>>
      %dma_start3A_229 = arith.constant 0 : i32
      %dma_start3A_230 = tpu.memref_slice %arg6[%squeeze3A_220, %dma_start3A_229] : memref<1000001x64xf32, #tpu.memory_space<hbm>> -> memref<1x64xf32, #tpu.memory_space<hbm>>
      tpu.enqueue_dma source(%dma_start3A_230 : memref<1x64xf32, #tpu.memory_space<hbm>>) target(%dma_start3A_228 : memref<1x64xf32, #tpu.memory_space<vmem>>) target_semaphore(%arg15 : memref<!tpu.dma_semaphore, #tpu.memory_space<semaphore_mem>>)
      %slice3A_231 = vector.extract_strided_slice %get3A_136 {offsets = [8], sizes = [1], strides = [1]} : vector<16xi32> to vector<1xi32>
      %squeeze3A_232 = vector.extract %slice3A_231[0] : i32 from vector<1xi32>
      %add3A_233 = arith.constant 8 : i32
      %add3A_234 = arith.addi %mul3A_132, %add3A_233 : i32
      %dma_start3A_235 = arith.constant 0 : i32
      %dma_start3A_236 = tpu.memref_slice %arg13[%add3A_234, %dma_start3A_235] : memref<256x64xf32, #tpu.memory_space<vmem>> -> memref<1x64xf32, #tpu.memory_space<vmem>>
      %dma_start3A_237 = arith.constant 0 : i32
      %dma_start3A_238 = tpu.memref_slice %arg6[%squeeze3A_232, %dma_start3A_237] : memref<1000001x64xf32, #tpu.memory_space<hbm>> -> memref<1x64xf32, #tpu.memory_space<hbm>>
      %dma_start3A_239 = arith.constant 0 : i32
      %dma_start3A_240 = tpu.memref_slice %arg13[%add3A_234, %dma_start3A_239] : memref<256x64xf32, #tpu.memory_space<vmem>> -> memref<1x64xf32, #tpu.memory_space<vmem>>
      %dma_start3A_241 = arith.constant 0 : i32
      %dma_start3A_242 = tpu.memref_slice %arg6[%squeeze3A_232, %dma_start3A_241] : memref<1000001x64xf32, #tpu.memory_space<hbm>> -> memref<1x64xf32, #tpu.memory_space<hbm>>
      tpu.enqueue_dma source(%dma_start3A_242 : memref<1x64xf32, #tpu.memory_space<hbm>>) target(%dma_start3A_240 : memref<1x64xf32, #tpu.memory_space<vmem>>) target_semaphore(%arg15 : memref<!tpu.dma_semaphore, #tpu.memory_space<semaphore_mem>>)
      %slice3A_243 = vector.extract_strided_slice %get3A_136 {offsets = [9], sizes = [1], strides = [1]} : vector<16xi32> to vector<1xi32>
      %squeeze3A_244 = vector.extract %slice3A_243[0] : i32 from vector<1xi32>
      %add3A_245 = arith.constant 9 : i32
      %add3A_246 = arith.addi %mul3A_132, %add3A_245 : i32
      %dma_start3A_247 = arith.constant 0 : i32
      %dma_start3A_248 = tpu.memref_slice %arg13[%add3A_246, %dma_start3A_247] : memref<256x64xf32, #tpu.memory_space<vmem>> -> memref<1x64xf32, #tpu.memory_space<vmem>>
      %dma_start3A_249 = arith.constant 0 : i32
      %dma_start3A_250 = tpu.memref_slice %arg6[%squeeze3A_244, %dma_start3A_249] : memref<1000001x64xf32, #tpu.memory_space<hbm>> -> memref<1x64xf32, #tpu.memory_space<hbm>>
      %dma_start3A_251 = arith.constant 0 : i32
      %dma_start3A_252 = tpu.memref_slice %arg13[%add3A_246, %dma_start3A_251] : memref<256x64xf32, #tpu.memory_space<vmem>> -> memref<1x64xf32, #tpu.memory_space<vmem>>
      %dma_start3A_253 = arith.constant 0 : i32
      %dma_start3A_254 = tpu.memref_slice %arg6[%squeeze3A_244, %dma_start3A_253] : memref<1000001x64xf32, #tpu.memory_space<hbm>> -> memref<1x64xf32, #tpu.memory_space<hbm>>
      tpu.enqueue_dma source(%dma_start3A_254 : memref<1x64xf32, #tpu.memory_space<hbm>>) target(%dma_start3A_252 : memref<1x64xf32, #tpu.memory_space<vmem>>) target_semaphore(%arg15 : memref<!tpu.dma_semaphore, #tpu.memory_space<semaphore_mem>>)
      %slice3A_255 = vector.extract_strided_slice %get3A_136 {offsets = [10], sizes = [1], strides = [1]} : vector<16xi32> to vector<1xi32>
      %squeeze3A_256 = vector.extract %slice3A_255[0] : i32 from vector<1xi32>
      %add3A_257 = arith.constant 10 : i32
      %add3A_258 = arith.addi %mul3A_132, %add3A_257 : i32
      %dma_start3A_259 = arith.constant 0 : i32
      %dma_start3A_260 = tpu.memref_slice %arg13[%add3A_258, %dma_start3A_259] : memref<256x64xf32, #tpu.memory_space<vmem>> -> memref<1x64xf32, #tpu.memory_space<vmem>>
      %dma_start3A_261 = arith.constant 0 : i32
      %dma_start3A_262 = tpu.memref_slice %arg6[%squeeze3A_256, %dma_start3A_261] : memref<1000001x64xf32, #tpu.memory_space<hbm>> -> memref<1x64xf32, #tpu.memory_space<hbm>>
      %dma_start3A_263 = arith.constant 0 : i32
      %dma_start3A_264 = tpu.memref_slice %arg13[%add3A_258, %dma_start3A_263] : memref<256x64xf32, #tpu.memory_space<vmem>> -> memref<1x64xf32, #tpu.memory_space<vmem>>
      %dma_start3A_265 = arith.constant 0 : i32
      %dma_start3A_266 = tpu.memref_slice %arg6[%squeeze3A_256, %dma_start3A_265] : memref<1000001x64xf32, #tpu.memory_space<hbm>> -> memref<1x64xf32, #tpu.memory_space<hbm>>
      tpu.enqueue_dma source(%dma_start3A_266 : memref<1x64xf32, #tpu.memory_space<hbm>>) target(%dma_start3A_264 : memref<1x64xf32, #tpu.memory_space<vmem>>) target_semaphore(%arg15 : memref<!tpu.dma_semaphore, #tpu.memory_space<semaphore_mem>>)
      %slice3A_267 = vector.extract_strided_slice %get3A_136 {offsets = [11], sizes = [1], strides = [1]} : vector<16xi32> to vector<1xi32>
      %squeeze3A_268 = vector.extract %slice3A_267[0] : i32 from vector<1xi32>
      %add3A_269 = arith.constant 11 : i32
      %add3A_270 = arith.addi %mul3A_132, %add3A_269 : i32
      %dma_start3A_271 = arith.constant 0 : i32
      %dma_start3A_272 = tpu.memref_slice %arg13[%add3A_270, %dma_start3A_271] : memref<256x64xf32, #tpu.memory_space<vmem>> -> memref<1x64xf32, #tpu.memory_space<vmem>>
      %dma_start3A_273 = arith.constant 0 : i32
      %dma_start3A_274 = tpu.memref_slice %arg6[%squeeze3A_268, %dma_start3A_273] : memref<1000001x64xf32, #tpu.memory_space<hbm>> -> memref<1x64xf32, #tpu.memory_space<hbm>>
      %dma_start3A_275 = arith.constant 0 : i32
      %dma_start3A_276 = tpu.memref_slice %arg13[%add3A_270, %dma_start3A_275] : memref<256x64xf32, #tpu.memory_space<vmem>> -> memref<1x64xf32, #tpu.memory_space<vmem>>
      %dma_start3A_277 = arith.constant 0 : i32
      %dma_start3A_278 = tpu.memref_slice %arg6[%squeeze3A_268, %dma_start3A_277] : memref<1000001x64xf32, #tpu.memory_space<hbm>> -> memref<1x64xf32, #tpu.memory_space<hbm>>
      tpu.enqueue_dma source(%dma_start3A_278 : memref<1x64xf32, #tpu.memory_space<hbm>>) target(%dma_start3A_276 : memref<1x64xf32, #tpu.memory_space<vmem>>) target_semaphore(%arg15 : memref<!tpu.dma_semaphore, #tpu.memory_space<semaphore_mem>>)
      %slice3A_279 = vector.extract_strided_slice %get3A_136 {offsets = [12], sizes = [1], strides = [1]} : vector<16xi32> to vector<1xi32>
      %squeeze3A_280 = vector.extract %slice3A_279[0] : i32 from vector<1xi32>
      %add3A_281 = arith.constant 12 : i32
      %add3A_282 = arith.addi %mul3A_132, %add3A_281 : i32
      %dma_start3A_283 = arith.constant 0 : i32
      %dma_start3A_284 = tpu.memref_slice %arg13[%add3A_282, %dma_start3A_283] : memref<256x64xf32, #tpu.memory_space<vmem>> -> memref<1x64xf32, #tpu.memory_space<vmem>>
      %dma_start3A_285 = arith.constant 0 : i32
      %dma_start3A_286 = tpu.memref_slice %arg6[%squeeze3A_280, %dma_start3A_285] : memref<1000001x64xf32, #tpu.memory_space<hbm>> -> memref<1x64xf32, #tpu.memory_space<hbm>>
      %dma_start3A_287 = arith.constant 0 : i32
      %dma_start3A_288 = tpu.memref_slice %arg13[%add3A_282, %dma_start3A_287] : memref<256x64xf32, #tpu.memory_space<vmem>> -> memref<1x64xf32, #tpu.memory_space<vmem>>
      %dma_start3A_289 = arith.constant 0 : i32
      %dma_start3A_290 = tpu.memref_slice %arg6[%squeeze3A_280, %dma_start3A_289] : memref<1000001x64xf32, #tpu.memory_space<hbm>> -> memref<1x64xf32, #tpu.memory_space<hbm>>
      tpu.enqueue_dma source(%dma_start3A_290 : memref<1x64xf32, #tpu.memory_space<hbm>>) target(%dma_start3A_288 : memref<1x64xf32, #tpu.memory_space<vmem>>) target_semaphore(%arg15 : memref<!tpu.dma_semaphore, #tpu.memory_space<semaphore_mem>>)
      %slice3A_291 = vector.extract_strided_slice %get3A_136 {offsets = [13], sizes = [1], strides = [1]} : vector<16xi32> to vector<1xi32>
      %squeeze3A_292 = vector.extract %slice3A_291[0] : i32 from vector<1xi32>
      %add3A_293 = arith.constant 13 : i32
      %add3A_294 = arith.addi %mul3A_132, %add3A_293 : i32
      %dma_start3A_295 = arith.constant 0 : i32
      %dma_start3A_296 = tpu.memref_slice %arg13[%add3A_294, %dma_start3A_295] : memref<256x64xf32, #tpu.memory_space<vmem>> -> memref<1x64xf32, #tpu.memory_space<vmem>>
      %dma_start3A_297 = arith.constant 0 : i32
      %dma_start3A_298 = tpu.memref_slice %arg6[%squeeze3A_292, %dma_start3A_297] : memref<1000001x64xf32, #tpu.memory_space<hbm>> -> memref<1x64xf32, #tpu.memory_space<hbm>>
      %dma_start3A_299 = arith.constant 0 : i32
      %dma_start3A_300 = tpu.memref_slice %arg13[%add3A_294, %dma_start3A_299] : memref<256x64xf32, #tpu.memory_space<vmem>> -> memref<1x64xf32, #tpu.memory_space<vmem>>
      %dma_start3A_301 = arith.constant 0 : i32
      %dma_start3A_302 = tpu.memref_slice %arg6[%squeeze3A_292, %dma_start3A_301] : memref<1000001x64xf32, #tpu.memory_space<hbm>> -> memref<1x64xf32, #tpu.memory_space<hbm>>
      tpu.enqueue_dma source(%dma_start3A_302 : memref<1x64xf32, #tpu.memory_space<hbm>>) target(%dma_start3A_300 : memref<1x64xf32, #tpu.memory_space<vmem>>) target_semaphore(%arg15 : memref<!tpu.dma_semaphore, #tpu.memory_space<semaphore_mem>>)
      %slice3A_303 = vector.extract_strided_slice %get3A_136 {offsets = [14], sizes = [1], strides = [1]} : vector<16xi32> to vector<1xi32>
      %squeeze3A_304 = vector.extract %slice3A_303[0] : i32 from vector<1xi32>
      %add3A_305 = arith.constant 14 : i32
      %add3A_306 = arith.addi %mul3A_132, %add3A_305 : i32
      %dma_start3A_307 = arith.constant 0 : i32
      %dma_start3A_308 = tpu.memref_slice %arg13[%add3A_306, %dma_start3A_307] : memref<256x64xf32, #tpu.memory_space<vmem>> -> memref<1x64xf32, #tpu.memory_space<vmem>>
      %dma_start3A_309 = arith.constant 0 : i32
      %dma_start3A_310 = tpu.memref_slice %arg6[%squeeze3A_304, %dma_start3A_309] : memref<1000001x64xf32, #tpu.memory_space<hbm>> -> memref<1x64xf32, #tpu.memory_space<hbm>>
      %dma_start3A_311 = arith.constant 0 : i32
      %dma_start3A_312 = tpu.memref_slice %arg13[%add3A_306, %dma_start3A_311] : memref<256x64xf32, #tpu.memory_space<vmem>> -> memref<1x64xf32, #tpu.memory_space<vmem>>
      %dma_start3A_313 = arith.constant 0 : i32
      %dma_start3A_314 = tpu.memref_slice %arg6[%squeeze3A_304, %dma_start3A_313] : memref<1000001x64xf32, #tpu.memory_space<hbm>> -> memref<1x64xf32, #tpu.memory_space<hbm>>
      tpu.enqueue_dma source(%dma_start3A_314 : memref<1x64xf32, #tpu.memory_space<hbm>>) target(%dma_start3A_312 : memref<1x64xf32, #tpu.memory_space<vmem>>) target_semaphore(%arg15 : memref<!tpu.dma_semaphore, #tpu.memory_space<semaphore_mem>>)
      %slice3A_315 = vector.extract_strided_slice %get3A_136 {offsets = [15], sizes = [1], strides = [1]} : vector<16xi32> to vector<1xi32>
      %squeeze3A_316 = vector.extract %slice3A_315[0] : i32 from vector<1xi32>
      %add3A_317 = arith.constant 15 : i32
      %add3A_318 = arith.addi %mul3A_132, %add3A_317 : i32
      %dma_start3A_319 = arith.constant 0 : i32
      %dma_start3A_320 = tpu.memref_slice %arg13[%add3A_318, %dma_start3A_319] : memref<256x64xf32, #tpu.memory_space<vmem>> -> memref<1x64xf32, #tpu.memory_space<vmem>>
      %dma_start3A_321 = arith.constant 0 : i32
      %dma_start3A_322 = tpu.memref_slice %arg6[%squeeze3A_316, %dma_start3A_321] : memref<1000001x64xf32, #tpu.memory_space<hbm>> -> memref<1x64xf32, #tpu.memory_space<hbm>>
      %dma_start3A_323 = arith.constant 0 : i32
      %dma_start3A_324 = tpu.memref_slice %arg13[%add3A_318, %dma_start3A_323] : memref<256x64xf32, #tpu.memory_space<vmem>> -> memref<1x64xf32, #tpu.memory_space<vmem>>
      %dma_start3A_325 = arith.constant 0 : i32
      %dma_start3A_326 = tpu.memref_slice %arg6[%squeeze3A_316, %dma_start3A_325] : memref<1000001x64xf32, #tpu.memory_space<hbm>> -> memref<1x64xf32, #tpu.memory_space<hbm>>
      tpu.enqueue_dma source(%dma_start3A_326 : memref<1x64xf32, #tpu.memory_space<hbm>>) target(%dma_start3A_324 : memref<1x64xf32, #tpu.memory_space<vmem>>) target_semaphore(%arg15 : memref<!tpu.dma_semaphore, #tpu.memory_space<semaphore_mem>>)
    }
    %scan3A_84 = arith.constant 16 : i32
    %dma_wait3A_85 = arith.constant 0 : i32
    %dma_wait3A_86 = arith.constant 0 : i32
    %dma_wait3A_87 = tpu.memref_slice %arg6[%dma_wait3A_85, %dma_wait3A_86] : memref<1000001x64xf32, #tpu.memory_space<hbm>> -> memref<256x64xf32, #tpu.memory_space<hbm>>
    %dma_wait3A_88 = arith.constant 0 : i32
    %dma_wait3A_89 = arith.constant 0 : i32
    %dma_wait3A_90 = tpu.memref_slice %arg6[%dma_wait3A_88, %dma_wait3A_89] : memref<1000001x64xf32, #tpu.memory_space<hbm>> -> memref<256x64xf32, #tpu.memory_space<hbm>>
    tpu.wait_dma2 semaphore(%arg15 : memref<!tpu.dma_semaphore, #tpu.memory_space<semaphore_mem>>) src(%dma_wait3A_90 : memref<256x64xf32, #tpu.memory_space<hbm>>) dst(%arg13 : memref<256x64xf32, #tpu.memory_space<vmem>>)
    %add3A_91 = arith.constant 0 : i32
    %add3A_92 = arith.addi %mul3A_2, %add3A_91 : i32
    %dma_start3A_93 = arith.constant 0 : i32
    %dma_start3A_94 = tpu.memref_slice %arg9[%add3A_92, %dma_start3A_93] : memref<16384x64xf32, #tpu.memory_space<hbm>> -> memref<256x64xf32, #tpu.memory_space<hbm>>
    %dma_start3A_95 = arith.constant 0 : i32
    %dma_start3A_96 = tpu.memref_slice %arg9[%add3A_92, %dma_start3A_95] : memref<16384x64xf32, #tpu.memory_space<hbm>> -> memref<256x64xf32, #tpu.memory_space<hbm>>
    tpu.enqueue_dma source(%arg13 : memref<256x64xf32, #tpu.memory_space<vmem>>) target(%dma_start3A_96 : memref<256x64xf32, #tpu.memory_space<hbm>>) target_semaphore(%arg17 : memref<!tpu.dma_semaphore, #tpu.memory_space<semaphore_mem>>)
    %dma_wait3A_97 = arith.constant 0 : i32
    %dma_wait3A_98 = tpu.memref_slice %arg8[%add3A_71, %dma_wait3A_97] : memref<16384x64xf32, #tpu.memory_space<hbm>> -> memref<256x64xf32, #tpu.memory_space<hbm>>
    %dma_wait3A_99 = arith.constant 0 : i32
    %dma_wait3A_100 = tpu.memref_slice %arg8[%add3A_71, %dma_wait3A_99] : memref<16384x64xf32, #tpu.memory_space<hbm>> -> memref<256x64xf32, #tpu.memory_space<hbm>>
    tpu.wait_dma2 semaphore(%arg18 : memref<!tpu.dma_semaphore, #tpu.memory_space<semaphore_mem>>) src(%arg14 : memref<256x64xf32, #tpu.memory_space<vmem>>) dst(%dma_wait3A_100 : memref<256x64xf32, #tpu.memory_space<hbm>>)
    %scan3A_101 = arith.constant 0 : i32
    %scan3A_102 = arith.constant 16 : i32
    %scan3A_103 = arith.addi %scan3A_101, %scan3A_102 : i32
    %scan3A_104 = arith.constant 1 : i32
    scf.for %scan3A_126 = %scan3A_101 to %scan3A_103 step %scan3A_104  : i32 {
      %mul3A_127 = arith.constant 1 : i32
      %mul3A_128 = arith.muli %scan3A_126, %mul3A_127 : i32
      %add3A_129 = arith.constant 0 : i32
      %add3A_130 = arith.addi %add3A_129, %mul3A_128 : i32
      %mul3A_131 = arith.constant 16 : i32
      %mul3A_132 = arith.muli %add3A_130, %mul3A_131 : i32
      %add3A_133 = arith.constant 256 : i32
      %add3A_134 = arith.addi %add3A_133, %mul3A_132 : i32
      %get3A = arith.index_cast %add3A_134 : i32 to index
      %get3A_135 = tpu.vector_load %arg12[%get3A] {strides = array<i32>} : memref<512xi32, #tpu.memory_space<vmem>>, vector<16xi32>,
      %get3A_136 = vector.shape_cast %get3A_135 : vector<16xi32> to vector<16xi32>
      %slice3A = vector.extract_strided_slice %get3A_136 {offsets = [0], sizes = [1], strides = [1]} : vector<16xi32> to vector<1xi32>
      %squeeze3A = vector.extract %slice3A[0] : i32 from vector<1xi32>
      %add3A_137 = arith.constant 0 : i32
      %add3A_138 = arith.addi %mul3A_132, %add3A_137 : i32
      %dma_start3A_139 = arith.constant 0 : i32
      %dma_start3A_140 = tpu.memref_slice %arg14[%add3A_138, %dma_start3A_139] : memref<256x64xf32, #tpu.memory_space<vmem>> -> memref<1x64xf32, #tpu.memory_space<vmem>>
      %dma_start3A_141 = arith.constant 0 : i32
      %dma_start3A_142 = tpu.memref_slice %arg6[%squeeze3A, %dma_start3A_141] : memref<1000001x64xf32, #tpu.memory_space<hbm>> -> memref<1x64xf32, #tpu.memory_space<hbm>>
      %dma_start3A_143 = arith.constant 0 : i32
      %dma_start3A_144 = tpu.memref_slice %arg14[%add3A_138, %dma_start3A_143] : memref<256x64xf32, #tpu.memory_space<vmem>> -> memref<1x64xf32, #tpu.memory_space<vmem>>
      %dma_start3A_145 = arith.constant 0 : i32
      %dma_start3A_146 = tpu.memref_slice %arg6[%squeeze3A, %dma_start3A_145] : memref<1000001x64xf32, #tpu.memory_space<hbm>> -> memref<1x64xf32, #tpu.memory_space<hbm>>
      tpu.enqueue_dma source(%dma_start3A_146 : memref<1x64xf32, #tpu.memory_space<hbm>>) target(%dma_start3A_144 : memref<1x64xf32, #tpu.memory_space<vmem>>) target_semaphore(%arg16 : memref<!tpu.dma_semaphore, #tpu.memory_space<semaphore_mem>>)
      %slice3A_147 = vector.extract_strided_slice %get3A_136 {offsets = [1], sizes = [1], strides = [1]} : vector<16xi32> to vector<1xi32>
      %squeeze3A_148 = vector.extract %slice3A_147[0] : i32 from vector<1xi32>
      %add3A_149 = arith.constant 1 : i32
      %add3A_150 = arith.addi %mul3A_132, %add3A_149 : i32
      %dma_start3A_151 = arith.constant 0 : i32
      %dma_start3A_152 = tpu.memref_slice %arg14[%add3A_150, %dma_start3A_151] : memref<256x64xf32, #tpu.memory_space<vmem>> -> memref<1x64xf32, #tpu.memory_space<vmem>>
      %dma_start3A_153 = arith.constant 0 : i32
      %dma_start3A_154 = tpu.memref_slice %arg6[%squeeze3A_148, %dma_start3A_153] : memref<1000001x64xf32, #tpu.memory_space<hbm>> -> memref<1x64xf32, #tpu.memory_space<hbm>>
      %dma_start3A_155 = arith.constant 0 : i32
      %dma_start3A_156 = tpu.memref_slice %arg14[%add3A_150, %dma_start3A_155] : memref<256x64xf32, #tpu.memory_space<vmem>> -> memref<1x64xf32, #tpu.memory_space<vmem>>
      %dma_start3A_157 = arith.constant 0 : i32
      %dma_start3A_158 = tpu.memref_slice %arg6[%squeeze3A_148, %dma_start3A_157] : memref<1000001x64xf32, #tpu.memory_space<hbm>> -> memref<1x64xf32, #tpu.memory_space<hbm>>
      tpu.enqueue_dma source(%dma_start3A_158 : memref<1x64xf32, #tpu.memory_space<hbm>>) target(%dma_start3A_156 : memref<1x64xf32, #tpu.memory_space<vmem>>) target_semaphore(%arg16 : memref<!tpu.dma_semaphore, #tpu.memory_space<semaphore_mem>>)
      %slice3A_159 = vector.extract_strided_slice %get3A_136 {offsets = [2], sizes = [1], strides = [1]} : vector<16xi32> to vector<1xi32>
      %squeeze3A_160 = vector.extract %slice3A_159[0] : i32 from vector<1xi32>
      %add3A_161 = arith.constant 2 : i32
      %add3A_162 = arith.addi %mul3A_132, %add3A_161 : i32
      %dma_start3A_163 = arith.constant 0 : i32
      %dma_start3A_164 = tpu.memref_slice %arg14[%add3A_162, %dma_start3A_163] : memref<256x64xf32, #tpu.memory_space<vmem>> -> memref<1x64xf32, #tpu.memory_space<vmem>>
      %dma_start3A_165 = arith.constant 0 : i32
      %dma_start3A_166 = tpu.memref_slice %arg6[%squeeze3A_160, %dma_start3A_165] : memref<1000001x64xf32, #tpu.memory_space<hbm>> -> memref<1x64xf32, #tpu.memory_space<hbm>>
      %dma_start3A_167 = arith.constant 0 : i32
      %dma_start3A_168 = tpu.memref_slice %arg14[%add3A_162, %dma_start3A_167] : memref<256x64xf32, #tpu.memory_space<vmem>> -> memref<1x64xf32, #tpu.memory_space<vmem>>
      %dma_start3A_169 = arith.constant 0 : i32
      %dma_start3A_170 = tpu.memref_slice %arg6[%squeeze3A_160, %dma_start3A_169] : memref<1000001x64xf32, #tpu.memory_space<hbm>> -> memref<1x64xf32, #tpu.memory_space<hbm>>
      tpu.enqueue_dma source(%dma_start3A_170 : memref<1x64xf32, #tpu.memory_space<hbm>>) target(%dma_start3A_168 : memref<1x64xf32, #tpu.memory_space<vmem>>) target_semaphore(%arg16 : memref<!tpu.dma_semaphore, #tpu.memory_space<semaphore_mem>>)
      %slice3A_171 = vector.extract_strided_slice %get3A_136 {offsets = [3], sizes = [1], strides = [1]} : vector<16xi32> to vector<1xi32>
      %squeeze3A_172 = vector.extract %slice3A_171[0] : i32 from vector<1xi32>
      %add3A_173 = arith.constant 3 : i32
      %add3A_174 = arith.addi %mul3A_132, %add3A_173 : i32
      %dma_start3A_175 = arith.constant 0 : i32
      %dma_start3A_176 = tpu.memref_slice %arg14[%add3A_174, %dma_start3A_175] : memref<256x64xf32, #tpu.memory_space<vmem>> -> memref<1x64xf32, #tpu.memory_space<vmem>>
      %dma_start3A_177 = arith.constant 0 : i32
      %dma_start3A_178 = tpu.memref_slice %arg6[%squeeze3A_172, %dma_start3A_177] : memref<1000001x64xf32, #tpu.memory_space<hbm>> -> memref<1x64xf32, #tpu.memory_space<hbm>>
      %dma_start3A_179 = arith.constant 0 : i32
      %dma_start3A_180 = tpu.memref_slice %arg14[%add3A_174, %dma_start3A_179] : memref<256x64xf32, #tpu.memory_space<vmem>> -> memref<1x64xf32, #tpu.memory_space<vmem>>
      %dma_start3A_181 = arith.constant 0 : i32
      %dma_start3A_182 = tpu.memref_slice %arg6[%squeeze3A_172, %dma_start3A_181] : memref<1000001x64xf32, #tpu.memory_space<hbm>> -> memref<1x64xf32, #tpu.memory_space<hbm>>
      tpu.enqueue_dma source(%dma_start3A_182 : memref<1x64xf32, #tpu.memory_space<hbm>>) target(%dma_start3A_180 : memref<1x64xf32, #tpu.memory_space<vmem>>) target_semaphore(%arg16 : memref<!tpu.dma_semaphore, #tpu.memory_space<semaphore_mem>>)
      %slice3A_183 = vector.extract_strided_slice %get3A_136 {offsets = [4], sizes = [1], strides = [1]} : vector<16xi32> to vector<1xi32>
      %squeeze3A_184 = vector.extract %slice3A_183[0] : i32 from vector<1xi32>
      %add3A_185 = arith.constant 4 : i32
      %add3A_186 = arith.addi %mul3A_132, %add3A_185 : i32
      %dma_start3A_187 = arith.constant 0 : i32
      %dma_start3A_188 = tpu.memref_slice %arg14[%add3A_186, %dma_start3A_187] : memref<256x64xf32, #tpu.memory_space<vmem>> -> memref<1x64xf32, #tpu.memory_space<vmem>>
      %dma_start3A_189 = arith.constant 0 : i32
      %dma_start3A_190 = tpu.memref_slice %arg6[%squeeze3A_184, %dma_start3A_189] : memref<1000001x64xf32, #tpu.memory_space<hbm>> -> memref<1x64xf32, #tpu.memory_space<hbm>>
      %dma_start3A_191 = arith.constant 0 : i32
      %dma_start3A_192 = tpu.memref_slice %arg14[%add3A_186, %dma_start3A_191] : memref<256x64xf32, #tpu.memory_space<vmem>> -> memref<1x64xf32, #tpu.memory_space<vmem>>
      %dma_start3A_193 = arith.constant 0 : i32
      %dma_start3A_194 = tpu.memref_slice %arg6[%squeeze3A_184, %dma_start3A_193] : memref<1000001x64xf32, #tpu.memory_space<hbm>> -> memref<1x64xf32, #tpu.memory_space<hbm>>
      tpu.enqueue_dma source(%dma_start3A_194 : memref<1x64xf32, #tpu.memory_space<hbm>>) target(%dma_start3A_192 : memref<1x64xf32, #tpu.memory_space<vmem>>) target_semaphore(%arg16 : memref<!tpu.dma_semaphore, #tpu.memory_space<semaphore_mem>>)
      %slice3A_195 = vector.extract_strided_slice %get3A_136 {offsets = [5], sizes = [1], strides = [1]} : vector<16xi32> to vector<1xi32>
      %squeeze3A_196 = vector.extract %slice3A_195[0] : i32 from vector<1xi32>
      %add3A_197 = arith.constant 5 : i32
      %add3A_198 = arith.addi %mul3A_132, %add3A_197 : i32
      %dma_start3A_199 = arith.constant 0 : i32
      %dma_start3A_200 = tpu.memref_slice %arg14[%add3A_198, %dma_start3A_199] : memref<256x64xf32, #tpu.memory_space<vmem>> -> memref<1x64xf32, #tpu.memory_space<vmem>>
      %dma_start3A_201 = arith.constant 0 : i32
      %dma_start3A_202 = tpu.memref_slice %arg6[%squeeze3A_196, %dma_start3A_201] : memref<1000001x64xf32, #tpu.memory_space<hbm>> -> memref<1x64xf32, #tpu.memory_space<hbm>>
      %dma_start3A_203 = arith.constant 0 : i32
      %dma_start3A_204 = tpu.memref_slice %arg14[%add3A_198, %dma_start3A_203] : memref<256x64xf32, #tpu.memory_space<vmem>> -> memref<1x64xf32, #tpu.memory_space<vmem>>
      %dma_start3A_205 = arith.constant 0 : i32
      %dma_start3A_206 = tpu.memref_slice %arg6[%squeeze3A_196, %dma_start3A_205] : memref<1000001x64xf32, #tpu.memory_space<hbm>> -> memref<1x64xf32, #tpu.memory_space<hbm>>
      tpu.enqueue_dma source(%dma_start3A_206 : memref<1x64xf32, #tpu.memory_space<hbm>>) target(%dma_start3A_204 : memref<1x64xf32, #tpu.memory_space<vmem>>) target_semaphore(%arg16 : memref<!tpu.dma_semaphore, #tpu.memory_space<semaphore_mem>>)
      %slice3A_207 = vector.extract_strided_slice %get3A_136 {offsets = [6], sizes = [1], strides = [1]} : vector<16xi32> to vector<1xi32>
      %squeeze3A_208 = vector.extract %slice3A_207[0] : i32 from vector<1xi32>
      %add3A_209 = arith.constant 6 : i32
      %add3A_210 = arith.addi %mul3A_132, %add3A_209 : i32
      %dma_start3A_211 = arith.constant 0 : i32
      %dma_start3A_212 = tpu.memref_slice %arg14[%add3A_210, %dma_start3A_211] : memref<256x64xf32, #tpu.memory_space<vmem>> -> memref<1x64xf32, #tpu.memory_space<vmem>>
      %dma_start3A_213 = arith.constant 0 : i32
      %dma_start3A_214 = tpu.memref_slice %arg6[%squeeze3A_208, %dma_start3A_213] : memref<1000001x64xf32, #tpu.memory_space<hbm>> -> memref<1x64xf32, #tpu.memory_space<hbm>>
      %dma_start3A_215 = arith.constant 0 : i32
      %dma_start3A_216 = tpu.memref_slice %arg14[%add3A_210, %dma_start3A_215] : memref<256x64xf32, #tpu.memory_space<vmem>> -> memref<1x64xf32, #tpu.memory_space<vmem>>
      %dma_start3A_217 = arith.constant 0 : i32
      %dma_start3A_218 = tpu.memref_slice %arg6[%squeeze3A_208, %dma_start3A_217] : memref<1000001x64xf32, #tpu.memory_space<hbm>> -> memref<1x64xf32, #tpu.memory_space<hbm>>
      tpu.enqueue_dma source(%dma_start3A_218 : memref<1x64xf32, #tpu.memory_space<hbm>>) target(%dma_start3A_216 : memref<1x64xf32, #tpu.memory_space<vmem>>) target_semaphore(%arg16 : memref<!tpu.dma_semaphore, #tpu.memory_space<semaphore_mem>>)
      %slice3A_219 = vector.extract_strided_slice %get3A_136 {offsets = [7], sizes = [1], strides = [1]} : vector<16xi32> to vector<1xi32>
      %squeeze3A_220 = vector.extract %slice3A_219[0] : i32 from vector<1xi32>
      %add3A_221 = arith.constant 7 : i32
      %add3A_222 = arith.addi %mul3A_132, %add3A_221 : i32
      %dma_start3A_223 = arith.constant 0 : i32
      %dma_start3A_224 = tpu.memref_slice %arg14[%add3A_222, %dma_start3A_223] : memref<256x64xf32, #tpu.memory_space<vmem>> -> memref<1x64xf32, #tpu.memory_space<vmem>>
      %dma_start3A_225 = arith.constant 0 : i32
      %dma_start3A_226 = tpu.memref_slice %arg6[%squeeze3A_220, %dma_start3A_225] : memref<1000001x64xf32, #tpu.memory_space<hbm>> -> memref<1x64xf32, #tpu.memory_space<hbm>>
      %dma_start3A_227 = arith.constant 0 : i32
      %dma_start3A_228 = tpu.memref_slice %arg14[%add3A_222, %dma_start3A_227] : memref<256x64xf32, #tpu.memory_space<vmem>> -> memref<1x64xf32, #tpu.memory_space<vmem>>
      %dma_start3A_229 = arith.constant 0 : i32
      %dma_start3A_230 = tpu.memref_slice %arg6[%squeeze3A_220, %dma_start3A_229] : memref<1000001x64xf32, #tpu.memory_space<hbm>> -> memref<1x64xf32, #tpu.memory_space<hbm>>
      tpu.enqueue_dma source(%dma_start3A_230 : memref<1x64xf32, #tpu.memory_space<hbm>>) target(%dma_start3A_228 : memref<1x64xf32, #tpu.memory_space<vmem>>) target_semaphore(%arg16 : memref<!tpu.dma_semaphore, #tpu.memory_space<semaphore_mem>>)
      %slice3A_231 = vector.extract_strided_slice %get3A_136 {offsets = [8], sizes = [1], strides = [1]} : vector<16xi32> to vector<1xi32>
      %squeeze3A_232 = vector.extract %slice3A_231[0] : i32 from vector<1xi32>
      %add3A_233 = arith.constant 8 : i32
      %add3A_234 = arith.addi %mul3A_132, %add3A_233 : i32
      %dma_start3A_235 = arith.constant 0 : i32
      %dma_start3A_236 = tpu.memref_slice %arg14[%add3A_234, %dma_start3A_235] : memref<256x64xf32, #tpu.memory_space<vmem>> -> memref<1x64xf32, #tpu.memory_space<vmem>>
      %dma_start3A_237 = arith.constant 0 : i32
      %dma_start3A_238 = tpu.memref_slice %arg6[%squeeze3A_232, %dma_start3A_237] : memref<1000001x64xf32, #tpu.memory_space<hbm>> -> memref<1x64xf32, #tpu.memory_space<hbm>>
      %dma_start3A_239 = arith.constant 0 : i32
      %dma_start3A_240 = tpu.memref_slice %arg14[%add3A_234, %dma_start3A_239] : memref<256x64xf32, #tpu.memory_space<vmem>> -> memref<1x64xf32, #tpu.memory_space<vmem>>
      %dma_start3A_241 = arith.constant 0 : i32
      %dma_start3A_242 = tpu.memref_slice %arg6[%squeeze3A_232, %dma_start3A_241] : memref<1000001x64xf32, #tpu.memory_space<hbm>> -> memref<1x64xf32, #tpu.memory_space<hbm>>
      tpu.enqueue_dma source(%dma_start3A_242 : memref<1x64xf32, #tpu.memory_space<hbm>>) target(%dma_start3A_240 : memref<1x64xf32, #tpu.memory_space<vmem>>) target_semaphore(%arg16 : memref<!tpu.dma_semaphore, #tpu.memory_space<semaphore_mem>>)
      %slice3A_243 = vector.extract_strided_slice %get3A_136 {offsets = [9], sizes = [1], strides = [1]} : vector<16xi32> to vector<1xi32>
      %squeeze3A_244 = vector.extract %slice3A_243[0] : i32 from vector<1xi32>
      %add3A_245 = arith.constant 9 : i32
      %add3A_246 = arith.addi %mul3A_132, %add3A_245 : i32
      %dma_start3A_247 = arith.constant 0 : i32
      %dma_start3A_248 = tpu.memref_slice %arg14[%add3A_246, %dma_start3A_247] : memref<256x64xf32, #tpu.memory_space<vmem>> -> memref<1x64xf32, #tpu.memory_space<vmem>>
      %dma_start3A_249 = arith.constant 0 : i32
      %dma_start3A_250 = tpu.memref_slice %arg6[%squeeze3A_244, %dma_start3A_249] : memref<1000001x64xf32, #tpu.memory_space<hbm>> -> memref<1x64xf32, #tpu.memory_space<hbm>>
      %dma_start3A_251 = arith.constant 0 : i32
      %dma_start3A_252 = tpu.memref_slice %arg14[%add3A_246, %dma_start3A_251] : memref<256x64xf32, #tpu.memory_space<vmem>> -> memref<1x64xf32, #tpu.memory_space<vmem>>
      %dma_start3A_253 = arith.constant 0 : i32
      %dma_start3A_254 = tpu.memref_slice %arg6[%squeeze3A_244, %dma_start3A_253] : memref<1000001x64xf32, #tpu.memory_space<hbm>> -> memref<1x64xf32, #tpu.memory_space<hbm>>
      tpu.enqueue_dma source(%dma_start3A_254 : memref<1x64xf32, #tpu.memory_space<hbm>>) target(%dma_start3A_252 : memref<1x64xf32, #tpu.memory_space<vmem>>) target_semaphore(%arg16 : memref<!tpu.dma_semaphore, #tpu.memory_space<semaphore_mem>>)
      %slice3A_255 = vector.extract_strided_slice %get3A_136 {offsets = [10], sizes = [1], strides = [1]} : vector<16xi32> to vector<1xi32>
      %squeeze3A_256 = vector.extract %slice3A_255[0] : i32 from vector<1xi32>
      %add3A_257 = arith.constant 10 : i32
      %add3A_258 = arith.addi %mul3A_132, %add3A_257 : i32
      %dma_start3A_259 = arith.constant 0 : i32
      %dma_start3A_260 = tpu.memref_slice %arg14[%add3A_258, %dma_start3A_259] : memref<256x64xf32, #tpu.memory_space<vmem>> -> memref<1x64xf32, #tpu.memory_space<vmem>>
      %dma_start3A_261 = arith.constant 0 : i32
      %dma_start3A_262 = tpu.memref_slice %arg6[%squeeze3A_256, %dma_start3A_261] : memref<1000001x64xf32, #tpu.memory_space<hbm>> -> memref<1x64xf32, #tpu.memory_space<hbm>>
      %dma_start3A_263 = arith.constant 0 : i32
      %dma_start3A_264 = tpu.memref_slice %arg14[%add3A_258, %dma_start3A_263] : memref<256x64xf32, #tpu.memory_space<vmem>> -> memref<1x64xf32, #tpu.memory_space<vmem>>
      %dma_start3A_265 = arith.constant 0 : i32
      %dma_start3A_266 = tpu.memref_slice %arg6[%squeeze3A_256, %dma_start3A_265] : memref<1000001x64xf32, #tpu.memory_space<hbm>> -> memref<1x64xf32, #tpu.memory_space<hbm>>
      tpu.enqueue_dma source(%dma_start3A_266 : memref<1x64xf32, #tpu.memory_space<hbm>>) target(%dma_start3A_264 : memref<1x64xf32, #tpu.memory_space<vmem>>) target_semaphore(%arg16 : memref<!tpu.dma_semaphore, #tpu.memory_space<semaphore_mem>>)
      %slice3A_267 = vector.extract_strided_slice %get3A_136 {offsets = [11], sizes = [1], strides = [1]} : vector<16xi32> to vector<1xi32>
      %squeeze3A_268 = vector.extract %slice3A_267[0] : i32 from vector<1xi32>
      %add3A_269 = arith.constant 11 : i32
      %add3A_270 = arith.addi %mul3A_132, %add3A_269 : i32
      %dma_start3A_271 = arith.constant 0 : i32
      %dma_start3A_272 = tpu.memref_slice %arg14[%add3A_270, %dma_start3A_271] : memref<256x64xf32, #tpu.memory_space<vmem>> -> memref<1x64xf32, #tpu.memory_space<vmem>>
      %dma_start3A_273 = arith.constant 0 : i32
      %dma_start3A_274 = tpu.memref_slice %arg6[%squeeze3A_268, %dma_start3A_273] : memref<1000001x64xf32, #tpu.memory_space<hbm>> -> memref<1x64xf32, #tpu.memory_space<hbm>>
      %dma_start3A_275 = arith.constant 0 : i32
      %dma_start3A_276 = tpu.memref_slice %arg14[%add3A_270, %dma_start3A_275] : memref<256x64xf32, #tpu.memory_space<vmem>> -> memref<1x64xf32, #tpu.memory_space<vmem>>
      %dma_start3A_277 = arith.constant 0 : i32
      %dma_start3A_278 = tpu.memref_slice %arg6[%squeeze3A_268, %dma_start3A_277] : memref<1000001x64xf32, #tpu.memory_space<hbm>> -> memref<1x64xf32, #tpu.memory_space<hbm>>
      tpu.enqueue_dma source(%dma_start3A_278 : memref<1x64xf32, #tpu.memory_space<hbm>>) target(%dma_start3A_276 : memref<1x64xf32, #tpu.memory_space<vmem>>) target_semaphore(%arg16 : memref<!tpu.dma_semaphore, #tpu.memory_space<semaphore_mem>>)
      %slice3A_279 = vector.extract_strided_slice %get3A_136 {offsets = [12], sizes = [1], strides = [1]} : vector<16xi32> to vector<1xi32>
      %squeeze3A_280 = vector.extract %slice3A_279[0] : i32 from vector<1xi32>
      %add3A_281 = arith.constant 12 : i32
      %add3A_282 = arith.addi %mul3A_132, %add3A_281 : i32
      %dma_start3A_283 = arith.constant 0 : i32
      %dma_start3A_284 = tpu.memref_slice %arg14[%add3A_282, %dma_start3A_283] : memref<256x64xf32, #tpu.memory_space<vmem>> -> memref<1x64xf32, #tpu.memory_space<vmem>>
      %dma_start3A_285 = arith.constant 0 : i32
      %dma_start3A_286 = tpu.memref_slice %arg6[%squeeze3A_280, %dma_start3A_285] : memref<1000001x64xf32, #tpu.memory_space<hbm>> -> memref<1x64xf32, #tpu.memory_space<hbm>>
      %dma_start3A_287 = arith.constant 0 : i32
      %dma_start3A_288 = tpu.memref_slice %arg14[%add3A_282, %dma_start3A_287] : memref<256x64xf32, #tpu.memory_space<vmem>> -> memref<1x64xf32, #tpu.memory_space<vmem>>
      %dma_start3A_289 = arith.constant 0 : i32
      %dma_start3A_290 = tpu.memref_slice %arg6[%squeeze3A_280, %dma_start3A_289] : memref<1000001x64xf32, #tpu.memory_space<hbm>> -> memref<1x64xf32, #tpu.memory_space<hbm>>
      tpu.enqueue_dma source(%dma_start3A_290 : memref<1x64xf32, #tpu.memory_space<hbm>>) target(%dma_start3A_288 : memref<1x64xf32, #tpu.memory_space<vmem>>) target_semaphore(%arg16 : memref<!tpu.dma_semaphore, #tpu.memory_space<semaphore_mem>>)
      %slice3A_291 = vector.extract_strided_slice %get3A_136 {offsets = [13], sizes = [1], strides = [1]} : vector<16xi32> to vector<1xi32>
      %squeeze3A_292 = vector.extract %slice3A_291[0] : i32 from vector<1xi32>
      %add3A_293 = arith.constant 13 : i32
      %add3A_294 = arith.addi %mul3A_132, %add3A_293 : i32
      %dma_start3A_295 = arith.constant 0 : i32
      %dma_start3A_296 = tpu.memref_slice %arg14[%add3A_294, %dma_start3A_295] : memref<256x64xf32, #tpu.memory_space<vmem>> -> memref<1x64xf32, #tpu.memory_space<vmem>>
      %dma_start3A_297 = arith.constant 0 : i32
      %dma_start3A_298 = tpu.memref_slice %arg6[%squeeze3A_292, %dma_start3A_297] : memref<1000001x64xf32, #tpu.memory_space<hbm>> -> memref<1x64xf32, #tpu.memory_space<hbm>>
      %dma_start3A_299 = arith.constant 0 : i32
      %dma_start3A_300 = tpu.memref_slice %arg14[%add3A_294, %dma_start3A_299] : memref<256x64xf32, #tpu.memory_space<vmem>> -> memref<1x64xf32, #tpu.memory_space<vmem>>
      %dma_start3A_301 = arith.constant 0 : i32
      %dma_start3A_302 = tpu.memref_slice %arg6[%squeeze3A_292, %dma_start3A_301] : memref<1000001x64xf32, #tpu.memory_space<hbm>> -> memref<1x64xf32, #tpu.memory_space<hbm>>
      tpu.enqueue_dma source(%dma_start3A_302 : memref<1x64xf32, #tpu.memory_space<hbm>>) target(%dma_start3A_300 : memref<1x64xf32, #tpu.memory_space<vmem>>) target_semaphore(%arg16 : memref<!tpu.dma_semaphore, #tpu.memory_space<semaphore_mem>>)
      %slice3A_303 = vector.extract_strided_slice %get3A_136 {offsets = [14], sizes = [1], strides = [1]} : vector<16xi32> to vector<1xi32>
      %squeeze3A_304 = vector.extract %slice3A_303[0] : i32 from vector<1xi32>
      %add3A_305 = arith.constant 14 : i32
      %add3A_306 = arith.addi %mul3A_132, %add3A_305 : i32
      %dma_start3A_307 = arith.constant 0 : i32
      %dma_start3A_308 = tpu.memref_slice %arg14[%add3A_306, %dma_start3A_307] : memref<256x64xf32, #tpu.memory_space<vmem>> -> memref<1x64xf32, #tpu.memory_space<vmem>>
      %dma_start3A_309 = arith.constant 0 : i32
      %dma_start3A_310 = tpu.memref_slice %arg6[%squeeze3A_304, %dma_start3A_309] : memref<1000001x64xf32, #tpu.memory_space<hbm>> -> memref<1x64xf32, #tpu.memory_space<hbm>>
      %dma_start3A_311 = arith.constant 0 : i32
      %dma_start3A_312 = tpu.memref_slice %arg14[%add3A_306, %dma_start3A_311] : memref<256x64xf32, #tpu.memory_space<vmem>> -> memref<1x64xf32, #tpu.memory_space<vmem>>
      %dma_start3A_313 = arith.constant 0 : i32
      %dma_start3A_314 = tpu.memref_slice %arg6[%squeeze3A_304, %dma_start3A_313] : memref<1000001x64xf32, #tpu.memory_space<hbm>> -> memref<1x64xf32, #tpu.memory_space<hbm>>
      tpu.enqueue_dma source(%dma_start3A_314 : memref<1x64xf32, #tpu.memory_space<hbm>>) target(%dma_start3A_312 : memref<1x64xf32, #tpu.memory_space<vmem>>) target_semaphore(%arg16 : memref<!tpu.dma_semaphore, #tpu.memory_space<semaphore_mem>>)
      %slice3A_315 = vector.extract_strided_slice %get3A_136 {offsets = [15], sizes = [1], strides = [1]} : vector<16xi32> to vector<1xi32>
      %squeeze3A_316 = vector.extract %slice3A_315[0] : i32 from vector<1xi32>
      %add3A_317 = arith.constant 15 : i32
      %add3A_318 = arith.addi %mul3A_132, %add3A_317 : i32
      %dma_start3A_319 = arith.constant 0 : i32
      %dma_start3A_320 = tpu.memref_slice %arg14[%add3A_318, %dma_start3A_319] : memref<256x64xf32, #tpu.memory_space<vmem>> -> memref<1x64xf32, #tpu.memory_space<vmem>>
      %dma_start3A_321 = arith.constant 0 : i32
      %dma_start3A_322 = tpu.memref_slice %arg6[%squeeze3A_316, %dma_start3A_321] : memref<1000001x64xf32, #tpu.memory_space<hbm>> -> memref<1x64xf32, #tpu.memory_space<hbm>>
      %dma_start3A_323 = arith.constant 0 : i32
      %dma_start3A_324 = tpu.memref_slice %arg14[%add3A_318, %dma_start3A_323] : memref<256x64xf32, #tpu.memory_space<vmem>> -> memref<1x64xf32, #tpu.memory_space<vmem>>
      %dma_start3A_325 = arith.constant 0 : i32
      %dma_start3A_326 = tpu.memref_slice %arg6[%squeeze3A_316, %dma_start3A_325] : memref<1000001x64xf32, #tpu.memory_space<hbm>> -> memref<1x64xf32, #tpu.memory_space<hbm>>
      tpu.enqueue_dma source(%dma_start3A_326 : memref<1x64xf32, #tpu.memory_space<hbm>>) target(%dma_start3A_324 : memref<1x64xf32, #tpu.memory_space<vmem>>) target_semaphore(%arg16 : memref<!tpu.dma_semaphore, #tpu.memory_space<semaphore_mem>>)
    }
    %scan3A_105 = arith.constant 16 : i32
    %dma_wait3A_106 = arith.constant 0 : i32
    %dma_wait3A_107 = arith.constant 0 : i32
    %dma_wait3A_108 = tpu.memref_slice %arg6[%dma_wait3A_106, %dma_wait3A_107] : memref<1000001x64xf32, #tpu.memory_space<hbm>> -> memref<256x64xf32, #tpu.memory_space<hbm>>
    %dma_wait3A_109 = arith.constant 0 : i32
    %dma_wait3A_110 = arith.constant 0 : i32
    %dma_wait3A_111 = tpu.memref_slice %arg6[%dma_wait3A_109, %dma_wait3A_110] : memref<1000001x64xf32, #tpu.memory_space<hbm>> -> memref<256x64xf32, #tpu.memory_space<hbm>>
    tpu.wait_dma2 semaphore(%arg16 : memref<!tpu.dma_semaphore, #tpu.memory_space<semaphore_mem>>) src(%dma_wait3A_111 : memref<256x64xf32, #tpu.memory_space<hbm>>) dst(%arg14 : memref<256x64xf32, #tpu.memory_space<vmem>>)
    %add3A_112 = arith.constant 256 : i32
    %add3A_113 = arith.addi %mul3A_2, %add3A_112 : i32
    %dma_start3A_114 = arith.constant 0 : i32
    %dma_start3A_115 = tpu.memref_slice %arg9[%add3A_113, %dma_start3A_114] : memref<16384x64xf32, #tpu.memory_space<hbm>> -> memref<256x64xf32, #tpu.memory_space<hbm>>
    %dma_start3A_116 = arith.constant 0 : i32
    %dma_start3A_117 = tpu.memref_slice %arg9[%add3A_113, %dma_start3A_116] : memref<16384x64xf32, #tpu.memory_space<hbm>> -> memref<256x64xf32, #tpu.memory_space<hbm>>
    tpu.enqueue_dma source(%arg14 : memref<256x64xf32, #tpu.memory_space<vmem>>) target(%dma_start3A_117 : memref<256x64xf32, #tpu.memory_space<hbm>>) target_semaphore(%arg18 : memref<!tpu.dma_semaphore, #tpu.memory_space<semaphore_mem>>)
    %dma_wait3A_118 = arith.constant 0 : i32
    %dma_wait3A_119 = tpu.memref_slice %arg9[%add3A_92, %dma_wait3A_118] : memref<16384x64xf32, #tpu.memory_space<hbm>> -> memref<256x64xf32, #tpu.memory_space<hbm>>
    %dma_wait3A_120 = arith.constant 0 : i32
    %dma_wait3A_121 = tpu.memref_slice %arg9[%add3A_92, %dma_wait3A_120] : memref<16384x64xf32, #tpu.memory_space<hbm>> -> memref<256x64xf32, #tpu.memory_space<hbm>>
    tpu.wait_dma2 semaphore(%arg17 : memref<!tpu.dma_semaphore, #tpu.memory_space<semaphore_mem>>) src(%arg13 : memref<256x64xf32, #tpu.memory_space<vmem>>) dst(%dma_wait3A_121 : memref<256x64xf32, #tpu.memory_space<hbm>>)
    %dma_wait3A_122 = arith.constant 0 : i32
    %dma_wait3A_123 = tpu.memref_slice %arg9[%add3A_113, %dma_wait3A_122] : memref<16384x64xf32, #tpu.memory_space<hbm>> -> memref<256x64xf32, #tpu.memory_space<hbm>>
    %dma_wait3A_124 = arith.constant 0 : i32
    %dma_wait3A_125 = tpu.memref_slice %arg9[%add3A_113, %dma_wait3A_124] : memref<16384x64xf32, #tpu.memory_space<hbm>> -> memref<256x64xf32, #tpu.memory_space<hbm>>
    tpu.wait_dma2 semaphore(%arg18 : memref<!tpu.dma_semaphore, #tpu.memory_space<semaphore_mem>>) src(%arg14 : memref<256x64xf32, #tpu.memory_space<vmem>>) dst(%dma_wait3A_125 : memref<256x64xf32, #tpu.memory_space<hbm>>)
    return
  }
}

</mosaic_0001>

<sc_bundles>
// kernel: _sc_gather.3.cloned.1.call-start
scs
__scs_entry_jumppad:
0x0: {  	(pc) =	sbr.rel $0x88, $3  }
0x1: {  	(tag) =	ssettag $0x0;
	lr =	simm.s32 $0x1  }
0x2: {  	[smem:$0x3F9C] =	sst lr;
	_ =	strace $0xD0000000  }
0x3: {  	_ = 	snop  }
0x4: {  	_ = 	snop  }
0x5: {  	_ = 	snop  }
0x6: {  	_ = 	snop  }
0x7: {  	_ = 	snop  }
__scs_overlays_trampoline_lowered:
0x8: {  	[smem:$0x3FAB] =	sst s0  }
0x9: {  	[smem:$0x3FAC] =	sst s1  }
0xa: {  	[smem:$0x3FAD] =	sst s2  }
0xb: {  	[smem:$0x3FAE] =	sst s3  }
0xc: {  	[smem:$0x3FAF] =	sst s4  }
0xd: {  	[smem:$0x3FB0] =	sst s5  }
0xe: {  	[smem:$0x3FB1] =	sst s6  }
0xf: {  	[smem:$0x3FB2] =	sst s7  }
0x10: {  	[smem:$0x3FB3] =	sst s8  }
0x11: {  	[smem:$0x3FB4] =	sst s9;
	s0 =	simm.s32 @!p0 $0x0  }
0x12: {  	s1 =	sld [smem:$0x3F9A];
	s0 =	simm.s32 @p0 $0x1  }
0x13: {  	[smem:$0x3FB5] =	sst s0;
	s0 =	simm.s32 @!p1 $0x0  }
0x14: {  	s2 =	sld [smem:$0x3F99];
	s0 =	simm.s32 @p1 $0x1  }
0x15: {  	[smem:$0x3FB6] =	sst s0;
	s0 =	simm.s32 @!p2 $0x0  }
0x16: {  	s3 =	sld [smem:$0x3FDB];
	s0 =	simm.s32 @p2 $0x1  }
0x17: {  	s4 =	simm.s32 $0x1BF5;
	[smem:$0x3FB8] =	sst s0  }
0x18: {  	s0 =	sld [smem:$0x3F9B];
	_ =	swait.ge [sflag:s4], $0x0  }
0x19: {  	s7 =	sld [smem:$0x3F9C]  }
0x1a: {  	s8 =	sadd.s32 $0xFFFFE003, lr  }
0x1b: {  	s9 =	sadd.s32 $0xFFFFFEF7, lr;
	s5 =	simm.s32 $0xFFFFFFFF;
	p2 =	slt.u32 s8, $0xFFFFF086  }
0x1c: {  	p1 =	slt.u32 s9, $0xF7A;
	s5 =	simm.s32 @!p2 $0x0  }
0x1d: {  	s5 =	simm.s32 @p1 $0x1;
	p0 =	seq.s32 s7, s2  }
0x1e: {  	s7 =	smul.u32 @!p0 $0xF7A, s2;
	p2 =	seq.s32 @!p0 s5, $0x0  }
0x1f: {  	s9 =	smul.u32 $0xF7A, s1;
	s8 =	simm.s32 @!p0 $0x1BF5;
	p2 =	por !p2, p0  }
0x20: {  	[sflag:s8] =	ssyncset.s32 @!p0 $0xFFFFF086;
	s6 =	sadd.s32 @!p0 s3, s7;
	s7 =	simm.s32 @!p0 $0x108  }
0x21: {  	s3 =	sadd.s32 s3, s9;
	s6 =	sadd.s32 @!p0 $0x88, s6;
	s7 =	simm.s32 @p2 $0x1082  }
0x22: {  	[simem:s7], [sflag:s8] =	dma.local @!p0 [hbm:s6], $0xF7A  }
0x23: {  	s9 =	sor.u32 $0xD0000000, s2;
	s6 =	simm.s32 $0x108;
	_ =	swait.ge @!p0 [sflag:s8], $0x0  }
0x24: {  	s3 =	sadd.s32 $0x88, s3;
	s6 =	simm.s32 @!p1 $0x1082;
	[sflag:s4] =	ssyncset.s32 $0xFFFFF086  }
0x25: {  	[simem:s6], [sflag:s4] =	dma.local [hbm:s3], $0xF7A  }
0x26: {  	[smem:$0x3F9C] =	sst s1;
	(tag) =	ssettag s2;
	_ =	strace s9  }
0x27: {  	s1 =	sld [smem:$0x3FAC]  }
0x28: {  	s2 =	sld [smem:$0x3FAD]  }
0x29: {  	s4 =	sld [smem:$0x3FAF]  }
0x2a: {  	p0 =	seq.s32 s5, $0x0;
	s5 =	sld [smem:$0x3FB0]  }
0x2b: {  	s6 =	sld [smem:$0x3FB1]  }
0x2c: {  	s7 =	sld [smem:$0x3FB2]  }
0x2d: {  	s3 =	simm.s32 $0x108;
	s8 =	sld [smem:$0x3FB3]  }
0x2e: {  	s3 =	simm.s32 @!p0 $0x1082;
	s9 =	sld [smem:$0x3FB4]  }
0x2f: {  	lr =	sadd.s32 s0, s3;
	s0 =	sld [smem:$0x3FAB]  }
0x30: {  	s3 =	sld [smem:$0x3FAE]  }
0x31: {  	[smem:$0x3FB7] =	sst s10  }
0x32: {  	s10 =	sld [smem:$0x3FB5];
	_ =	sdelay $0x3  }
0x33: {  	p0 =	seq.s32 s10, $0x1;
	s10 =	sld [smem:$0x3FB7];
	_ =	sdelay $0x3  }
0x34: {  	[smem:$0x3FB7] =	sst s10  }
0x35: {  	s10 =	sld [smem:$0x3FB6];
	_ =	sdelay $0x3  }
0x36: {  	p1 =	seq.s32 s10, $0x1;
	s10 =	sld [smem:$0x3FB7];
	_ =	sdelay $0x3  }
0x37: {  	[smem:$0x3FB7] =	sst s10  }
0x38: {  	s10 =	sld [smem:$0x3FB8]  }
0x39: {  	_ = 	snop;
	(pc) =	sbr.ind lr, $3  }
0x3a: {  	_ = 	snop  }
0x3b: {  	_ = 	snop  }
0x3c: {  	p2 =	seq.s32 s10, $0x1;
	s10 =	sld [smem:$0x3FB7]  }
0x3d: {  	_ =	shalt  }
0x3e: {  	_ =	shalt  }
0x3f: {  	_ =	shalt  }
0x40: {  	_ =	shalt  }
0x41: {  	_ =	shalt  }
0x42: {  	_ =	shalt  }
0x43: {  	_ =	shalt  }
0x44: {  	_ =	shalt  }
0x45: {  	_ =	shalt  }
0x46: {  	_ =	shalt  }
0x47: {  	_ =	shalt  }
0x48: {  	_ =	shalt  }
0x49: {  	_ =	shalt  }
0x4a: {  	_ =	shalt  }
0x4b: {  	_ =	shalt  }
0x4c: {  	_ =	shalt  }
0x4d: {  	_ =	shalt  }
0x4e: {  	_ =	shalt  }
0x4f: {  	_ =	shalt  }
0x50: {  	_ =	shalt  }
0x51: {  	_ =	shalt  }
0x52: {  	_ =	shalt  }
0x53: {  	_ =	shalt  }
0x54: {  	_ =	shalt  }
0x55: {  	_ =	shalt  }
0x56: {  	_ =	shalt  }
0x57: {  	_ =	shalt  }
0x58: {  	_ =	shalt  }
0x59: {  	_ =	shalt  }
0x5a: {  	_ =	shalt  }
0x5b: {  	_ =	shalt  }
0x5c: {  	_ =	shalt  }
0x5d: {  	_ =	shalt  }
0x5e: {  	_ =	shalt  }
0x5f: {  	_ =	shalt  }
0x60: {  	_ =	shalt  }
0x61: {  	_ =	shalt  }
0x62: {  	_ =	shalt  }
0x63: {  	_ =	shalt  }
0x64: {  	_ =	shalt  }
0x65: {  	_ =	shalt  }
0x66: {  	_ =	shalt  }
0x67: {  	_ =	shalt  }
0x68: {  	_ =	shalt  }
0x69: {  	_ =	shalt  }
0x6a: {  	_ =	shalt  }
0x6b: {  	_ =	shalt  }
0x6c: {  	_ =	shalt  }
0x6d: {  	_ =	shalt  }
0x6e: {  	_ =	shalt  }
0x6f: {  	_ =	shalt  }
0x70: {  	_ =	shalt  }
0x71: {  	_ =	shalt  }
0x72: {  	_ =	shalt  }
0x73: {  	_ =	shalt  }
0x74: {  	_ =	shalt  }
0x75: {  	_ =	shalt  }
0x76: {  	_ =	shalt  }
0x77: {  	_ =	shalt  }
0x78: {  	_ =	shalt  }
0x79: {  	_ =	shalt  }
0x7a: {  	_ =	shalt  }
0x7b: {  	_ =	shalt  }
0x7c: {  	_ =	shalt  }
0x7d: {  	_ =	shalt  }
0x7e: {  	_ =	shalt  }
0x7f: {  	_ =	shalt  }
0x80: {  	_ =	shalt  }
0x81: {  	_ =	shalt  }
0x82: {  	_ =	shalt  }
0x83: {  	_ =	shalt  }
0x84: {  	_ =	shalt  }
0x85: {  	_ =	shalt  }
0x86: {  	_ =	shalt  }
0x87: {  	_ =	shalt  }
.Lfunc_end0:
.L_simem_size_0:
called_computation_lowered:
.L_overlay_start_0:
0x88: {  	s2 =	sld [smem:$0x3FD9]  }
0x89: {  	s3 =	sld [smem:$0x3FFE];
	_ =	sdelay $0x1  }
0x8a: {  	s1 =	srdreg.scid  }
0x8b: {  	s0 =	sand.u32 $0x1, s1  }
0x8c: {  	s17 =	sshll.u32 s0, $0xA;
	s2 =	sadd.s32 s3, s2  }
0x8d: {  	s2 =	sadd.s32 s2, s17  }
0x8e: {  	[smem:$0x3FC3] =	sst s2  }
0x8f: {  	_ = 	snop  }
0x90: {  	s2 =	sld [smem:$0x3FC9]  }
0x91: {  	s18 =	sld [smem:$0x3FC8]  }
0x92: {  	s4 =	sld [smem:$0x3FC7];
	(tm) =	ssettm $0x1  }
0x93: {  	s5 =	sld [smem:$0x3FFB];
	_ =	sdelay $0x3  }
0x94: {  	_ =	strace s5  }
0x95: {  	s5 =	sld [smem:$0x3FFC];
	_ =	sdelay $0x3  }
0x96: {  	_ =	strace s5  }
0x97: {  	s5 =	sld [smem:$0x3FFD];
	_ =	sdelay $0x3  }
0x98: {  	_ =	strace s5  }
0x99: {  	_ =	strace $0x8FFFFFFF  }
0x9a: {  	s19 =	sld [smem:$0x3FDB];
	_ =	sdelay $0x1  }
0x9b: {  	s6 =	simm.s32 $_scs_section_size  }
0x9c: {  	s7 =	simm.s32 $_size__tile_overlayer_lowered;
	s8 =	simm.s32 $_tile_overlayer_lowered  }
0x9d: {  	s22 =	simm.s32 $0x1BFF;
	s21 =	sshll.u32 s8, $0x1;
	s5 =	sadd.s32 s6, s19  }
0x9e: {  	s9 =	simm.s32 $0x0;
	s20 =	sshll.u32 s7, $0x1;
	s7 =	sadd.s32 s21, s5  }
0x9f: {  	[timem:s9], [sflag:s22] =	dma.local [hbm:s7], s20  }
0xa0: {  	_ =	swait.ge [sflag:s22], s20  }
0xa1: {  	s6 =	ssub.s32 $0x0, s20;
	[sflag:s22] =	ssyncset.done $0x0  }
0xa2: {  	[sflag:s22] =	ssyncadd.s32 s6;
	_ =	sdelay $0x1  }
0xa3: {  	s23 =	simm.s32 $0x1B8B  }
0xa4: {  	_ =	swait.ge [sflag:s23], $0x1  }
0xa5: {  	[sflag:s23] =	ssyncset.done $0x0  }
0xa6: {  	s25 =	simm.s32 $0x1B8E;
	s24 =	sld [smem:$0x3FFE];
	[sflag:s23] =	ssyncadd.s32 $0xFFFFFFFF  }
0xa7: {  	s26 =	simm.s32 $execute0_lowered;
	[smem:$0x3FD2] =	sst s25  }
0xa8: {  	s7 =	sshll.u32 s26, $0x1;
	_ =	strace $0x80000046;
	[dreg:$0x1] =	wrdreg $0xFFFFFFFF  }
0xa9: {  	s28 =	simm.s32 $_size_execute0_lowered;
	s5 =	sadd.s32 s5, s7;
	[dreg:$0x0] =	wrdreg $0x0  }
0xaa: {  	s7 =	sshll.u32 s28, $0x1;
	[dreg:$0x2] =	wrdreg s5  }
0xab: {  	[dreg:$0x3] =	wrdreg s7  }
0xac: {  	[dreg:$0x4] =	wrdreg $0xC0  }
0xad: {  	_ =	task [dreg:s9], $0x5FFFF  }
0xae: {  	[dreg:$0x1] =	wrdreg $0xFFFFFFFF  }
0xaf: {  	[dreg:$0x0] =	wrdreg $0x60  }
0xb0: {  	[dreg:$0x2] =	wrdreg s2  }
0xb1: {  	[dreg:$0x3] =	wrdreg s18  }
0xb2: {  	[dreg:$0x4] =	wrdreg s4  }
0xb3: {  	[dreg:$0x5] =	wrdreg s24  }
0xb4: {  	[dreg:$0x6] =	wrdreg $0x9  }
0xb5: {  	_ =	task.clear_ibuf [dreg:s9], $0x7FFFF;
	_ =	strace $0x90000046  }
0xb6: {  	s29 =	simm.s32 $0x9;
	_ =	strace $0x80000048  }
0xb7: {  	_ =	swait.ge [sflag:s29], $0x1  }
0xb8: {  	[sflag:s29] =	ssyncadd.s32 $0xFFFFFFFF  }
0xb9: {  	_ =	strace $0x90000048  }
0xba: {  	_ =	sfence  }
0xbb: {  	s30 =	sld [smem:$0x0];
	_ =	sdelay $0x2  }
0xbc: {  	s31 =	sshll.u32 s1, $0xD;
	s1 =	sshrl.u32 s1, $0x2  }
0xbd: {  	s3 =	sand.u32 $0x4000, s31;
	s1 =	sadd.s32 s1, s30  }
0xbe: {  	s0 =	sor.u32 s3, s0;
	s1 =	sshll.u32 s1, $0x11  }
0xbf: {  	s0 =	sor.u32 s1, s0  }
0xc0: {  	s0 =	sadd.s32 $0x8F2B, s0  }
0xc1: {  	[sflag:s0] =	ssyncadd.remote.s32 $0x1  }
0xc2: {  	_ =	sfence.sel $0xFFFF  }
0xc3: {  	[dreg:$0x0] =	wrdreg $0xFFFFFFFF;
	(pc) =	sbr.abs _section_cstart, $3  }
0xc4: {  	[dreg:$0x1] =	wrdreg $0xFFFFFFFF  }
0xc5: {  	_ =	task.clear_ibuf [dreg:s9], $0x2FFFF;
	_ =	strace $0x9FFFFFFF  }
0xc6: {  	(tm) =	ssettm $0x7FFFFFFF  }
0xc7: {  	_ =	shalt  }
tec
execute0_lowered:
.L_overlay_start_1:
0x0: {  	(tag) =	ssettag $0x1  }
0x1: {  	s0 =	rddreg [dreg:$0x0]  }
0x2: {  	s3 =	rddreg [dreg:$0x1]  }
0x3: {  	s5 =	rddreg [dreg:$0x2]  }
0x4: {  	s6 =	rddreg [dreg:$0x3]  }
0x5: {  	s1 =	simm.s32 $0x0;
	s7 =	srdreg.scid;
	s10 =	stileid.u32  }
0x6: {  	s15 =	simm.s32 $0x5;
	s18 =	simm.s32 $0x1;
	s7 =	sand.u32 $0x1, s7  }
0x7: {  	s10 =	sshll.u32 s10, $0xA;
	s8 =	ssub.s32 $0x2, s7;
	s7 =	sshll.u32 s7, $0x9  }
0x8: {  	s19 =	simm.s32 $0x600;
	[smem:$0x7FF] =	sst s1;
	s7 =	sor.u32 s7, s10  }
0x9: {  	s2 =	sadd.s32 $0x1200, s6;
	s4 =	sadd.s32 $0xF43800, s6;
	s20 =	sshrl.u32 s7, $0x3  }
0xa: {  	s9 =	sadd.s32 $0x1E85E00, s6;
	s11 =	sadd.s32 $0x1EC5E00, s6;
	s0 =	sadd.s32 s0, s20  }
0xb: {  	_ =	strace $0x80000047;
	s22 =	sadd.s32 s3, s20;
	[dreg:$0x5] =	wrdreg s0  }
0xc: {  	s21 =	sshll.u32 s7, $0x4;
	s24 =	sadd.s32 s5, s20;
	[dreg:$0x6] =	wrdreg s22  }
0xd: {  	s6 =	sadd.s32 $0x1F05E00, s6;
	s25 =	sadd.s32 s9, s21;
	[dreg:$0x7] =	wrdreg s24  }
0xe: {  	s12 =	sshrl.u32 s8, $0x1;
	s28 =	sadd.s32 s11, s21;
	[dreg:$0x8] =	wrdreg s25  }
0xf: {  	s14 =	ssub.s32 s8, s12;
	s30 =	sadd.s32 s6, s21;
	[dreg:$0xa] =	wrdreg s28  }
0x10: {  	s23 =	sor.u32 $0x1000, s21;
	s31 =	smax.u32 s14, $0x1;
	[dreg:$0xc] =	wrdreg s30  }
0x11: {  	s20 =	simm.s32 $0x2;
	s26 =	sadd.s32 s9, s23;
	[dreg:$0xe] =	wrdreg s31  }
0x12: {  	s21 =	simm.s32 $0x8600;
	s29 =	sadd.s32 s11, s23;
	[dreg:$0x9] =	wrdreg s26  }
0x13: {  	s0 =	sadd.s32 s6, s23;
	s22 =	simm.s32 $0x3;
	[dreg:$0xb] =	wrdreg s29  }
0x14: {  	s23 =	simm.s32 $0x4;
	s24 =	simm.s32 $0x0;
	[dreg:$0xd] =	wrdreg s0  }
.LBB2_1:
0x15: {  	s0 =	rddreg [dreg:$0x5]  }
0x16: {  	[tilespmem:s1], [sflag:$0x5] =	stream.linear.gather [hbm4b:s0+s1], $0x200, $0x38;
	[tilespmem:$0x10600] =	vst v63  }
0x17: {  	_ =	swait.ge [sflag:s15], $0x200  }
0x18: {  	[sflag:s15] =	ssyncset.done $0x0  }
0x19: {  	s3 =	simm.s32 $0x200;
	s29 =	rddreg [dreg:$0x6];
	[sflag:s15] =	ssyncadd.s32 $0xFFFFFE00  }
0x1a: {  	[tilespmem:s3], [sflag:$0x5] =	stream.linear.gather [hbm4b:s29+s1], $0x200, $0x38;
	[tilespmem:$0x10600] =	vst v63  }
0x1b: {  	_ =	swait.ge [sflag:s15], $0x200  }
0x1c: {  	[sflag:s15] =	ssyncset.done $0x0  }
0x1d: {  	s31 =	simm.s32 $0x400;
	s30 =	rddreg [dreg:$0x7];
	[sflag:s15] =	ssyncadd.s32 $0xFFFFFE00  }
0x1e: {  	[tilespmem:s31], [sflag:$0x5] =	stream.linear.gather [hbm4b:s30+s1], $0x200, $0x38;
	[tilespmem:$0x10600] =	vst v63  }
0x1f: {  	_ =	swait.ge [sflag:s15], $0x200  }
0x20: {  	[sflag:s15] =	ssyncset.done $0x0  }
0x21: {  	[sflag:s15] =	ssyncadd.s32 $0xFFFFFE00  }
0x22: {  	v0 =	vld [tilespmem:s1+$0x0];
	_ =	sdelay $0x4  }
0x23: {  	v0 =	vshll.u32 v0, $0x4  }
0x24: {  	(v2sf) =	vpush v0, $0x0  }
0x25: {  	(v2sf) =	vpush v0, $0x1  }
0x26: {  	(v2sf) =	vpush v0, $0x2;
	_ =	sdelay $0x1  }
0x27: {  	(v2sf) =	vpush v0, $0x4;
	_ =	sdelay $0x1  }
0x28: {  	(v2sf) =	vpush v0, $0x3  }
0x29: {  	(v2sf) =	vpush v0, $0x5  }
0x2a: {  	s26 =	simm.s32 $0x2000;
	s25 =	simm.s32 $0x0;
	s28 =	simm.s32 $0x0;
	(v2sf) =	vpush v0, $0x6  }
.LBB2_2:
0x2b: {  	p0 =	sne.s32 s26, $0x1E000  }
0x2c: {  	s7 =	sadd.s32 $0x680, s25;
	s0 =	sadd.s32 $0xB80, s25;
	s29 =	smov.u32 s26  }
0x2d: {  	s26 =	sadd.s32 $0x2000, s26;
	s17 =	sadd.s32 $0x980, s25;
	s30 =	sadd.s32 $0xC00, s25;
	(v2sf) =	vpush v0, $0x7  }
0x2e: {  	s6 =	sadd.s32 $0x880, s25;
	s16 =	sadd.s32 $0xA00, s25;
	s31 =	sadd.s32 $0xC80, s25  }
0x2f: {  	s8 =	sadd.s32 $0x600, s25;
	s9 =	sadd.s32 $0x800, s25;
	(v2sf) =	vpush v0, $0x8  }
0x30: {  	s10 =	sadd.s32 $0x900, s25;
	s28 =	sadd.s32 $0x10, s28  }
0x31: {  	s11 =	sadd.s32 $0x700, s25;
	s3 =	sadd.s32 $0xB00, s25;
	s5 =	spop (v2sf);
	(v2sf) =	vpush v0, $0x9  }
0x32: {  	s12 =	sand.u32 $0x1FFFFFF0, s5;
	s5 =	sadd.s32 $0xA80, s25;
	s13 =	spop (v2sf)  }
0x33: {  	s12 =	sadd.s32 s2, s12;
	s13 =	sand.u32 $0x1FFFFFF0, s13;
	s14 =	spop (v2sf);
	(v2sf) =	vpush v0, $0xA  }
0x34: {  	[tilespmem:s8], [sflag:$0x1] =	stream.linear.gather [hbm4b:s12+s1], $0x80, $0x38;
	[tilespmem:$0x10600] =	vst v63  }
0x35: {  	s8 =	sadd.s32 s2, s13;
	s12 =	sadd.s32 $0x780, s25;
	s13 =	spop (v2sf);
	(v2sf) =	vpush v0, $0xB  }
0x36: {  	[tilespmem:s7], [sflag:$0x1] =	stream.linear.gather [hbm4b:s8+s1], $0x80, $0x38;
	[tilespmem:$0x10600] =	vst v63  }
0x37: {  	s7 =	sand.u32 $0x1FFFFFF0, s14;
	s8 =	sand.u32 $0x1FFFFFF0, s13;
	s13 =	spop (v2sf);
	(v2sf) =	vpush v0, $0xC  }
0x38: {  	s7 =	sadd.s32 s2, s7;
	s13 =	sand.u32 $0x1FFFFFF0, s13;
	s14 =	spop (v2sf)  }
0x39: {  	[tilespmem:s11], [sflag:$0x1] =	stream.linear.gather [hbm4b:s7+s1], $0x80, $0x38;
	(v2sf) =	vpush v0, $0xD;
	[tilespmem:$0x10600] =	vst v63  }
0x3a: {  	s7 =	sadd.s32 s2, s13;
	s11 =	sand.u32 $0x1FFFFFF0, s14;
	s13 =	spop (v2sf)  }
0x3b: {  	[tilespmem:s12], [sflag:$0x1] =	stream.linear.gather [hbm4b:s7+s1], $0x80, $0x38;
	(v2sf) =	vpush v0, $0xE;
	[tilespmem:$0x10600] =	vst v63  }
0x3c: {  	s7 =	sadd.s32 s2, s8;
	s8 =	sand.u32 $0x1FFFFFF0, s13;
	s12 =	spop (v2sf)  }
0x3d: {  	[tilespmem:s9], [sflag:$0x1] =	stream.linear.gather [hbm4b:s7+s1], $0x80, $0x38;
	(v2sf) =	vpush v0, $0xF;
	[tilespmem:$0x10600] =	vst v63  }
0x3e: {  	s7 =	sadd.s32 s2, s11;
	s9 =	sand.u32 $0x1FFFFFF0, s12;
	s11 =	spop (v2sf)  }
0x3f: {  	[tilespmem:s6], [sflag:$0x1] =	stream.linear.gather [hbm4b:s7+s1], $0x80, $0x38;
	[tilespmem:$0x10600] =	vst v63  }
0x40: {  	s6 =	sadd.s32 s2, s8;
	s7 =	sand.u32 $0x1FFFFFF0, s11;
	s8 =	spop (v2sf)  }
0x41: {  	[tilespmem:s10], [sflag:$0x1] =	stream.linear.gather [hbm4b:s6+s1], $0x80, $0x38;
	[tilespmem:$0x10600] =	vst v63  }
0x42: {  	s6 =	sadd.s32 s2, s9;
	s8 =	sand.u32 $0x1FFFFFF0, s8;
	s9 =	spop (v2sf)  }
0x43: {  	[tilespmem:s17], [sflag:$0x1] =	stream.linear.gather [hbm4b:s6+s1], $0x80, $0x38;
	[tilespmem:$0x10600] =	vst v63  }
0x44: {  	s6 =	sadd.s32 s2, s7;
	s7 =	sand.u32 $0x1FFFFFF0, s9;
	s9 =	spop (v2sf)  }
0x45: {  	[tilespmem:s16], [sflag:$0x1] =	stream.linear.gather [hbm4b:s6+s1], $0x80, $0x38;
	[tilespmem:$0x10600] =	vst v63  }
0x46: {  	s6 =	sadd.s32 s2, s8;
	s8 =	sand.u32 $0x1FFFFFF0, s9;
	s9 =	spop (v2sf)  }
0x47: {  	[tilespmem:s5], [sflag:$0x1] =	stream.linear.gather [hbm4b:s6+s1], $0x80, $0x38;
	[tilespmem:$0x10600] =	vst v63  }
0x48: {  	s5 =	sadd.s32 s2, s7;
	s6 =	sand.u32 $0x1FFFFFF0, s9;
	s7 =	spop (v2sf)  }
0x49: {  	[tilespmem:s3], [sflag:$0x1] =	stream.linear.gather [hbm4b:s5+s1], $0x80, $0x38;
	[tilespmem:$0x10600] =	vst v63  }
0x4a: {  	s3 =	sadd.s32 s2, s8;
	s5 =	sand.u32 $0x1FFFFFF0, s7;
	s7 =	spop (v2sf)  }
0x4b: {  	[tilespmem:s0], [sflag:$0x1] =	stream.linear.gather [hbm4b:s3+s1], $0x80, $0x38;
	[tilespmem:$0x10600] =	vst v63  }
0x4c: {  	s0 =	sadd.s32 s2, s6;
	s3 =	sand.u32 $0x1FFFFFF0, s7;
	s6 =	spop (v2sf)  }
0x4d: {  	[tilespmem:s30], [sflag:$0x1] =	stream.linear.gather [hbm4b:s0+s1], $0x80, $0x38;
	[tilespmem:$0x10600] =	vst v63  }
0x4e: {  	s0 =	sadd.s32 s2, s5;
	s5 =	sand.u32 $0x1FFFFFF0, s6  }
0x4f: {  	[tilespmem:s31], [sflag:$0x1] =	stream.linear.gather [hbm4b:s0+s1], $0x80, $0x38;
	[tilespmem:$0x10600] =	vst v63  }
0x50: {  	s3 =	sadd.s32 s2, s3;
	s0 =	sadd.s32 $0xD00, s25  }
0x51: {  	[tilespmem:s0], [sflag:$0x1] =	stream.linear.gather [hbm4b:s3+s1], $0x80, $0x38;
	[tilespmem:$0x10600] =	vst v63  }
0x52: {  	s0 =	sadd.s32 $0xD80, s25;
	s3 =	sadd.s32 s2, s5  }
0x53: {  	[tilespmem:s0], [sflag:$0x1] =	stream.linear.gather [hbm4b:s3+s1], $0x80, $0x38;
	[tilespmem:$0x10600] =	vst v63  }
0x54: {  	v0 =	vld [tilespmem:s28+$0x0];
	_ =	sdelay $0x4  }
0x55: {  	v0 =	vshll.u32 v0, $0x4  }
0x56: {  	(v2sf) =	vpush v0, $0x0  }
0x57: {  	(v2sf) =	vpush v0, $0x1  }
0x58: {  	(v2sf) =	vpush v0, $0x2;
	_ =	sdelay $0x1  }
0x59: {  	(v2sf) =	vpush v0, $0x4  }
.Ltmp0:
0x5a: {  	(pc) =	sbr.rel @p0 .LBB2_2-.Ltmp0, $3  }
0x5b: {  	(v2sf) =	vpush v0, $0x3  }
0x5c: {  	(v2sf) =	vpush v0, $0x5;
	_ =	sdelay $0x1  }
0x5d: {  	s25 =	sshra.s32 s29, $0x2;
	(v2sf) =	vpush v0, $0x6  }
0x5e: {  	_ =	sdelay $0x1  }
0x5f: {  	s5 =	sadd.s32 $0x680, s25;
	s16 =	sadd.s32 $0xB80, s25  }
0x60: {  	s6 =	sadd.s32 $0x980, s25;
	s0 =	sadd.s32 $0xC00, s25;
	(v2sf) =	vpush v0, $0x7;
	s7 =	sadd.s32 $0x880, s25  }
0x61: {  	s8 =	sadd.s32 $0xA00, s25;
	s3 =	sadd.s32 $0xC80, s25;
	s9 =	sadd.s32 $0x600, s25  }
0x62: {  	s10 =	sadd.s32 $0x800, s25;
	s11 =	sadd.s32 $0x900, s25;
	(v2sf) =	vpush v0, $0x8;
	s12 =	spop (v2sf)  }
0x63: {  	s13 =	sadd.s32 $0x700, s25;
	s12 =	sand.u32 $0x1FFFFFF0, s12;
	s14 =	spop (v2sf)  }
0x64: {  	(v2sf) =	vpush v0, $0x9;
	s12 =	sadd.s32 s2, s12;
	s14 =	sand.u32 $0x1FFFFFF0, s14;
	s17 =	spop (v2sf)  }
0x65: {  	[tilespmem:s9], [sflag:$0x1] =	stream.linear.gather [hbm4b:s12+s1], $0x80, $0x38;
	[tilespmem:$0x10600] =	vst v63  }
0x66: {  	s26 =	sadd.s32 $0x780, s25;
	(v2sf) =	vpush v0, $0xA;
	s30 =	sadd.s32 s2, s14;
	s31 =	spop (v2sf)  }
0x67: {  	[tilespmem:s5], [sflag:$0x1] =	stream.linear.gather [hbm4b:s30+s1], $0x80, $0x38;
	[tilespmem:$0x10600] =	vst v63  }
0x68: {  	s9 =	sadd.s32 $0xB00, s25;
	s17 =	sand.u32 $0x1FFFFFF0, s17;
	(v2sf) =	vpush v0, $0xB;
	s29 =	spop (v2sf)  }
0x69: {  	s12 =	sadd.s32 s2, s17;
	s5 =	sadd.s32 $0xA80, s25;
	s17 =	sand.u32 $0x1FFFFFF0, s29  }
0x6a: {  	(v2sf) =	vpush v0, $0xC;
	[tilespmem:s13], [sflag:$0x1] =	stream.linear.gather [hbm4b:s12+s1], $0x80, $0x38;
	[tilespmem:$0x10600] =	vst v63  }
0x6b: {  	s30 =	sand.u32 $0x1FFFFFF0, s31;
	s31 =	spop (v2sf);
	s17 =	sadd.s32 s2, s17  }
0x6c: {  	(v2sf) =	vpush v0, $0xD;
	[tilespmem:s26], [sflag:$0x1] =	stream.linear.gather [hbm4b:s17+s1], $0x80, $0x38;
	[tilespmem:$0x10600] =	vst v63  }
0x6d: {  	s12 =	sadd.s32 s2, s30;
	s13 =	sand.u32 $0x1FFFFFF0, s31;
	s29 =	spop (v2sf)  }
0x6e: {  	(v2sf) =	vpush v0, $0xE;
	[tilespmem:s10], [sflag:$0x1] =	stream.linear.gather [hbm4b:s12+s1], $0x80, $0x38;
	[tilespmem:$0x10600] =	vst v63  }
0x6f: {  	s13 =	sadd.s32 s2, s13;
	s30 =	sand.u32 $0x1FFFFFF0, s29;
	s31 =	spop (v2sf)  }
0x70: {  	(v2sf) =	vpush v0, $0xF;
	[tilespmem:s7], [sflag:$0x1] =	stream.linear.gather [hbm4b:s13+s1], $0x80, $0x38;
	[tilespmem:$0x10600] =	vst v63  }
0x71: {  	s14 =	spop (v2sf);
	s10 =	sadd.s32 s2, s30;
	s13 =	sand.u32 $0x1FFFFFF0, s31  }
0x72: {  	[tilespmem:s11], [sflag:$0x1] =	stream.linear.gather [hbm4b:s10+s1], $0x80, $0x38;
	[tilespmem:$0x10600] =	vst v63  }
0x73: {  	s17 =	sand.u32 $0x1FFFFFF0, s14;
	s7 =	sadd.s32 s2, s13;
	s26 =	spop (v2sf)  }
0x74: {  	[tilespmem:s6], [sflag:$0x1] =	stream.linear.gather [hbm4b:s7+s1], $0x80, $0x38;
	[tilespmem:$0x10600] =	vst v63  }
0x75: {  	s10 =	sadd.s32 s2, s17;
	s29 =	sand.u32 $0x1FFFFFF0, s26;
	s30 =	spop (v2sf)  }
0x76: {  	[tilespmem:s8], [sflag:$0x1] =	stream.linear.gather [hbm4b:s10+s1], $0x80, $0x38;
	[tilespmem:$0x10600] =	vst v63  }
0x77: {  	s7 =	sand.u32 $0x1FFFFFF0, s30;
	s6 =	sadd.s32 s2, s29;
	s31 =	spop (v2sf)  }
0x78: {  	[tilespmem:s5], [sflag:$0x1] =	stream.linear.gather [hbm4b:s6+s1], $0x80, $0x38;
	[tilespmem:$0x10600] =	vst v63  }
0x79: {  	s7 =	sadd.s32 s2, s7;
	s8 =	sand.u32 $0x1FFFFFF0, s31;
	s10 =	spop (v2sf)  }
0x7a: {  	[tilespmem:s9], [sflag:$0x1] =	stream.linear.gather [hbm4b:s7+s1], $0x80, $0x38;
	[tilespmem:$0x10600] =	vst v63  }
0x7b: {  	s5 =	sadd.s32 s2, s8;
	s6 =	sand.u32 $0x1FFFFFF0, s10;
	s11 =	spop (v2sf)  }
0x7c: {  	[tilespmem:s16], [sflag:$0x1] =	stream.linear.gather [hbm4b:s5+s1], $0x80, $0x38;
	[tilespmem:$0x10600] =	vst v63  }
0x7d: {  	s12 =	sand.u32 $0x1FFFFFF0, s11;
	s6 =	sadd.s32 s2, s6;
	s13 =	spop (v2sf)  }
0x7e: {  	[tilespmem:s0], [sflag:$0x1] =	stream.linear.gather [hbm4b:s6+s1], $0x80, $0x38;
	[tilespmem:$0x10600] =	vst v63  }
0x7f: {  	s14 =	sand.u32 $0x1FFFFFF0, s13;
	s16 =	spop (v2sf);
	s5 =	sadd.s32 s2, s12  }
0x80: {  	[tilespmem:s3], [sflag:$0x1] =	stream.linear.gather [hbm4b:s5+s1], $0x80, $0x38;
	[tilespmem:$0x10600] =	vst v63  }
0x81: {  	s26 =	sadd.s32 $0xD00, s25;
	s17 =	sand.u32 $0x1FFFFFF0, s16;
	s0 =	sadd.s32 s2, s14  }
0x82: {  	[tilespmem:s26], [sflag:$0x1] =	stream.linear.gather [hbm4b:s0+s1], $0x80, $0x38;
	[tilespmem:$0x10600] =	vst v63  }
0x83: {  	s29 =	sadd.s32 $0xD80, s25;
	s3 =	sadd.s32 s2, s17  }
0x84: {  	[tilespmem:s29], [sflag:$0x1] =	stream.linear.gather [hbm4b:s3+s1], $0x80, $0x38;
	[tilespmem:$0x10600] =	vst v63  }
0x85: {  	_ =	swait.ge [sflag:s18], $0x8000  }
0x86: {  	s25 =	simm.s32 $0x0;
	[sflag:s18] =	ssyncset.done $0x0  }
0x87: {  	s31 =	sand.u32 $0xF0, s25;
	s30 =	rddreg [dreg:$0x8];
	[sflag:s18] =	ssyncadd.s32 $0xFFFF8000  }
0x88: {  	[hbm4b:s30+s25] =	stream.linear.scatter [tilespmem:s19], [sflag:$0x3], $0x8000, $0x38;
	[tilespmem:$0x10600] =	vst v63  }
0x89: {  	v0 =	vld [tilespmem:s31+$0x100];
	_ =	sdelay $0x4  }
0x8a: {  	v0 =	vshll.u32 v0, $0x4  }
0x8b: {  	(v2sf) =	vpush v0, $0x0  }
0x8c: {  	(v2sf) =	vpush v0, $0x2  }
0x8d: {  	(v2sf) =	vpush v0, $0x1;
	_ =	sdelay $0x1  }
0x8e: {  	(v2sf) =	vpush v0, $0x3  }
0x8f: {  	(v2sf) =	vpush v0, $0x4;
	_ =	sdelay $0x2  }
0x90: {  	s28 =	simm.s32 $0x10;
	s26 =	simm.s32 $0x2000  }
.LBB2_4:
0x91: {  	p0 =	sne.s32 s26, $0x1E000;
	(v2sf) =	vpush v0, $0x5;
	s0 =	smov.u32 s26;
	s26 =	sadd.s32 $0x2000, s26  }
0x92: {  	s29 =	sshra.s32 s25, $0x2;
	s25 =	smov.u32 s0  }
0x93: {  	s6 =	sadd.s32 $0x8680, s29;
	(v2sf) =	vpush v0, $0x6  }
0x94: {  	s7 =	sadd.s32 $0x8600, s29  }
0x95: {  	s31 =	sadd.s32 $0x8B80, s29;
	s0 =	sadd.s32 $0x8C00, s29;
	s30 =	sadd.s32 $0x8C80, s29;
	(v2sf) =	vpush v0, $0x7  }
0x96: {  	s17 =	sadd.s32 $0x8A00, s29;
	s16 =	sadd.s32 $0x8A80, s29;
	s3 =	sadd.s32 $0x8B00, s29  }
0x97: {  	s8 =	sadd.s32 $0x8900, s29;
	s5 =	sadd.s32 $0x8980, s29;
	s9 =	spop (v2sf);
	(v2sf) =	vpush v0, $0x8  }
0x98: {  	s10 =	sadd.s32 $0x8700, s29;
	s9 =	sand.u32 $0x1FFFFFF0, s9;
	s11 =	spop (v2sf)  }
0x99: {  	s12 =	sadd.s32 $0x8880, s29;
	s9 =	sadd.s32 s2, s9;
	s13 =	spop (v2sf);
	(v2sf) =	vpush v0, $0x9  }
0x9a: {  	[tilespmem:s7], [sflag:$0x2] =	stream.linear.gather [hbm4b:s9+s1], $0x80, $0x38;
	[tilespmem:$0x10600] =	vst v63  }
0x9b: {  	s7 =	sand.u32 $0x1FFFFFF0, s13;
	s9 =	sand.u32 $0x1FFFFFF0, s11;
	s11 =	spop (v2sf);
	(v2sf) =	vpush v0, $0xA  }
0x9c: {  	s13 =	sadd.s32 $0x8800, s29;
	s7 =	sadd.s32 s2, s7;
	s14 =	spop (v2sf)  }
0x9d: {  	[tilespmem:s6], [sflag:$0x2] =	stream.linear.gather [hbm4b:s7+s1], $0x80, $0x38;
	(v2sf) =	vpush v0, $0xB;
	[tilespmem:$0x10600] =	vst v63  }
0x9e: {  	s6 =	sadd.s32 s2, s9;
	s7 =	sand.u32 $0x1FFFFFF0, s11;
	s9 =	sand.u32 $0x1FFFFFF0, s14  }
0x9f: {  	[tilespmem:s10], [sflag:$0x2] =	stream.linear.gather [hbm4b:s6+s1], $0x80, $0x38;
	(v2sf) =	vpush v0, $0xC;
	[tilespmem:$0x10600] =	vst v63  }
0xa0: {  	s7 =	sadd.s32 s2, s7;
	s6 =	sadd.s32 $0x8780, s29;
	s10 =	spop (v2sf)  }
0xa1: {  	[tilespmem:s6], [sflag:$0x2] =	stream.linear.gather [hbm4b:s7+s1], $0x80, $0x38;
	(v2sf) =	vpush v0, $0xD;
	[tilespmem:$0x10600] =	vst v63  }
0xa2: {  	s6 =	sadd.s32 s2, s9;
	s7 =	sand.u32 $0x1FFFFFF0, s10;
	s9 =	spop (v2sf)  }
0xa3: {  	[tilespmem:s13], [sflag:$0x2] =	stream.linear.gather [hbm4b:s6+s1], $0x80, $0x38;
	(v2sf) =	vpush v0, $0xE;
	[tilespmem:$0x10600] =	vst v63  }
0xa4: {  	s6 =	sadd.s32 s2, s7;
	s7 =	sand.u32 $0x1FFFFFF0, s9;
	s9 =	spop (v2sf)  }
0xa5: {  	[tilespmem:s12], [sflag:$0x2] =	stream.linear.gather [hbm4b:s6+s1], $0x80, $0x38;
	(v2sf) =	vpush v0, $0xF;
	[tilespmem:$0x10600] =	vst v63  }
0xa6: {  	s6 =	sadd.s32 s2, s7;
	s7 =	sand.u32 $0x1FFFFFF0, s9;
	s9 =	spop (v2sf)  }
0xa7: {  	[tilespmem:s8], [sflag:$0x2] =	stream.linear.gather [hbm4b:s6+s1], $0x80, $0x38;
	[tilespmem:$0x10600] =	vst v63  }
0xa8: {  	s6 =	sadd.s32 s2, s7;
	s7 =	sand.u32 $0x1FFFFFF0, s9;
	s8 =	spop (v2sf)  }
0xa9: {  	[tilespmem:s5], [sflag:$0x2] =	stream.linear.gather [hbm4b:s6+s1], $0x80, $0x38;
	[tilespmem:$0x10600] =	vst v63  }
0xaa: {  	s5 =	sadd.s32 s2, s7;
	s6 =	sand.u32 $0x1FFFFFF0, s8;
	s7 =	spop (v2sf)  }
0xab: {  	[tilespmem:s17], [sflag:$0x2] =	stream.linear.gather [hbm4b:s5+s1], $0x80, $0x38;
	[tilespmem:$0x10600] =	vst v63  }
0xac: {  	s5 =	sadd.s32 s2, s6;
	s6 =	sand.u32 $0x1FFFFFF0, s7;
	s7 =	spop (v2sf)  }
0xad: {  	[tilespmem:s16], [sflag:$0x2] =	stream.linear.gather [hbm4b:s5+s1], $0x80, $0x38;
	[tilespmem:$0x10600] =	vst v63  }
0xae: {  	s5 =	sadd.s32 s2, s6;
	s6 =	sand.u32 $0x1FFFFFF0, s7;
	s7 =	spop (v2sf)  }
0xaf: {  	[tilespmem:s3], [sflag:$0x2] =	stream.linear.gather [hbm4b:s5+s1], $0x80, $0x38;
	[tilespmem:$0x10600] =	vst v63  }
0xb0: {  	s3 =	sadd.s32 s2, s6;
	s5 =	sand.u32 $0x1FFFFFF0, s7;
	s6 =	spop (v2sf)  }
0xb1: {  	[tilespmem:s31], [sflag:$0x2] =	stream.linear.gather [hbm4b:s3+s1], $0x80, $0x38;
	[tilespmem:$0x10600] =	vst v63  }
0xb2: {  	s3 =	sadd.s32 s2, s5;
	s5 =	sand.u32 $0x1FFFFFF0, s6;
	s6 =	spop (v2sf)  }
0xb3: {  	[tilespmem:s0], [sflag:$0x2] =	stream.linear.gather [hbm4b:s3+s1], $0x80, $0x38;
	[tilespmem:$0x10600] =	vst v63  }
0xb4: {  	s0 =	sadd.s32 s2, s5;
	s3 =	sand.u32 $0x1FFFFFF0, s6;
	s5 =	spop (v2sf)  }
0xb5: {  	[tilespmem:s30], [sflag:$0x2] =	stream.linear.gather [hbm4b:s0+s1], $0x80, $0x38;
	[tilespmem:$0x10600] =	vst v63  }
0xb6: {  	s3 =	sadd.s32 s2, s3;
	s0 =	sadd.s32 $0x8D00, s29;
	s5 =	sand.u32 $0x1FFFFFF0, s5  }
0xb7: {  	[tilespmem:s0], [sflag:$0x2] =	stream.linear.gather [hbm4b:s3+s1], $0x80, $0x38;
	[tilespmem:$0x10600] =	vst v63  }
0xb8: {  	s5 =	sadd.s32 s2, s5;
	s0 =	sand.u32 $0xF0, s28;
	s3 =	sadd.s32 $0x8D80, s29  }
0xb9: {  	[tilespmem:s3], [sflag:$0x2] =	stream.linear.gather [hbm4b:s5+s1], $0x80, $0x38;
	[tilespmem:$0x10600] =	vst v63  }
0xba: {  	v0 =	vld [tilespmem:s0+$0x100];
	_ =	sdelay $0x4  }
0xbb: {  	v0 =	vshll.u32 v0, $0x4  }
0xbc: {  	(v2sf) =	vpush v0, $0x0  }
0xbd: {  	(v2sf) =	vpush v0, $0x2  }
0xbe: {  	(v2sf) =	vpush v0, $0x1;
	_ =	sdelay $0x1  }
.Ltmp1:
0xbf: {  	(v2sf) =	vpush v0, $0x3;
	(pc) =	sbr.rel @p0 .LBB2_4-.Ltmp1, $2  }
0xc0: {  	(v2sf) =	vpush v0, $0x4;
	_ =	sdelay $0x2  }
0xc1: {  	s28 =	sadd.s32 $0x10, s28  }
0xc2: {  	(v2sf) =	vpush v0, $0x5;
	_ =	sdelay $0x1  }
0xc3: {  	s0 =	sshra.s32 s25, $0x2;
	(v2sf) =	vpush v0, $0x6  }
0xc4: {  	s6 =	sadd.s32 $0x8680, s0;
	s7 =	sadd.s32 $0x8600, s0  }
0xc5: {  	s5 =	sadd.s32 $0x8B80, s0;
	s16 =	sadd.s32 $0x8C00, s0;
	s3 =	sadd.s32 $0x8C80, s0;
	(v2sf) =	vpush v0, $0x7  }
0xc6: {  	s8 =	sadd.s32 $0x8A00, s0;
	s9 =	sadd.s32 $0x8A80, s0;
	s10 =	sadd.s32 $0x8B00, s0  }
0xc7: {  	s11 =	sadd.s32 $0x8900, s0;
	s12 =	sadd.s32 $0x8980, s0;
	s13 =	spop (v2sf);
	(v2sf) =	vpush v0, $0x8  }
0xc8: {  	s14 =	sadd.s32 $0x8700, s0;
	s13 =	sand.u32 $0x1FFFFFF0, s13;
	s17 =	spop (v2sf)  }
0xc9: {  	s25 =	sadd.s32 $0x8880, s0;
	s13 =	sadd.s32 s2, s13;
	s26 =	spop (v2sf);
	(v2sf) =	vpush v0, $0x9  }
0xca: {  	[tilespmem:s7], [sflag:$0x2] =	stream.linear.gather [hbm4b:s13+s1], $0x80, $0x38;
	[tilespmem:$0x10600] =	vst v63  }
0xcb: {  	s30 =	sand.u32 $0x1FFFFFF0, s17;
	s29 =	sand.u32 $0x1FFFFFF0, s26;
	s31 =	spop (v2sf);
	(v2sf) =	vpush v0, $0xA  }
0xcc: {  	s26 =	sadd.s32 $0x8800, s0;
	s7 =	sadd.s32 s2, s29;
	s28 =	spop (v2sf)  }
0xcd: {  	[tilespmem:s6], [sflag:$0x2] =	stream.linear.gather [hbm4b:s7+s1], $0x80, $0x38;
	(v2sf) =	vpush v0, $0xB;
	[tilespmem:$0x10600] =	vst v63  }
0xce: {  	s29 =	sadd.s32 s2, s30;
	s30 =	sand.u32 $0x1FFFFFF0, s31;
	s31 =	sand.u32 $0x1FFFFFF0, s28  }
0xcf: {  	(v2sf) =	vpush v0, $0xC;
	[tilespmem:s14], [sflag:$0x2] =	stream.linear.gather [hbm4b:s29+s1], $0x80, $0x38;
	[tilespmem:$0x10600] =	vst v63  }
0xd0: {  	s7 =	sadd.s32 s2, s30;
	s14 =	sadd.s32 $0x8780, s0;
	s17 =	spop (v2sf)  }
0xd1: {  	[tilespmem:s14], [sflag:$0x2] =	stream.linear.gather [hbm4b:s7+s1], $0x80, $0x38;
	(v2sf) =	vpush v0, $0xD;
	[tilespmem:$0x10600] =	vst v63  }
0xd2: {  	s29 =	sadd.s32 s2, s31;
	s30 =	sand.u32 $0x1FFFFFF0, s17;
	s31 =	spop (v2sf)  }
0xd3: {  	(v2sf) =	vpush v0, $0xE;
	[tilespmem:s26], [sflag:$0x2] =	stream.linear.gather [hbm4b:s29+s1], $0x80, $0x38;
	[tilespmem:$0x10600] =	vst v63  }
0xd4: {  	s7 =	sadd.s32 s2, s30;
	s13 =	sand.u32 $0x1FFFFFF0, s31;
	s14 =	spop (v2sf)  }
0xd5: {  	(v2sf) =	vpush v0, $0xF;
	[tilespmem:s25], [sflag:$0x2] =	stream.linear.gather [hbm4b:s7+s1], $0x80, $0x38;
	[tilespmem:$0x10600] =	vst v63  }
0xd6: {  	s17 =	sadd.s32 s2, s13;
	s25 =	sand.u32 $0x1FFFFFF0, s14;
	s26 =	spop (v2sf)  }
0xd7: {  	[tilespmem:s11], [sflag:$0x2] =	stream.linear.gather [hbm4b:s17+s1], $0x80, $0x38;
	[tilespmem:$0x10600] =	vst v63  }
0xd8: {  	s29 =	sadd.s32 s2, s25;
	s30 =	sand.u32 $0x1FFFFFF0, s26;
	s31 =	spop (v2sf)  }
0xd9: {  	[tilespmem:s12], [sflag:$0x2] =	stream.linear.gather [hbm4b:s29+s1], $0x80, $0x38;
	[tilespmem:$0x10600] =	vst v63  }
0xda: {  	s12 =	sadd.s32 s2, s30;
	s13 =	sand.u32 $0x1FFFFFF0, s31;
	s14 =	spop (v2sf)  }
0xdb: {  	[tilespmem:s8], [sflag:$0x2] =	stream.linear.gather [hbm4b:s12+s1], $0x80, $0x38;
	[tilespmem:$0x10600] =	vst v63  }
0xdc: {  	s17 =	sadd.s32 s2, s13;
	s25 =	sand.u32 $0x1FFFFFF0, s14;
	s26 =	spop (v2sf)  }
0xdd: {  	[tilespmem:s9], [sflag:$0x2] =	stream.linear.gather [hbm4b:s17+s1], $0x80, $0x38;
	[tilespmem:$0x10600] =	vst v63  }
0xde: {  	s29 =	sadd.s32 s2, s25;
	s30 =	sand.u32 $0x1FFFFFF0, s26;
	s31 =	spop (v2sf)  }
0xdf: {  	[tilespmem:s10], [sflag:$0x2] =	stream.linear.gather [hbm4b:s29+s1], $0x80, $0x38;
	[tilespmem:$0x10600] =	vst v63  }
0xe0: {  	s7 =	sadd.s32 s2, s30;
	s8 =	sand.u32 $0x1FFFFFF0, s31;
	s9 =	spop (v2sf)  }
0xe1: {  	[tilespmem:s5], [sflag:$0x2] =	stream.linear.gather [hbm4b:s7+s1], $0x80, $0x38;
	[tilespmem:$0x10600] =	vst v63  }
0xe2: {  	s10 =	sadd.s32 s2, s8;
	s11 =	sand.u32 $0x1FFFFFF0, s9;
	s12 =	spop (v2sf)  }
0xe3: {  	[tilespmem:s16], [sflag:$0x2] =	stream.linear.gather [hbm4b:s10+s1], $0x80, $0x38;
	[tilespmem:$0x10600] =	vst v63  }
0xe4: {  	s13 =	sadd.s32 s2, s11;
	s14 =	sand.u32 $0x1FFFFFF0, s12;
	s16 =	spop (v2sf)  }
0xe5: {  	[tilespmem:s3], [sflag:$0x2] =	stream.linear.gather [hbm4b:s13+s1], $0x80, $0x38;
	[tilespmem:$0x10600] =	vst v63  }
0xe6: {  	s17 =	sadd.s32 $0x8D00, s0;
	s25 =	sadd.s32 s2, s14;
	s26 =	sand.u32 $0x1FFFFFF0, s16  }
0xe7: {  	[tilespmem:s17], [sflag:$0x2] =	stream.linear.gather [hbm4b:s25+s1], $0x80, $0x38;
	[tilespmem:$0x10600] =	vst v63  }
0xe8: {  	s0 =	sadd.s32 $0x8D80, s0;
	s29 =	sadd.s32 s2, s26  }
0xe9: {  	[tilespmem:s0], [sflag:$0x2] =	stream.linear.gather [hbm4b:s29+s1], $0x80, $0x38;
	[tilespmem:$0x10600] =	vst v63  }
0xea: {  	_ =	swait.ge [sflag:s20], $0x8000  }
0xeb: {  	[sflag:s20] =	ssyncset.done $0x0  }
0xec: {  	s30 =	simm.s32 $0x0;
	s31 =	rddreg [dreg:$0x9];
	[sflag:s20] =	ssyncadd.s32 $0xFFFF8000  }
0xed: {  	[hbm4b:s31+s30] =	stream.linear.scatter [tilespmem:s21], [sflag:$0x4], $0x8000, $0x38;
	[tilespmem:$0x10600] =	vst v63  }
0xee: {  	_ =	swait.ge [sflag:s22], $0x8000  }
0xef: {  	[sflag:s22] =	ssyncset.done $0x0  }
0xf0: {  	s26 =	simm.s32 $0x200;
	[sflag:s22] =	ssyncadd.s32 $0xFFFF8000  }
0xf1: {  	v0 =	vld [tilespmem:s26+$0x0];
	_ =	sdelay $0x4  }
0xf2: {  	v0 =	vshll.u32 v0, $0x4  }
0xf3: {  	(v2sf) =	vpush v0, $0x0  }
0xf4: {  	(v2sf) =	vpush v0, $0x1  }
0xf5: {  	(v2sf) =	vpush v0, $0x2;
	_ =	sdelay $0x1  }
0xf6: {  	(v2sf) =	vpush v0, $0x4;
	_ =	sdelay $0x1  }
0xf7: {  	(v2sf) =	vpush v0, $0x3  }
0xf8: {  	(v2sf) =	vpush v0, $0x5  }
0xf9: {  	s28 =	simm.s32 $0x2000;
	s25 =	simm.s32 $0x0;
	(v2sf) =	vpush v0, $0x6  }
.LBB2_6:
0xfa: {  	p0 =	sne.s32 s28, $0x1E000  }
0xfb: {  	s7 =	sadd.s32 $0x680, s25;
	s0 =	sadd.s32 $0xB80, s25;
	s29 =	smov.u32 s28  }
0xfc: {  	s28 =	sadd.s32 $0x2000, s28;
	s17 =	sadd.s32 $0x980, s25;
	s30 =	sadd.s32 $0xC00, s25;
	(v2sf) =	vpush v0, $0x7  }
0xfd: {  	s6 =	sadd.s32 $0x880, s25;
	s16 =	sadd.s32 $0xA00, s25;
	s31 =	sadd.s32 $0xC80, s25  }
0xfe: {  	s8 =	sadd.s32 $0x600, s25;
	s9 =	sadd.s32 $0x800, s25;
	(v2sf) =	vpush v0, $0x8  }
0xff: {  	s10 =	sadd.s32 $0x900, s25;
	s26 =	sadd.s32 $0x10, s26  }
0x100: {  	s11 =	sadd.s32 $0x700, s25;
	s3 =	sadd.s32 $0xB00, s25;
	s5 =	spop (v2sf);
	(v2sf) =	vpush v0, $0x9  }
0x101: {  	s12 =	sand.u32 $0x1FFFFFF0, s5;
	s5 =	sadd.s32 $0xA80, s25;
	s13 =	spop (v2sf)  }
0x102: {  	s12 =	sadd.s32 s4, s12;
	s13 =	sand.u32 $0x1FFFFFF0, s13;
	s14 =	spop (v2sf);
	(v2sf) =	vpush v0, $0xA  }
0x103: {  	[tilespmem:s8], [sflag:$0x1] =	stream.linear.gather [hbm4b:s12+s1], $0x80, $0x38;
	[tilespmem:$0x10600] =	vst v63  }
0x104: {  	s8 =	sadd.s32 s4, s13;
	s12 =	sadd.s32 $0x780, s25;
	s13 =	spop (v2sf);
	(v2sf) =	vpush v0, $0xB  }
0x105: {  	[tilespmem:s7], [sflag:$0x1] =	stream.linear.gather [hbm4b:s8+s1], $0x80, $0x38;
	[tilespmem:$0x10600] =	vst v63  }
0x106: {  	s7 =	sand.u32 $0x1FFFFFF0, s14;
	s8 =	sand.u32 $0x1FFFFFF0, s13;
	s13 =	spop (v2sf);
	(v2sf) =	vpush v0, $0xC  }
0x107: {  	s7 =	sadd.s32 s4, s7;
	s13 =	sand.u32 $0x1FFFFFF0, s13;
	s14 =	spop (v2sf)  }
0x108: {  	[tilespmem:s11], [sflag:$0x1] =	stream.linear.gather [hbm4b:s7+s1], $0x80, $0x38;
	(v2sf) =	vpush v0, $0xD;
	[tilespmem:$0x10600] =	vst v63  }
0x109: {  	s7 =	sadd.s32 s4, s13;
	s11 =	sand.u32 $0x1FFFFFF0, s14;
	s13 =	spop (v2sf)  }
0x10a: {  	[tilespmem:s12], [sflag:$0x1] =	stream.linear.gather [hbm4b:s7+s1], $0x80, $0x38;
	(v2sf) =	vpush v0, $0xE;
	[tilespmem:$0x10600] =	vst v63  }
0x10b: {  	s7 =	sadd.s32 s4, s8;
	s8 =	sand.u32 $0x1FFFFFF0, s13;
	s12 =	spop (v2sf)  }
0x10c: {  	[tilespmem:s9], [sflag:$0x1] =	stream.linear.gather [hbm4b:s7+s1], $0x80, $0x38;
	(v2sf) =	vpush v0, $0xF;
	[tilespmem:$0x10600] =	vst v63  }
0x10d: {  	s7 =	sadd.s32 s4, s11;
	s9 =	sand.u32 $0x1FFFFFF0, s12;
	s11 =	spop (v2sf)  }
0x10e: {  	[tilespmem:s6], [sflag:$0x1] =	stream.linear.gather [hbm4b:s7+s1], $0x80, $0x38;
	[tilespmem:$0x10600] =	vst v63  }
0x10f: {  	s6 =	sadd.s32 s4, s8;
	s7 =	sand.u32 $0x1FFFFFF0, s11;
	s8 =	spop (v2sf)  }
0x110: {  	[tilespmem:s10], [sflag:$0x1] =	stream.linear.gather [hbm4b:s6+s1], $0x80, $0x38;
	[tilespmem:$0x10600] =	vst v63  }
0x111: {  	s6 =	sadd.s32 s4, s9;
	s8 =	sand.u32 $0x1FFFFFF0, s8;
	s9 =	spop (v2sf)  }
0x112: {  	[tilespmem:s17], [sflag:$0x1] =	stream.linear.gather [hbm4b:s6+s1], $0x80, $0x38;
	[tilespmem:$0x10600] =	vst v63  }
0x113: {  	s6 =	sadd.s32 s4, s7;
	s7 =	sand.u32 $0x1FFFFFF0, s9;
	s9 =	spop (v2sf)  }
0x114: {  	[tilespmem:s16], [sflag:$0x1] =	stream.linear.gather [hbm4b:s6+s1], $0x80, $0x38;
	[tilespmem:$0x10600] =	vst v63  }
0x115: {  	s6 =	sadd.s32 s4, s8;
	s8 =	sand.u32 $0x1FFFFFF0, s9;
	s9 =	spop (v2sf)  }
0x116: {  	[tilespmem:s5], [sflag:$0x1] =	stream.linear.gather [hbm4b:s6+s1], $0x80, $0x38;
	[tilespmem:$0x10600] =	vst v63  }
0x117: {  	s5 =	sadd.s32 s4, s7;
	s6 =	sand.u32 $0x1FFFFFF0, s9;
	s7 =	spop (v2sf)  }
0x118: {  	[tilespmem:s3], [sflag:$0x1] =	stream.linear.gather [hbm4b:s5+s1], $0x80, $0x38;
	[tilespmem:$0x10600] =	vst v63  }
0x119: {  	s3 =	sadd.s32 s4, s8;
	s5 =	sand.u32 $0x1FFFFFF0, s7;
	s7 =	spop (v2sf)  }
0x11a: {  	[tilespmem:s0], [sflag:$0x1] =	stream.linear.gather [hbm4b:s3+s1], $0x80, $0x38;
	[tilespmem:$0x10600] =	vst v63  }
0x11b: {  	s0 =	sadd.s32 s4, s6;
	s3 =	sand.u32 $0x1FFFFFF0, s7;
	s6 =	spop (v2sf)  }
0x11c: {  	[tilespmem:s30], [sflag:$0x1] =	stream.linear.gather [hbm4b:s0+s1], $0x80, $0x38;
	[tilespmem:$0x10600] =	vst v63  }
0x11d: {  	s0 =	sadd.s32 s4, s5;
	s5 =	sand.u32 $0x1FFFFFF0, s6  }
0x11e: {  	[tilespmem:s31], [sflag:$0x1] =	stream.linear.gather [hbm4b:s0+s1], $0x80, $0x38;
	[tilespmem:$0x10600] =	vst v63  }
0x11f: {  	s3 =	sadd.s32 s4, s3;
	s0 =	sadd.s32 $0xD00, s25  }
0x120: {  	[tilespmem:s0], [sflag:$0x1] =	stream.linear.gather [hbm4b:s3+s1], $0x80, $0x38;
	[tilespmem:$0x10600] =	vst v63  }
0x121: {  	s0 =	sadd.s32 $0xD80, s25;
	s3 =	sadd.s32 s4, s5  }
0x122: {  	[tilespmem:s0], [sflag:$0x1] =	stream.linear.gather [hbm4b:s3+s1], $0x80, $0x38;
	[tilespmem:$0x10600] =	vst v63  }
0x123: {  	v0 =	vld [tilespmem:s26+$0x0];
	_ =	sdelay $0x4  }
0x124: {  	v0 =	vshll.u32 v0, $0x4  }
0x125: {  	(v2sf) =	vpush v0, $0x0  }
0x126: {  	(v2sf) =	vpush v0, $0x1  }
0x127: {  	(v2sf) =	vpush v0, $0x2;
	_ =	sdelay $0x1  }
0x128: {  	(v2sf) =	vpush v0, $0x4  }
.Ltmp2:
0x129: {  	(pc) =	sbr.rel @p0 .LBB2_6-.Ltmp2, $3  }
0x12a: {  	(v2sf) =	vpush v0, $0x3  }
0x12b: {  	(v2sf) =	vpush v0, $0x5;
	_ =	sdelay $0x1  }
0x12c: {  	s25 =	sshra.s32 s29, $0x2;
	(v2sf) =	vpush v0, $0x6  }
0x12d: {  	_ =	sdelay $0x1  }
0x12e: {  	s5 =	sadd.s32 $0x680, s25;
	s16 =	sadd.s32 $0xB80, s25  }
0x12f: {  	s6 =	sadd.s32 $0x980, s25;
	s0 =	sadd.s32 $0xC00, s25;
	(v2sf) =	vpush v0, $0x7;
	s7 =	sadd.s32 $0x880, s25  }
0x130: {  	s8 =	sadd.s32 $0xA00, s25;
	s3 =	sadd.s32 $0xC80, s25;
	s9 =	sadd.s32 $0x600, s25  }
0x131: {  	s10 =	sadd.s32 $0x800, s25;
	s11 =	sadd.s32 $0x900, s25;
	(v2sf) =	vpush v0, $0x8;
	s12 =	spop (v2sf)  }
0x132: {  	s13 =	sadd.s32 $0x700, s25;
	s12 =	sand.u32 $0x1FFFFFF0, s12;
	s14 =	spop (v2sf)  }
0x133: {  	(v2sf) =	vpush v0, $0x9;
	s12 =	sadd.s32 s4, s12;
	s14 =	sand.u32 $0x1FFFFFF0, s14;
	s17 =	spop (v2sf)  }
0x134: {  	[tilespmem:s9], [sflag:$0x1] =	stream.linear.gather [hbm4b:s12+s1], $0x80, $0x38;
	[tilespmem:$0x10600] =	vst v63  }
0x135: {  	s26 =	sadd.s32 $0x780, s25;
	(v2sf) =	vpush v0, $0xA;
	s30 =	sadd.s32 s4, s14;
	s31 =	spop (v2sf)  }
0x136: {  	[tilespmem:s5], [sflag:$0x1] =	stream.linear.gather [hbm4b:s30+s1], $0x80, $0x38;
	[tilespmem:$0x10600] =	vst v63  }
0x137: {  	s9 =	sadd.s32 $0xB00, s25;
	s17 =	sand.u32 $0x1FFFFFF0, s17;
	(v2sf) =	vpush v0, $0xB;
	s29 =	spop (v2sf)  }
0x138: {  	s12 =	sadd.s32 s4, s17;
	s5 =	sadd.s32 $0xA80, s25;
	s17 =	sand.u32 $0x1FFFFFF0, s29  }
0x139: {  	(v2sf) =	vpush v0, $0xC;
	[tilespmem:s13], [sflag:$0x1] =	stream.linear.gather [hbm4b:s12+s1], $0x80, $0x38;
	[tilespmem:$0x10600] =	vst v63  }
0x13a: {  	s30 =	sand.u32 $0x1FFFFFF0, s31;
	s31 =	spop (v2sf);
	s17 =	sadd.s32 s4, s17  }
0x13b: {  	(v2sf) =	vpush v0, $0xD;
	[tilespmem:s26], [sflag:$0x1] =	stream.linear.gather [hbm4b:s17+s1], $0x80, $0x38;
	[tilespmem:$0x10600] =	vst v63  }
0x13c: {  	s12 =	sadd.s32 s4, s30;
	s13 =	sand.u32 $0x1FFFFFF0, s31;
	s29 =	spop (v2sf)  }
0x13d: {  	(v2sf) =	vpush v0, $0xE;
	[tilespmem:s10], [sflag:$0x1] =	stream.linear.gather [hbm4b:s12+s1], $0x80, $0x38;
	[tilespmem:$0x10600] =	vst v63  }
0x13e: {  	s13 =	sadd.s32 s4, s13;
	s30 =	sand.u32 $0x1FFFFFF0, s29;
	s31 =	spop (v2sf)  }
0x13f: {  	(v2sf) =	vpush v0, $0xF;
	[tilespmem:s7], [sflag:$0x1] =	stream.linear.gather [hbm4b:s13+s1], $0x80, $0x38;
	[tilespmem:$0x10600] =	vst v63  }
0x140: {  	s14 =	spop (v2sf);
	s10 =	sadd.s32 s4, s30;
	s13 =	sand.u32 $0x1FFFFFF0, s31  }
0x141: {  	[tilespmem:s11], [sflag:$0x1] =	stream.linear.gather [hbm4b:s10+s1], $0x80, $0x38;
	[tilespmem:$0x10600] =	vst v63  }
0x142: {  	s17 =	sand.u32 $0x1FFFFFF0, s14;
	s7 =	sadd.s32 s4, s13;
	s26 =	spop (v2sf)  }
0x143: {  	[tilespmem:s6], [sflag:$0x1] =	stream.linear.gather [hbm4b:s7+s1], $0x80, $0x38;
	[tilespmem:$0x10600] =	vst v63  }
0x144: {  	s10 =	sadd.s32 s4, s17;
	s29 =	sand.u32 $0x1FFFFFF0, s26;
	s30 =	spop (v2sf)  }
0x145: {  	[tilespmem:s8], [sflag:$0x1] =	stream.linear.gather [hbm4b:s10+s1], $0x80, $0x38;
	[tilespmem:$0x10600] =	vst v63  }
0x146: {  	s7 =	sand.u32 $0x1FFFFFF0, s30;
	s6 =	sadd.s32 s4, s29;
	s31 =	spop (v2sf)  }
0x147: {  	[tilespmem:s5], [sflag:$0x1] =	stream.linear.gather [hbm4b:s6+s1], $0x80, $0x38;
	[tilespmem:$0x10600] =	vst v63  }
0x148: {  	s7 =	sadd.s32 s4, s7;
	s8 =	sand.u32 $0x1FFFFFF0, s31;
	s10 =	spop (v2sf)  }
0x149: {  	[tilespmem:s9], [sflag:$0x1] =	stream.linear.gather [hbm4b:s7+s1], $0x80, $0x38;
	[tilespmem:$0x10600] =	vst v63  }
0x14a: {  	s5 =	sadd.s32 s4, s8;
	s6 =	sand.u32 $0x1FFFFFF0, s10;
	s11 =	spop (v2sf)  }
0x14b: {  	[tilespmem:s16], [sflag:$0x1] =	stream.linear.gather [hbm4b:s5+s1], $0x80, $0x38;
	[tilespmem:$0x10600] =	vst v63  }
0x14c: {  	s12 =	sand.u32 $0x1FFFFFF0, s11;
	s6 =	sadd.s32 s4, s6;
	s13 =	spop (v2sf)  }
0x14d: {  	[tilespmem:s0], [sflag:$0x1] =	stream.linear.gather [hbm4b:s6+s1], $0x80, $0x38;
	[tilespmem:$0x10600] =	vst v63  }
0x14e: {  	s14 =	sand.u32 $0x1FFFFFF0, s13;
	s16 =	spop (v2sf);
	s5 =	sadd.s32 s4, s12  }
0x14f: {  	[tilespmem:s3], [sflag:$0x1] =	stream.linear.gather [hbm4b:s5+s1], $0x80, $0x38;
	[tilespmem:$0x10600] =	vst v63  }
0x150: {  	s26 =	sadd.s32 $0xD00, s25;
	s17 =	sand.u32 $0x1FFFFFF0, s16;
	s0 =	sadd.s32 s4, s14  }
0x151: {  	[tilespmem:s26], [sflag:$0x1] =	stream.linear.gather [hbm4b:s0+s1], $0x80, $0x38;
	[tilespmem:$0x10600] =	vst v63  }
0x152: {  	s29 =	sadd.s32 $0xD80, s25;
	s3 =	sadd.s32 s4, s17  }
0x153: {  	[tilespmem:s29], [sflag:$0x1] =	stream.linear.gather [hbm4b:s3+s1], $0x80, $0x38;
	[tilespmem:$0x10600] =	vst v63  }
0x154: {  	_ =	swait.ge [sflag:s18], $0x8000  }
0x155: {  	[sflag:s18] =	ssyncset.done $0x0  }
0x156: {  	s25 =	simm.s32 $0x0;
	s30 =	rddreg [dreg:$0xa];
	[sflag:s18] =	ssyncadd.s32 $0xFFFF8000  }
0x157: {  	[hbm4b:s30+s25] =	stream.linear.scatter [tilespmem:s19], [sflag:$0x3], $0x8000, $0x38;
	[tilespmem:$0x10600] =	vst v63  }
0x158: {  	_ =	swait.ge [sflag:s23], $0x8000  }
0x159: {  	[sflag:s23] =	ssyncset.done $0x0  }
0x15a: {  	s31 =	sand.u32 $0xF0, s25;
	[sflag:s23] =	ssyncadd.s32 $0xFFFF8000  }
0x15b: {  	v0 =	vld [tilespmem:s31+$0x300];
	_ =	sdelay $0x4  }
0x15c: {  	v0 =	vshll.u32 v0, $0x4  }
0x15d: {  	(v2sf) =	vpush v0, $0x0  }
0x15e: {  	(v2sf) =	vpush v0, $0x2  }
0x15f: {  	(v2sf) =	vpush v0, $0x1;
	_ =	sdelay $0x1  }
0x160: {  	(v2sf) =	vpush v0, $0x3  }
0x161: {  	(v2sf) =	vpush v0, $0x4;
	_ =	sdelay $0x2  }
0x162: {  	s28 =	simm.s32 $0x10;
	s26 =	simm.s32 $0x2000  }
.LBB2_8:
0x163: {  	p0 =	sne.s32 s26, $0x1E000;
	(v2sf) =	vpush v0, $0x5;
	s0 =	smov.u32 s26;
	s26 =	sadd.s32 $0x2000, s26  }
0x164: {  	s29 =	sshra.s32 s25, $0x2;
	s25 =	smov.u32 s0  }
0x165: {  	s6 =	sadd.s32 $0x8680, s29;
	(v2sf) =	vpush v0, $0x6  }
0x166: {  	s7 =	sadd.s32 $0x8600, s29  }
0x167: {  	s31 =	sadd.s32 $0x8B80, s29;
	s0 =	sadd.s32 $0x8C00, s29;
	s30 =	sadd.s32 $0x8C80, s29;
	(v2sf) =	vpush v0, $0x7  }
0x168: {  	s17 =	sadd.s32 $0x8A00, s29;
	s16 =	sadd.s32 $0x8A80, s29;
	s3 =	sadd.s32 $0x8B00, s29  }
0x169: {  	s8 =	sadd.s32 $0x8900, s29;
	s5 =	sadd.s32 $0x8980, s29;
	s9 =	spop (v2sf);
	(v2sf) =	vpush v0, $0x8  }
0x16a: {  	s10 =	sadd.s32 $0x8700, s29;
	s9 =	sand.u32 $0x1FFFFFF0, s9;
	s11 =	spop (v2sf)  }
0x16b: {  	s12 =	sadd.s32 $0x8880, s29;
	s9 =	sadd.s32 s4, s9;
	s13 =	spop (v2sf);
	(v2sf) =	vpush v0, $0x9  }
0x16c: {  	[tilespmem:s7], [sflag:$0x2] =	stream.linear.gather [hbm4b:s9+s1], $0x80, $0x38;
	[tilespmem:$0x10600] =	vst v63  }
0x16d: {  	s7 =	sand.u32 $0x1FFFFFF0, s13;
	s9 =	sand.u32 $0x1FFFFFF0, s11;
	s11 =	spop (v2sf);
	(v2sf) =	vpush v0, $0xA  }
0x16e: {  	s13 =	sadd.s32 $0x8800, s29;
	s7 =	sadd.s32 s4, s7;
	s14 =	spop (v2sf)  }
0x16f: {  	[tilespmem:s6], [sflag:$0x2] =	stream.linear.gather [hbm4b:s7+s1], $0x80, $0x38;
	(v2sf) =	vpush v0, $0xB;
	[tilespmem:$0x10600] =	vst v63  }
0x170: {  	s6 =	sadd.s32 s4, s9;
	s7 =	sand.u32 $0x1FFFFFF0, s11;
	s9 =	sand.u32 $0x1FFFFFF0, s14  }
0x171: {  	[tilespmem:s10], [sflag:$0x2] =	stream.linear.gather [hbm4b:s6+s1], $0x80, $0x38;
	(v2sf) =	vpush v0, $0xC;
	[tilespmem:$0x10600] =	vst v63  }
0x172: {  	s7 =	sadd.s32 s4, s7;
	s6 =	sadd.s32 $0x8780, s29;
	s10 =	spop (v2sf)  }
0x173: {  	[tilespmem:s6], [sflag:$0x2] =	stream.linear.gather [hbm4b:s7+s1], $0x80, $0x38;
	(v2sf) =	vpush v0, $0xD;
	[tilespmem:$0x10600] =	vst v63  }
0x174: {  	s6 =	sadd.s32 s4, s9;
	s7 =	sand.u32 $0x1FFFFFF0, s10;
	s9 =	spop (v2sf)  }
0x175: {  	[tilespmem:s13], [sflag:$0x2] =	stream.linear.gather [hbm4b:s6+s1], $0x80, $0x38;
	(v2sf) =	vpush v0, $0xE;
	[tilespmem:$0x10600] =	vst v63  }
0x176: {  	s6 =	sadd.s32 s4, s7;
	s7 =	sand.u32 $0x1FFFFFF0, s9;
	s9 =	spop (v2sf)  }
0x177: {  	[tilespmem:s12], [sflag:$0x2] =	stream.linear.gather [hbm4b:s6+s1], $0x80, $0x38;
	(v2sf) =	vpush v0, $0xF;
	[tilespmem:$0x10600] =	vst v63  }
0x178: {  	s6 =	sadd.s32 s4, s7;
	s7 =	sand.u32 $0x1FFFFFF0, s9;
	s9 =	spop (v2sf)  }
0x179: {  	[tilespmem:s8], [sflag:$0x2] =	stream.linear.gather [hbm4b:s6+s1], $0x80, $0x38;
	[tilespmem:$0x10600] =	vst v63  }
0x17a: {  	s6 =	sadd.s32 s4, s7;
	s7 =	sand.u32 $0x1FFFFFF0, s9;
	s8 =	spop (v2sf)  }
0x17b: {  	[tilespmem:s5], [sflag:$0x2] =	stream.linear.gather [hbm4b:s6+s1], $0x80, $0x38;
	[tilespmem:$0x10600] =	vst v63  }
0x17c: {  	s5 =	sadd.s32 s4, s7;
	s6 =	sand.u32 $0x1FFFFFF0, s8;
	s7 =	spop (v2sf)  }
0x17d: {  	[tilespmem:s17], [sflag:$0x2] =	stream.linear.gather [hbm4b:s5+s1], $0x80, $0x38;
	[tilespmem:$0x10600] =	vst v63  }
0x17e: {  	s5 =	sadd.s32 s4, s6;
	s6 =	sand.u32 $0x1FFFFFF0, s7;
	s7 =	spop (v2sf)  }
0x17f: {  	[tilespmem:s16], [sflag:$0x2] =	stream.linear.gather [hbm4b:s5+s1], $0x80, $0x38;
	[tilespmem:$0x10600] =	vst v63  }
0x180: {  	s5 =	sadd.s32 s4, s6;
	s6 =	sand.u32 $0x1FFFFFF0, s7;
	s7 =	spop (v2sf)  }
0x181: {  	[tilespmem:s3], [sflag:$0x2] =	stream.linear.gather [hbm4b:s5+s1], $0x80, $0x38;
	[tilespmem:$0x10600] =	vst v63  }
0x182: {  	s3 =	sadd.s32 s4, s6;
	s5 =	sand.u32 $0x1FFFFFF0, s7;
	s6 =	spop (v2sf)  }
0x183: {  	[tilespmem:s31], [sflag:$0x2] =	stream.linear.gather [hbm4b:s3+s1], $0x80, $0x38;
	[tilespmem:$0x10600] =	vst v63  }
0x184: {  	s3 =	sadd.s32 s4, s5;
	s5 =	sand.u32 $0x1FFFFFF0, s6;
	s6 =	spop (v2sf)  }
0x185: {  	[tilespmem:s0], [sflag:$0x2] =	stream.linear.gather [hbm4b:s3+s1], $0x80, $0x38;
	[tilespmem:$0x10600] =	vst v63  }
0x186: {  	s0 =	sadd.s32 s4, s5;
	s3 =	sand.u32 $0x1FFFFFF0, s6;
	s5 =	spop (v2sf)  }
0x187: {  	[tilespmem:s30], [sflag:$0x2] =	stream.linear.gather [hbm4b:s0+s1], $0x80, $0x38;
	[tilespmem:$0x10600] =	vst v63  }
0x188: {  	s3 =	sadd.s32 s4, s3;
	s0 =	sadd.s32 $0x8D00, s29;
	s5 =	sand.u32 $0x1FFFFFF0, s5  }
0x189: {  	[tilespmem:s0], [sflag:$0x2] =	stream.linear.gather [hbm4b:s3+s1], $0x80, $0x38;
	[tilespmem:$0x10600] =	vst v63  }
0x18a: {  	s5 =	sadd.s32 s4, s5;
	s0 =	sand.u32 $0xF0, s28;
	s3 =	sadd.s32 $0x8D80, s29  }
0x18b: {  	[tilespmem:s3], [sflag:$0x2] =	stream.linear.gather [hbm4b:s5+s1], $0x80, $0x38;
	[tilespmem:$0x10600] =	vst v63  }
0x18c: {  	v0 =	vld [tilespmem:s0+$0x300];
	_ =	sdelay $0x4  }
0x18d: {  	v0 =	vshll.u32 v0, $0x4  }
0x18e: {  	(v2sf) =	vpush v0, $0x0  }
0x18f: {  	(v2sf) =	vpush v0, $0x2  }
0x190: {  	(v2sf) =	vpush v0, $0x1;
	_ =	sdelay $0x1  }
.Ltmp3:
0x191: {  	(v2sf) =	vpush v0, $0x3;
	(pc) =	sbr.rel @p0 .LBB2_8-.Ltmp3, $2  }
0x192: {  	(v2sf) =	vpush v0, $0x4;
	_ =	sdelay $0x2  }
0x193: {  	s28 =	sadd.s32 $0x10, s28  }
0x194: {  	(v2sf) =	vpush v0, $0x5;
	_ =	sdelay $0x1  }
0x195: {  	s0 =	sshra.s32 s25, $0x2;
	(v2sf) =	vpush v0, $0x6  }
0x196: {  	s6 =	sadd.s32 $0x8680, s0;
	s7 =	sadd.s32 $0x8600, s0  }
0x197: {  	s5 =	sadd.s32 $0x8B80, s0;
	s16 =	sadd.s32 $0x8C00, s0;
	s3 =	sadd.s32 $0x8C80, s0;
	(v2sf) =	vpush v0, $0x7  }
0x198: {  	s8 =	sadd.s32 $0x8A00, s0;
	s9 =	sadd.s32 $0x8A80, s0;
	s10 =	sadd.s32 $0x8B00, s0  }
0x199: {  	s11 =	sadd.s32 $0x8900, s0;
	s12 =	sadd.s32 $0x8980, s0;
	s13 =	spop (v2sf);
	(v2sf) =	vpush v0, $0x8  }
0x19a: {  	s14 =	sadd.s32 $0x8700, s0;
	s13 =	sand.u32 $0x1FFFFFF0, s13;
	s17 =	spop (v2sf)  }
0x19b: {  	s25 =	sadd.s32 $0x8880, s0;
	s13 =	sadd.s32 s4, s13;
	s26 =	spop (v2sf);
	(v2sf) =	vpush v0, $0x9  }
0x19c: {  	[tilespmem:s7], [sflag:$0x2] =	stream.linear.gather [hbm4b:s13+s1], $0x80, $0x38;
	[tilespmem:$0x10600] =	vst v63  }
0x19d: {  	s30 =	sand.u32 $0x1FFFFFF0, s17;
	s29 =	sand.u32 $0x1FFFFFF0, s26;
	s31 =	spop (v2sf);
	(v2sf) =	vpush v0, $0xA  }
0x19e: {  	s26 =	sadd.s32 $0x8800, s0;
	s7 =	sadd.s32 s4, s29;
	s28 =	spop (v2sf)  }
0x19f: {  	[tilespmem:s6], [sflag:$0x2] =	stream.linear.gather [hbm4b:s7+s1], $0x80, $0x38;
	(v2sf) =	vpush v0, $0xB;
	[tilespmem:$0x10600] =	vst v63  }
0x1a0: {  	s29 =	sadd.s32 s4, s30;
	s30 =	sand.u32 $0x1FFFFFF0, s31;
	s31 =	sand.u32 $0x1FFFFFF0, s28  }
0x1a1: {  	(v2sf) =	vpush v0, $0xC;
	[tilespmem:s14], [sflag:$0x2] =	stream.linear.gather [hbm4b:s29+s1], $0x80, $0x38;
	[tilespmem:$0x10600] =	vst v63  }
0x1a2: {  	s7 =	sadd.s32 s4, s30;
	s14 =	sadd.s32 $0x8780, s0;
	s17 =	spop (v2sf)  }
0x1a3: {  	[tilespmem:s14], [sflag:$0x2] =	stream.linear.gather [hbm4b:s7+s1], $0x80, $0x38;
	(v2sf) =	vpush v0, $0xD;
	[tilespmem:$0x10600] =	vst v63  }
0x1a4: {  	s29 =	sadd.s32 s4, s31;
	s30 =	sand.u32 $0x1FFFFFF0, s17;
	s31 =	spop (v2sf)  }
0x1a5: {  	(v2sf) =	vpush v0, $0xE;
	[tilespmem:s26], [sflag:$0x2] =	stream.linear.gather [hbm4b:s29+s1], $0x80, $0x38;
	[tilespmem:$0x10600] =	vst v63  }
0x1a6: {  	s7 =	sadd.s32 s4, s30;
	s13 =	sand.u32 $0x1FFFFFF0, s31;
	s14 =	spop (v2sf)  }
0x1a7: {  	(v2sf) =	vpush v0, $0xF;
	[tilespmem:s25], [sflag:$0x2] =	stream.linear.gather [hbm4b:s7+s1], $0x80, $0x38;
	[tilespmem:$0x10600] =	vst v63  }
0x1a8: {  	s17 =	sadd.s32 s4, s13;
	s25 =	sand.u32 $0x1FFFFFF0, s14;
	s26 =	spop (v2sf)  }
0x1a9: {  	[tilespmem:s11], [sflag:$0x2] =	stream.linear.gather [hbm4b:s17+s1], $0x80, $0x38;
	[tilespmem:$0x10600] =	vst v63  }
0x1aa: {  	s29 =	sadd.s32 s4, s25;
	s30 =	sand.u32 $0x1FFFFFF0, s26;
	s31 =	spop (v2sf)  }
0x1ab: {  	[tilespmem:s12], [sflag:$0x2] =	stream.linear.gather [hbm4b:s29+s1], $0x80, $0x38;
	[tilespmem:$0x10600] =	vst v63  }
0x1ac: {  	s12 =	sadd.s32 s4, s30;
	s13 =	sand.u32 $0x1FFFFFF0, s31;
	s14 =	spop (v2sf)  }
0x1ad: {  	[tilespmem:s8], [sflag:$0x2] =	stream.linear.gather [hbm4b:s12+s1], $0x80, $0x38;
	[tilespmem:$0x10600] =	vst v63  }
0x1ae: {  	s17 =	sadd.s32 s4, s13;
	s25 =	sand.u32 $0x1FFFFFF0, s14;
	s26 =	spop (v2sf)  }
0x1af: {  	[tilespmem:s9], [sflag:$0x2] =	stream.linear.gather [hbm4b:s17+s1], $0x80, $0x38;
	[tilespmem:$0x10600] =	vst v63  }
0x1b0: {  	s29 =	sadd.s32 s4, s25;
	s30 =	sand.u32 $0x1FFFFFF0, s26;
	s31 =	spop (v2sf)  }
0x1b1: {  	[tilespmem:s10], [sflag:$0x2] =	stream.linear.gather [hbm4b:s29+s1], $0x80, $0x38;
	[tilespmem:$0x10600] =	vst v63  }
0x1b2: {  	s7 =	sadd.s32 s4, s30;
	s8 =	sand.u32 $0x1FFFFFF0, s31;
	s9 =	spop (v2sf)  }
0x1b3: {  	[tilespmem:s5], [sflag:$0x2] =	stream.linear.gather [hbm4b:s7+s1], $0x80, $0x38;
	[tilespmem:$0x10600] =	vst v63  }
0x1b4: {  	s10 =	sadd.s32 s4, s8;
	s11 =	sand.u32 $0x1FFFFFF0, s9;
	s12 =	spop (v2sf)  }
0x1b5: {  	[tilespmem:s16], [sflag:$0x2] =	stream.linear.gather [hbm4b:s10+s1], $0x80, $0x38;
	[tilespmem:$0x10600] =	vst v63  }
0x1b6: {  	s13 =	sadd.s32 s4, s11;
	s14 =	sand.u32 $0x1FFFFFF0, s12;
	s16 =	spop (v2sf)  }
0x1b7: {  	[tilespmem:s3], [sflag:$0x2] =	stream.linear.gather [hbm4b:s13+s1], $0x80, $0x38;
	[tilespmem:$0x10600] =	vst v63  }
0x1b8: {  	s17 =	sadd.s32 $0x8D00, s0;
	s25 =	sadd.s32 s4, s14;
	s26 =	sand.u32 $0x1FFFFFF0, s16  }
0x1b9: {  	[tilespmem:s17], [sflag:$0x2] =	stream.linear.gather [hbm4b:s25+s1], $0x80, $0x38;
	[tilespmem:$0x10600] =	vst v63  }
0x1ba: {  	s0 =	sadd.s32 $0x8D80, s0;
	s29 =	sadd.s32 s4, s26  }
0x1bb: {  	[tilespmem:s0], [sflag:$0x2] =	stream.linear.gather [hbm4b:s29+s1], $0x80, $0x38;
	[tilespmem:$0x10600] =	vst v63  }
0x1bc: {  	_ =	swait.ge [sflag:s20], $0x8000  }
0x1bd: {  	[sflag:s20] =	ssyncset.done $0x0  }
0x1be: {  	s30 =	simm.s32 $0x0;
	s31 =	rddreg [dreg:$0xb];
	[sflag:s20] =	ssyncadd.s32 $0xFFFF8000  }
0x1bf: {  	[hbm4b:s31+s30] =	stream.linear.scatter [tilespmem:s21], [sflag:$0x4], $0x8000, $0x38;
	[tilespmem:$0x10600] =	vst v63  }
0x1c0: {  	_ =	swait.ge [sflag:s22], $0x8000  }
0x1c1: {  	[sflag:s22] =	ssyncset.done $0x0  }
0x1c2: {  	s26 =	simm.s32 $0x400;
	[sflag:s22] =	ssyncadd.s32 $0xFFFF8000  }
0x1c3: {  	v0 =	vld [tilespmem:s26+$0x0];
	_ =	sdelay $0x4  }
0x1c4: {  	v0 =	vshll.u32 v0, $0x4  }
0x1c5: {  	(v2sf) =	vpush v0, $0x0  }
0x1c6: {  	(v2sf) =	vpush v0, $0x1  }
0x1c7: {  	(v2sf) =	vpush v0, $0x2;
	_ =	sdelay $0x1  }
0x1c8: {  	(v2sf) =	vpush v0, $0x4;
	_ =	sdelay $0x1  }
0x1c9: {  	(v2sf) =	vpush v0, $0x3  }
0x1ca: {  	(v2sf) =	vpush v0, $0x5  }
0x1cb: {  	s28 =	simm.s32 $0x2000;
	s25 =	simm.s32 $0x0;
	(v2sf) =	vpush v0, $0x6  }
.LBB2_10:
0x1cc: {  	p0 =	sne.s32 s28, $0x1E000  }
0x1cd: {  	s7 =	sadd.s32 $0x680, s25;
	s0 =	sadd.s32 $0xB80, s25;
	s29 =	smov.u32 s28  }
0x1ce: {  	s28 =	sadd.s32 $0x2000, s28;
	s17 =	sadd.s32 $0x980, s25;
	s30 =	sadd.s32 $0xC00, s25;
	(v2sf) =	vpush v0, $0x7  }
0x1cf: {  	s6 =	sadd.s32 $0x880, s25;
	s16 =	sadd.s32 $0xA00, s25;
	s31 =	sadd.s32 $0xC80, s25  }
0x1d0: {  	s8 =	sadd.s32 $0x600, s25;
	s9 =	sadd.s32 $0x800, s25;
	(v2sf) =	vpush v0, $0x8  }
0x1d1: {  	s10 =	sadd.s32 $0x900, s25;
	s26 =	sadd.s32 $0x10, s26  }
0x1d2: {  	s11 =	sadd.s32 $0x700, s25;
	s3 =	sadd.s32 $0xB00, s25;
	s5 =	spop (v2sf);
	(v2sf) =	vpush v0, $0x9  }
0x1d3: {  	s12 =	sand.u32 $0x1FFFFFF0, s5;
	s5 =	sadd.s32 $0xA80, s25;
	s13 =	spop (v2sf)  }
0x1d4: {  	s12 =	sadd.s32 s4, s12;
	s13 =	sand.u32 $0x1FFFFFF0, s13;
	s14 =	spop (v2sf);
	(v2sf) =	vpush v0, $0xA  }
0x1d5: {  	[tilespmem:s8], [sflag:$0x1] =	stream.linear.gather [hbm4b:s12+s1], $0x80, $0x38;
	[tilespmem:$0x10600] =	vst v63  }
0x1d6: {  	s8 =	sadd.s32 s4, s13;
	s12 =	sadd.s32 $0x780, s25;
	s13 =	spop (v2sf);
	(v2sf) =	vpush v0, $0xB  }
0x1d7: {  	[tilespmem:s7], [sflag:$0x1] =	stream.linear.gather [hbm4b:s8+s1], $0x80, $0x38;
	[tilespmem:$0x10600] =	vst v63  }
0x1d8: {  	s7 =	sand.u32 $0x1FFFFFF0, s14;
	s8 =	sand.u32 $0x1FFFFFF0, s13;
	s13 =	spop (v2sf);
	(v2sf) =	vpush v0, $0xC  }
0x1d9: {  	s7 =	sadd.s32 s4, s7;
	s13 =	sand.u32 $0x1FFFFFF0, s13;
	s14 =	spop (v2sf)  }
0x1da: {  	[tilespmem:s11], [sflag:$0x1] =	stream.linear.gather [hbm4b:s7+s1], $0x80, $0x38;
	(v2sf) =	vpush v0, $0xD;
	[tilespmem:$0x10600] =	vst v63  }
0x1db: {  	s7 =	sadd.s32 s4, s13;
	s11 =	sand.u32 $0x1FFFFFF0, s14;
	s13 =	spop (v2sf)  }
0x1dc: {  	[tilespmem:s12], [sflag:$0x1] =	stream.linear.gather [hbm4b:s7+s1], $0x80, $0x38;
	(v2sf) =	vpush v0, $0xE;
	[tilespmem:$0x10600] =	vst v63  }
0x1dd: {  	s7 =	sadd.s32 s4, s8;
	s8 =	sand.u32 $0x1FFFFFF0, s13;
	s12 =	spop (v2sf)  }
0x1de: {  	[tilespmem:s9], [sflag:$0x1] =	stream.linear.gather [hbm4b:s7+s1], $0x80, $0x38;
	(v2sf) =	vpush v0, $0xF;
	[tilespmem:$0x10600] =	vst v63  }
0x1df: {  	s7 =	sadd.s32 s4, s11;
	s9 =	sand.u32 $0x1FFFFFF0, s12;
	s11 =	spop (v2sf)  }
0x1e0: {  	[tilespmem:s6], [sflag:$0x1] =	stream.linear.gather [hbm4b:s7+s1], $0x80, $0x38;
	[tilespmem:$0x10600] =	vst v63  }
0x1e1: {  	s6 =	sadd.s32 s4, s8;
	s7 =	sand.u32 $0x1FFFFFF0, s11;
	s8 =	spop (v2sf)  }
0x1e2: {  	[tilespmem:s10], [sflag:$0x1] =	stream.linear.gather [hbm4b:s6+s1], $0x80, $0x38;
	[tilespmem:$0x10600] =	vst v63  }
0x1e3: {  	s6 =	sadd.s32 s4, s9;
	s8 =	sand.u32 $0x1FFFFFF0, s8;
	s9 =	spop (v2sf)  }
0x1e4: {  	[tilespmem:s17], [sflag:$0x1] =	stream.linear.gather [hbm4b:s6+s1], $0x80, $0x38;
	[tilespmem:$0x10600] =	vst v63  }
0x1e5: {  	s6 =	sadd.s32 s4, s7;
	s7 =	sand.u32 $0x1FFFFFF0, s9;
	s9 =	spop (v2sf)  }
0x1e6: {  	[tilespmem:s16], [sflag:$0x1] =	stream.linear.gather [hbm4b:s6+s1], $0x80, $0x38;
	[tilespmem:$0x10600] =	vst v63  }
0x1e7: {  	s6 =	sadd.s32 s4, s8;
	s8 =	sand.u32 $0x1FFFFFF0, s9;
	s9 =	spop (v2sf)  }
0x1e8: {  	[tilespmem:s5], [sflag:$0x1] =	stream.linear.gather [hbm4b:s6+s1], $0x80, $0x38;
	[tilespmem:$0x10600] =	vst v63  }
0x1e9: {  	s5 =	sadd.s32 s4, s7;
	s6 =	sand.u32 $0x1FFFFFF0, s9;
	s7 =	spop (v2sf)  }
0x1ea: {  	[tilespmem:s3], [sflag:$0x1] =	stream.linear.gather [hbm4b:s5+s1], $0x80, $0x38;
	[tilespmem:$0x10600] =	vst v63  }
0x1eb: {  	s3 =	sadd.s32 s4, s8;
	s5 =	sand.u32 $0x1FFFFFF0, s7;
	s7 =	spop (v2sf)  }
0x1ec: {  	[tilespmem:s0], [sflag:$0x1] =	stream.linear.gather [hbm4b:s3+s1], $0x80, $0x38;
	[tilespmem:$0x10600] =	vst v63  }
0x1ed: {  	s0 =	sadd.s32 s4, s6;
	s3 =	sand.u32 $0x1FFFFFF0, s7;
	s6 =	spop (v2sf)  }
0x1ee: {  	[tilespmem:s30], [sflag:$0x1] =	stream.linear.gather [hbm4b:s0+s1], $0x80, $0x38;
	[tilespmem:$0x10600] =	vst v63  }
0x1ef: {  	s0 =	sadd.s32 s4, s5;
	s5 =	sand.u32 $0x1FFFFFF0, s6  }
0x1f0: {  	[tilespmem:s31], [sflag:$0x1] =	stream.linear.gather [hbm4b:s0+s1], $0x80, $0x38;
	[tilespmem:$0x10600] =	vst v63  }
0x1f1: {  	s3 =	sadd.s32 s4, s3;
	s0 =	sadd.s32 $0xD00, s25  }
0x1f2: {  	[tilespmem:s0], [sflag:$0x1] =	stream.linear.gather [hbm4b:s3+s1], $0x80, $0x38;
	[tilespmem:$0x10600] =	vst v63  }
0x1f3: {  	s0 =	sadd.s32 $0xD80, s25;
	s3 =	sadd.s32 s4, s5  }
0x1f4: {  	[tilespmem:s0], [sflag:$0x1] =	stream.linear.gather [hbm4b:s3+s1], $0x80, $0x38;
	[tilespmem:$0x10600] =	vst v63  }
0x1f5: {  	v0 =	vld [tilespmem:s26+$0x0];
	_ =	sdelay $0x4  }
0x1f6: {  	v0 =	vshll.u32 v0, $0x4  }
0x1f7: {  	(v2sf) =	vpush v0, $0x0  }
0x1f8: {  	(v2sf) =	vpush v0, $0x1  }
0x1f9: {  	(v2sf) =	vpush v0, $0x2;
	_ =	sdelay $0x1  }
0x1fa: {  	(v2sf) =	vpush v0, $0x4  }
.Ltmp4:
0x1fb: {  	(pc) =	sbr.rel @p0 .LBB2_10-.Ltmp4, $3  }
0x1fc: {  	(v2sf) =	vpush v0, $0x3  }
0x1fd: {  	(v2sf) =	vpush v0, $0x5;
	_ =	sdelay $0x1  }
0x1fe: {  	s25 =	sshra.s32 s29, $0x2;
	(v2sf) =	vpush v0, $0x6  }
0x1ff: {  	_ =	sdelay $0x1  }
0x200: {  	s5 =	sadd.s32 $0x680, s25;
	s16 =	sadd.s32 $0xB80, s25  }
0x201: {  	s6 =	sadd.s32 $0x980, s25;
	s0 =	sadd.s32 $0xC00, s25;
	(v2sf) =	vpush v0, $0x7;
	s7 =	sadd.s32 $0x880, s25  }
0x202: {  	s8 =	sadd.s32 $0xA00, s25;
	s3 =	sadd.s32 $0xC80, s25;
	s9 =	sadd.s32 $0x600, s25  }
0x203: {  	s10 =	sadd.s32 $0x800, s25;
	s11 =	sadd.s32 $0x900, s25;
	(v2sf) =	vpush v0, $0x8;
	s12 =	spop (v2sf)  }
0x204: {  	s13 =	sadd.s32 $0x700, s25;
	s12 =	sand.u32 $0x1FFFFFF0, s12;
	s14 =	spop (v2sf)  }
0x205: {  	(v2sf) =	vpush v0, $0x9;
	s12 =	sadd.s32 s4, s12;
	s14 =	sand.u32 $0x1FFFFFF0, s14;
	s17 =	spop (v2sf)  }
0x206: {  	[tilespmem:s9], [sflag:$0x1] =	stream.linear.gather [hbm4b:s12+s1], $0x80, $0x38;
	[tilespmem:$0x10600] =	vst v63  }
0x207: {  	s26 =	sadd.s32 $0x780, s25;
	(v2sf) =	vpush v0, $0xA;
	s30 =	sadd.s32 s4, s14;
	s31 =	spop (v2sf)  }
0x208: {  	[tilespmem:s5], [sflag:$0x1] =	stream.linear.gather [hbm4b:s30+s1], $0x80, $0x38;
	[tilespmem:$0x10600] =	vst v63  }
0x209: {  	s9 =	sadd.s32 $0xB00, s25;
	s17 =	sand.u32 $0x1FFFFFF0, s17;
	(v2sf) =	vpush v0, $0xB;
	s29 =	spop (v2sf)  }
0x20a: {  	s12 =	sadd.s32 s4, s17;
	s5 =	sadd.s32 $0xA80, s25;
	s17 =	sand.u32 $0x1FFFFFF0, s29  }
0x20b: {  	(v2sf) =	vpush v0, $0xC;
	[tilespmem:s13], [sflag:$0x1] =	stream.linear.gather [hbm4b:s12+s1], $0x80, $0x38;
	[tilespmem:$0x10600] =	vst v63  }
0x20c: {  	s30 =	sand.u32 $0x1FFFFFF0, s31;
	s31 =	spop (v2sf);
	s17 =	sadd.s32 s4, s17  }
0x20d: {  	(v2sf) =	vpush v0, $0xD;
	[tilespmem:s26], [sflag:$0x1] =	stream.linear.gather [hbm4b:s17+s1], $0x80, $0x38;
	[tilespmem:$0x10600] =	vst v63  }
0x20e: {  	s12 =	sadd.s32 s4, s30;
	s13 =	sand.u32 $0x1FFFFFF0, s31;
	s29 =	spop (v2sf)  }
0x20f: {  	(v2sf) =	vpush v0, $0xE;
	[tilespmem:s10], [sflag:$0x1] =	stream.linear.gather [hbm4b:s12+s1], $0x80, $0x38;
	[tilespmem:$0x10600] =	vst v63  }
0x210: {  	s13 =	sadd.s32 s4, s13;
	s30 =	sand.u32 $0x1FFFFFF0, s29;
	s31 =	spop (v2sf)  }
0x211: {  	(v2sf) =	vpush v0, $0xF;
	[tilespmem:s7], [sflag:$0x1] =	stream.linear.gather [hbm4b:s13+s1], $0x80, $0x38;
	[tilespmem:$0x10600] =	vst v63  }
0x212: {  	s14 =	spop (v2sf);
	s10 =	sadd.s32 s4, s30;
	s13 =	sand.u32 $0x1FFFFFF0, s31  }
0x213: {  	[tilespmem:s11], [sflag:$0x1] =	stream.linear.gather [hbm4b:s10+s1], $0x80, $0x38;
	[tilespmem:$0x10600] =	vst v63  }
0x214: {  	s17 =	sand.u32 $0x1FFFFFF0, s14;
	s7 =	sadd.s32 s4, s13;
	s26 =	spop (v2sf)  }
0x215: {  	[tilespmem:s6], [sflag:$0x1] =	stream.linear.gather [hbm4b:s7+s1], $0x80, $0x38;
	[tilespmem:$0x10600] =	vst v63  }
0x216: {  	s10 =	sadd.s32 s4, s17;
	s29 =	sand.u32 $0x1FFFFFF0, s26;
	s30 =	spop (v2sf)  }
0x217: {  	[tilespmem:s8], [sflag:$0x1] =	stream.linear.gather [hbm4b:s10+s1], $0x80, $0x38;
	[tilespmem:$0x10600] =	vst v63  }
0x218: {  	s7 =	sand.u32 $0x1FFFFFF0, s30;
	s6 =	sadd.s32 s4, s29;
	s31 =	spop (v2sf)  }
0x219: {  	[tilespmem:s5], [sflag:$0x1] =	stream.linear.gather [hbm4b:s6+s1], $0x80, $0x38;
	[tilespmem:$0x10600] =	vst v63  }
0x21a: {  	s7 =	sadd.s32 s4, s7;
	s8 =	sand.u32 $0x1FFFFFF0, s31;
	s10 =	spop (v2sf)  }
0x21b: {  	[tilespmem:s9], [sflag:$0x1] =	stream.linear.gather [hbm4b:s7+s1], $0x80, $0x38;
	[tilespmem:$0x10600] =	vst v63  }
0x21c: {  	s5 =	sadd.s32 s4, s8;
	s6 =	sand.u32 $0x1FFFFFF0, s10;
	s11 =	spop (v2sf)  }
0x21d: {  	[tilespmem:s16], [sflag:$0x1] =	stream.linear.gather [hbm4b:s5+s1], $0x80, $0x38;
	[tilespmem:$0x10600] =	vst v63  }
0x21e: {  	s12 =	sand.u32 $0x1FFFFFF0, s11;
	s6 =	sadd.s32 s4, s6;
	s13 =	spop (v2sf)  }
0x21f: {  	[tilespmem:s0], [sflag:$0x1] =	stream.linear.gather [hbm4b:s6+s1], $0x80, $0x38;
	[tilespmem:$0x10600] =	vst v63  }
0x220: {  	s14 =	sand.u32 $0x1FFFFFF0, s13;
	s16 =	spop (v2sf);
	s5 =	sadd.s32 s4, s12  }
0x221: {  	[tilespmem:s3], [sflag:$0x1] =	stream.linear.gather [hbm4b:s5+s1], $0x80, $0x38;
	[tilespmem:$0x10600] =	vst v63  }
0x222: {  	s26 =	sadd.s32 $0xD00, s25;
	s17 =	sand.u32 $0x1FFFFFF0, s16;
	s0 =	sadd.s32 s4, s14  }
0x223: {  	[tilespmem:s26], [sflag:$0x1] =	stream.linear.gather [hbm4b:s0+s1], $0x80, $0x38;
	[tilespmem:$0x10600] =	vst v63  }
0x224: {  	s29 =	sadd.s32 $0xD80, s25;
	s3 =	sadd.s32 s4, s17  }
0x225: {  	[tilespmem:s29], [sflag:$0x1] =	stream.linear.gather [hbm4b:s3+s1], $0x80, $0x38;
	[tilespmem:$0x10600] =	vst v63  }
0x226: {  	_ =	swait.ge [sflag:s18], $0x8000  }
0x227: {  	[sflag:s18] =	ssyncset.done $0x0  }
0x228: {  	s25 =	simm.s32 $0x0;
	s30 =	rddreg [dreg:$0xc];
	[sflag:s18] =	ssyncadd.s32 $0xFFFF8000  }
0x229: {  	[hbm4b:s30+s25] =	stream.linear.scatter [tilespmem:s19], [sflag:$0x3], $0x8000, $0x38;
	[tilespmem:$0x10600] =	vst v63  }
0x22a: {  	_ =	swait.ge [sflag:s23], $0x8000  }
0x22b: {  	[sflag:s23] =	ssyncset.done $0x0  }
0x22c: {  	s31 =	sand.u32 $0xF0, s25;
	[sflag:s23] =	ssyncadd.s32 $0xFFFF8000  }
0x22d: {  	v0 =	vld [tilespmem:s31+$0x500];
	_ =	sdelay $0x4  }
0x22e: {  	v0 =	vshll.u32 v0, $0x4  }
0x22f: {  	(v2sf) =	vpush v0, $0x0  }
0x230: {  	(v2sf) =	vpush v0, $0x2  }
0x231: {  	(v2sf) =	vpush v0, $0x1;
	_ =	sdelay $0x1  }
0x232: {  	(v2sf) =	vpush v0, $0x3  }
0x233: {  	(v2sf) =	vpush v0, $0x4;
	_ =	sdelay $0x2  }
0x234: {  	s28 =	simm.s32 $0x10;
	s26 =	simm.s32 $0x2000  }
.LBB2_12:
0x235: {  	p0 =	sne.s32 s26, $0x1E000;
	(v2sf) =	vpush v0, $0x5;
	s0 =	smov.u32 s26;
	s26 =	sadd.s32 $0x2000, s26  }
0x236: {  	s29 =	sshra.s32 s25, $0x2;
	s25 =	smov.u32 s0  }
0x237: {  	s6 =	sadd.s32 $0x8680, s29;
	(v2sf) =	vpush v0, $0x6  }
0x238: {  	s7 =	sadd.s32 $0x8600, s29  }
0x239: {  	s31 =	sadd.s32 $0x8B80, s29;
	s0 =	sadd.s32 $0x8C00, s29;
	s30 =	sadd.s32 $0x8C80, s29;
	(v2sf) =	vpush v0, $0x7  }
0x23a: {  	s17 =	sadd.s32 $0x8A00, s29;
	s16 =	sadd.s32 $0x8A80, s29;
	s3 =	sadd.s32 $0x8B00, s29  }
0x23b: {  	s8 =	sadd.s32 $0x8900, s29;
	s5 =	sadd.s32 $0x8980, s29;
	s9 =	spop (v2sf);
	(v2sf) =	vpush v0, $0x8  }
0x23c: {  	s10 =	sadd.s32 $0x8700, s29;
	s9 =	sand.u32 $0x1FFFFFF0, s9;
	s11 =	spop (v2sf)  }
0x23d: {  	s12 =	sadd.s32 $0x8880, s29;
	s9 =	sadd.s32 s4, s9;
	s13 =	spop (v2sf);
	(v2sf) =	vpush v0, $0x9  }
0x23e: {  	[tilespmem:s7], [sflag:$0x2] =	stream.linear.gather [hbm4b:s9+s1], $0x80, $0x38;
	[tilespmem:$0x10600] =	vst v63  }
0x23f: {  	s7 =	sand.u32 $0x1FFFFFF0, s13;
	s9 =	sand.u32 $0x1FFFFFF0, s11;
	s11 =	spop (v2sf);
	(v2sf) =	vpush v0, $0xA  }
0x240: {  	s13 =	sadd.s32 $0x8800, s29;
	s7 =	sadd.s32 s4, s7;
	s14 =	spop (v2sf)  }
0x241: {  	[tilespmem:s6], [sflag:$0x2] =	stream.linear.gather [hbm4b:s7+s1], $0x80, $0x38;
	(v2sf) =	vpush v0, $0xB;
	[tilespmem:$0x10600] =	vst v63  }
0x242: {  	s6 =	sadd.s32 s4, s9;
	s7 =	sand.u32 $0x1FFFFFF0, s11;
	s9 =	sand.u32 $0x1FFFFFF0, s14  }
0x243: {  	[tilespmem:s10], [sflag:$0x2] =	stream.linear.gather [hbm4b:s6+s1], $0x80, $0x38;
	(v2sf) =	vpush v0, $0xC;
	[tilespmem:$0x10600] =	vst v63  }
0x244: {  	s7 =	sadd.s32 s4, s7;
	s6 =	sadd.s32 $0x8780, s29;
	s10 =	spop (v2sf)  }
0x245: {  	[tilespmem:s6], [sflag:$0x2] =	stream.linear.gather [hbm4b:s7+s1], $0x80, $0x38;
	(v2sf) =	vpush v0, $0xD;
	[tilespmem:$0x10600] =	vst v63  }
0x246: {  	s6 =	sadd.s32 s4, s9;
	s7 =	sand.u32 $0x1FFFFFF0, s10;
	s9 =	spop (v2sf)  }
0x247: {  	[tilespmem:s13], [sflag:$0x2] =	stream.linear.gather [hbm4b:s6+s1], $0x80, $0x38;
	(v2sf) =	vpush v0, $0xE;
	[tilespmem:$0x10600] =	vst v63  }
0x248: {  	s6 =	sadd.s32 s4, s7;
	s7 =	sand.u32 $0x1FFFFFF0, s9;
	s9 =	spop (v2sf)  }
0x249: {  	[tilespmem:s12], [sflag:$0x2] =	stream.linear.gather [hbm4b:s6+s1], $0x80, $0x38;
	(v2sf) =	vpush v0, $0xF;
	[tilespmem:$0x10600] =	vst v63  }
0x24a: {  	s6 =	sadd.s32 s4, s7;
	s7 =	sand.u32 $0x1FFFFFF0, s9;
	s9 =	spop (v2sf)  }
0x24b: {  	[tilespmem:s8], [sflag:$0x2] =	stream.linear.gather [hbm4b:s6+s1], $0x80, $0x38;
	[tilespmem:$0x10600] =	vst v63  }
0x24c: {  	s6 =	sadd.s32 s4, s7;
	s7 =	sand.u32 $0x1FFFFFF0, s9;
	s8 =	spop (v2sf)  }
0x24d: {  	[tilespmem:s5], [sflag:$0x2] =	stream.linear.gather [hbm4b:s6+s1], $0x80, $0x38;
	[tilespmem:$0x10600] =	vst v63  }
0x24e: {  	s5 =	sadd.s32 s4, s7;
	s6 =	sand.u32 $0x1FFFFFF0, s8;
	s7 =	spop (v2sf)  }
0x24f: {  	[tilespmem:s17], [sflag:$0x2] =	stream.linear.gather [hbm4b:s5+s1], $0x80, $0x38;
	[tilespmem:$0x10600] =	vst v63  }
0x250: {  	s5 =	sadd.s32 s4, s6;
	s6 =	sand.u32 $0x1FFFFFF0, s7;
	s7 =	spop (v2sf)  }
0x251: {  	[tilespmem:s16], [sflag:$0x2] =	stream.linear.gather [hbm4b:s5+s1], $0x80, $0x38;
	[tilespmem:$0x10600] =	vst v63  }
0x252: {  	s5 =	sadd.s32 s4, s6;
	s6 =	sand.u32 $0x1FFFFFF0, s7;
	s7 =	spop (v2sf)  }
0x253: {  	[tilespmem:s3], [sflag:$0x2] =	stream.linear.gather [hbm4b:s5+s1], $0x80, $0x38;
	[tilespmem:$0x10600] =	vst v63  }
0x254: {  	s3 =	sadd.s32 s4, s6;
	s5 =	sand.u32 $0x1FFFFFF0, s7;
	s6 =	spop (v2sf)  }
0x255: {  	[tilespmem:s31], [sflag:$0x2] =	stream.linear.gather [hbm4b:s3+s1], $0x80, $0x38;
	[tilespmem:$0x10600] =	vst v63  }
0x256: {  	s3 =	sadd.s32 s4, s5;
	s5 =	sand.u32 $0x1FFFFFF0, s6;
	s6 =	spop (v2sf)  }
0x257: {  	[tilespmem:s0], [sflag:$0x2] =	stream.linear.gather [hbm4b:s3+s1], $0x80, $0x38;
	[tilespmem:$0x10600] =	vst v63  }
0x258: {  	s0 =	sadd.s32 s4, s5;
	s3 =	sand.u32 $0x1FFFFFF0, s6;
	s5 =	spop (v2sf)  }
0x259: {  	[tilespmem:s30], [sflag:$0x2] =	stream.linear.gather [hbm4b:s0+s1], $0x80, $0x38;
	[tilespmem:$0x10600] =	vst v63  }
0x25a: {  	s3 =	sadd.s32 s4, s3;
	s0 =	sadd.s32 $0x8D00, s29;
	s5 =	sand.u32 $0x1FFFFFF0, s5  }
0x25b: {  	[tilespmem:s0], [sflag:$0x2] =	stream.linear.gather [hbm4b:s3+s1], $0x80, $0x38;
	[tilespmem:$0x10600] =	vst v63  }
0x25c: {  	s5 =	sadd.s32 s4, s5;
	s0 =	sand.u32 $0xF0, s28;
	s3 =	sadd.s32 $0x8D80, s29  }
0x25d: {  	[tilespmem:s3], [sflag:$0x2] =	stream.linear.gather [hbm4b:s5+s1], $0x80, $0x38;
	[tilespmem:$0x10600] =	vst v63  }
0x25e: {  	v0 =	vld [tilespmem:s0+$0x500];
	_ =	sdelay $0x4  }
0x25f: {  	v0 =	vshll.u32 v0, $0x4  }
0x260: {  	(v2sf) =	vpush v0, $0x0  }
0x261: {  	(v2sf) =	vpush v0, $0x2  }
0x262: {  	(v2sf) =	vpush v0, $0x1;
	_ =	sdelay $0x1  }
.Ltmp5:
0x263: {  	(v2sf) =	vpush v0, $0x3;
	(pc) =	sbr.rel @p0 .LBB2_12-.Ltmp5, $2  }
0x264: {  	(v2sf) =	vpush v0, $0x4;
	_ =	sdelay $0x2  }
0x265: {  	s28 =	sadd.s32 $0x10, s28  }
0x266: {  	(v2sf) =	vpush v0, $0x5;
	_ =	sdelay $0x1  }
0x267: {  	s0 =	sshra.s32 s25, $0x2;
	(v2sf) =	vpush v0, $0x6  }
0x268: {  	s6 =	sadd.s32 $0x8680, s0;
	s7 =	sadd.s32 $0x8600, s0  }
0x269: {  	s5 =	sadd.s32 $0x8B80, s0;
	s16 =	sadd.s32 $0x8C00, s0;
	s3 =	sadd.s32 $0x8C80, s0;
	(v2sf) =	vpush v0, $0x7  }
0x26a: {  	s8 =	sadd.s32 $0x8A00, s0;
	s9 =	sadd.s32 $0x8A80, s0;
	s10 =	sadd.s32 $0x8B00, s0  }
0x26b: {  	s11 =	sadd.s32 $0x8900, s0;
	s12 =	sadd.s32 $0x8980, s0;
	s13 =	spop (v2sf);
	(v2sf) =	vpush v0, $0x8  }
0x26c: {  	s14 =	sadd.s32 $0x8700, s0;
	s13 =	sand.u32 $0x1FFFFFF0, s13;
	s17 =	spop (v2sf)  }
0x26d: {  	s25 =	sadd.s32 $0x8880, s0;
	s13 =	sadd.s32 s4, s13;
	s26 =	spop (v2sf);
	(v2sf) =	vpush v0, $0x9  }
0x26e: {  	[tilespmem:s7], [sflag:$0x2] =	stream.linear.gather [hbm4b:s13+s1], $0x80, $0x38;
	[tilespmem:$0x10600] =	vst v63  }
0x26f: {  	s30 =	sand.u32 $0x1FFFFFF0, s17;
	s29 =	sand.u32 $0x1FFFFFF0, s26;
	s31 =	spop (v2sf);
	(v2sf) =	vpush v0, $0xA  }
0x270: {  	s17 =	sadd.s32 $0x8780, s0;
	s7 =	sadd.s32 s4, s29;
	s28 =	spop (v2sf)  }
0x271: {  	[tilespmem:s6], [sflag:$0x2] =	stream.linear.gather [hbm4b:s7+s1], $0x80, $0x38;
	(v2sf) =	vpush v0, $0xB;
	[tilespmem:$0x10600] =	vst v63  }
0x272: {  	s26 =	sadd.s32 $0x8800, s0;
	s29 =	sadd.s32 s4, s30;
	s30 =	sand.u32 $0x1FFFFFF0, s31  }
0x273: {  	(v2sf) =	vpush v0, $0xC;
	[tilespmem:s14], [sflag:$0x2] =	stream.linear.gather [hbm4b:s29+s1], $0x80, $0x38;
	[tilespmem:$0x10600] =	vst v63  }
0x274: {  	s31 =	sand.u32 $0x1FFFFFF0, s28;
	s7 =	sadd.s32 s4, s30;
	s28 =	spop (v2sf)  }
0x275: {  	[tilespmem:s17], [sflag:$0x2] =	stream.linear.gather [hbm4b:s7+s1], $0x80, $0x38;
	(v2sf) =	vpush v0, $0xD;
	[tilespmem:$0x10600] =	vst v63  }
0x276: {  	s29 =	sadd.s32 s4, s31;
	s30 =	sand.u32 $0x1FFFFFF0, s28;
	s31 =	spop (v2sf)  }
0x277: {  	(v2sf) =	vpush v0, $0xE;
	[tilespmem:s26], [sflag:$0x2] =	stream.linear.gather [hbm4b:s29+s1], $0x80, $0x38;
	[tilespmem:$0x10600] =	vst v63  }
0x278: {  	s7 =	sadd.s32 s4, s30;
	s14 =	sand.u32 $0x1FFFFFF0, s31;
	s17 =	spop (v2sf)  }
0x279: {  	(v2sf) =	vpush v0, $0xF;
	[tilespmem:s25], [sflag:$0x2] =	stream.linear.gather [hbm4b:s7+s1], $0x80, $0x38;
	[tilespmem:$0x10600] =	vst v63  }
0x27a: {  	s26 =	sand.u32 $0x1FFFFFF0, s17;
	s25 =	sadd.s32 s4, s14;
	s28 =	spop (v2sf)  }
0x27b: {  	[tilespmem:s11], [sflag:$0x2] =	stream.linear.gather [hbm4b:s25+s1], $0x80, $0x38;
	[tilespmem:$0x10600] =	vst v63  }
0x27c: {  	s29 =	sadd.s32 s4, s26;
	s30 =	sand.u32 $0x1FFFFFF0, s28;
	s31 =	spop (v2sf)  }
0x27d: {  	[tilespmem:s12], [sflag:$0x2] =	stream.linear.gather [hbm4b:s29+s1], $0x80, $0x38;
	[tilespmem:$0x10600] =	vst v63  }
0x27e: {  	s13 =	sadd.s32 s4, s30;
	s14 =	sand.u32 $0x1FFFFFF0, s31;
	s17 =	spop (v2sf)  }
0x27f: {  	[tilespmem:s8], [sflag:$0x2] =	stream.linear.gather [hbm4b:s13+s1], $0x80, $0x38;
	[tilespmem:$0x10600] =	vst v63  }
0x280: {  	s25 =	sadd.s32 s4, s14;
	s26 =	sand.u32 $0x1FFFFFF0, s17;
	s28 =	spop (v2sf)  }
0x281: {  	[tilespmem:s9], [sflag:$0x2] =	stream.linear.gather [hbm4b:s25+s1], $0x80, $0x38;
	[tilespmem:$0x10600] =	vst v63  }
0x282: {  	s29 =	sadd.s32 s4, s26;
	s30 =	sand.u32 $0x1FFFFFF0, s28;
	s31 =	spop (v2sf)  }
0x283: {  	[tilespmem:s10], [sflag:$0x2] =	stream.linear.gather [hbm4b:s29+s1], $0x80, $0x38;
	[tilespmem:$0x10600] =	vst v63  }
0x284: {  	s7 =	sadd.s32 s4, s30;
	s9 =	sand.u32 $0x1FFFFFF0, s31;
	s10 =	spop (v2sf)  }
0x285: {  	[tilespmem:s5], [sflag:$0x2] =	stream.linear.gather [hbm4b:s7+s1], $0x80, $0x38;
	[tilespmem:$0x10600] =	vst v63  }
0x286: {  	s11 =	sadd.s32 s4, s9;
	s12 =	sand.u32 $0x1FFFFFF0, s10;
	s13 =	spop (v2sf)  }
0x287: {  	[tilespmem:s16], [sflag:$0x2] =	stream.linear.gather [hbm4b:s11+s1], $0x80, $0x38;
	[tilespmem:$0x10600] =	vst v63  }
0x288: {  	s14 =	sadd.s32 s4, s12;
	s17 =	spop (v2sf);
	s16 =	sand.u32 $0x1FFFFFF0, s13  }
0x289: {  	[tilespmem:s3], [sflag:$0x2] =	stream.linear.gather [hbm4b:s14+s1], $0x80, $0x38;
	[tilespmem:$0x10600] =	vst v63  }
0x28a: {  	s25 =	sadd.s32 $0x8D00, s0;
	s28 =	sand.u32 $0x1FFFFFF0, s17;
	s26 =	sadd.s32 s4, s16  }
0x28b: {  	[tilespmem:s25], [sflag:$0x2] =	stream.linear.gather [hbm4b:s26+s1], $0x80, $0x38;
	[tilespmem:$0x10600] =	vst v63  }
0x28c: {  	s0 =	sadd.s32 $0x8D80, s0;
	s29 =	sadd.s32 s4, s28  }
0x28d: {  	[tilespmem:s0], [sflag:$0x2] =	stream.linear.gather [hbm4b:s29+s1], $0x80, $0x38;
	[tilespmem:$0x10600] =	vst v63  }
0x28e: {  	_ =	swait.ge [sflag:s20], $0x8000  }
0x28f: {  	[sflag:s20] =	ssyncset.done $0x0  }
0x290: {  	s30 =	rddreg [dreg:$0xd];
	[sflag:s20] =	ssyncadd.s32 $0xFFFF8000  }
0x291: {  	[hbm4b:s30+s1] =	stream.linear.scatter [tilespmem:s21], [sflag:$0x4], $0x8000, $0x38;
	[tilespmem:$0x10600] =	vst v63  }
0x292: {  	_ =	swait.ge [sflag:s22], $0x8000  }
0x293: {  	[sflag:s22] =	ssyncset.done $0x0  }
0x294: {  	[sflag:s22] =	ssyncadd.s32 $0xFFFF8000  }
0x295: {  	_ =	swait.ge [sflag:s23], $0x8000  }
0x296: {  	s24 =	sadd.s32 $0x1, s24;
	s31 =	rddreg [dreg:$0xe]  }
0x297: {  	p0 =	sne.s32 s24, s31  }
.Ltmp6:
0x298: {  	_ = 	snop;
	(pc) =	sbr.rel @p0 .LBB2_1-.Ltmp6, $3  }
0x299: {  	_ =	sdelay $0x1  }
0x29a: {  	[sflag:s23] =	ssyncset.done $0x0  }
0x29b: {  	[sflag:s23] =	ssyncadd.s32 $0xFFFF8000  }
0x29c: {  	_ =	sfence.sel $0x180000  }
0x29d: {  	[bflag:$0x0] =	sbarrier.arrive $0xFFFF  }
0x29e: {  	_ =	strace $0x90000047  }
0x29f: {  	s0 =	stileid.u32;
	[bflag:$0x2] =	sbarrier.arrive $0xFFFF  }
0x2a0: {  	p0 =	sne.s32 s0, $0x0;
	s0 =	rddreg [dreg:$0x4]  }
0x2a1: {  	s0 =	sadd.s32 @!p0 $0x100000, s0  }
0x2a2: {  	[sflag:s0] =	ssyncadd.tile.s32 @!p0 $0x1;
	_ =	shalt  }
.Lfunc_end2:
_tile_overlayer_lowered:
.L_overlay_start_2:
0x2a3: {  	(tag) =	ssettag $0x2  }
0x2a4: {  	s0 =	rddreg [dreg:$0x0];
	s2 =	stileid.u32  }
0x2a5: {  	s1 =	rddreg [dreg:$0x1];
	p0 =	sne.s32 s2, $0x0  }
0x2a6: {  	s3 =	rddreg [dreg:$0x2];
	[bflag:$0x3] =	sbarrier.arrive $0xFFFF;
	s2 =	simm.s32 @!p0 $0x1C05  }
0x2a7: {  	[timem:s3], [sflag:s2] =	dma.local @!p0 [hbm:s0], s1  }
0x2a8: {  	s0 =	simm.s32 @!p0 $0x5  }
0x2a9: {  	_ =	swait.ge @!p0 [sflag:s0], s1  }
0x2aa: {  	s1 =	ssub.s32 @!p0 $0x0, s1;
	[sflag:s0] =	ssyncset.done @!p0 $0x0  }
0x2ab: {  	[sflag:s0] =	ssyncadd.s32 @!p0 s1  }
0x2ac: {  	[bflag:$0x3] =	sbarrier.arrive $0xFFFF  }
0x2ad: {  	_ =	shalt  }

</sc_bundles>
